<compile_context>
chip_gen: v7x
topology: tpu7x:2x2x1
jax: 0.10.2.dev20260603
libtpu: 0.0.44.dev20260713+nightly
codegen_flags: <defaults>
</compile_context>

<pallas_src>
import jax
import jax.numpy as jnp
from jax import lax
from jax.experimental import pallas as pl
from jax.experimental.pallas import tpu as pltpu
from jax.experimental.pallas import tpu_sc as plsc

N = 10000
E = 320000
F_IN = 128
HID = 128
C = 16
K_PROP = 10
ALPHA = 0.1

NS = 16
CH = 128
CPT = 160
EPT = CPT * CH
NP = 10240
ROWS = NP // NS


def _mlp_body(x_ref, w1_ref, b1_ref, w2_ref, b2_ref, z_ref):
    h = jnp.dot(x_ref[:], w1_ref[:], preferred_element_type=jnp.float32)
    h = jnp.maximum(h + b1_ref[:], 0.0)
    z = jnp.dot(h, w2_ref[:], preferred_element_type=jnp.float32)
    z_ref[:] = z + b2_ref[:]


def _mlp(x, W1, b1, W2, b2):
    return pl.pallas_call(
        _mlp_body,
        out_shape=jax.ShapeDtypeStruct((N, C), jnp.float32),
    )(x, W1, b1.reshape(1, HID), W2, b2.reshape(1, C))


def _final_body(o_ref, ls_ref, sm_ref):
    o = o_ref[:]
    m1 = jnp.max(o, axis=1, keepdims=True)
    e1 = jnp.exp(o - m1)
    ls_ref[:] = (o - m1) - jnp.log(jnp.sum(e1, axis=1, keepdims=True))
    m0 = jnp.max(o, axis=0, keepdims=True)
    e0 = jnp.exp(o - m0)
    sm_ref[:] = e0 / jnp.sum(e0, axis=0, keepdims=True)


def _finalize(out):
    return pl.pallas_call(
        _final_body,
        out_shape=(
            jax.ShapeDtypeStruct((N, C), jnp.float32),
            jax.ShapeDtypeStruct((N, C), jnp.float32),
        ),
    )(out)



def _deg_body(dst_hbm, deg_hbm, s_sh, dst_t, zero_t, ones_t,
              t0, t1, t2, t3, t4, t5, t6, t7):
    sems = (t0, t1, t2, t3, t4, t5, t6, t7)
    tid = lax.axis_index("s")
    row0 = tid * ROWS

    pltpu.sync_copy(dst_hbm.at[tid], dst_t)

    zeros16 = jnp.zeros((16,), jnp.float32)
    ones16 = jnp.ones((16,), jnp.float32)

    def _memset_zero(i, _):
        zero_t[i, :] = zeros16
        return 0
    lax.fori_loop(0, ROWS // 4, _memset_zero, 0)

    def _memset_one(i, _):
        ones_t[i, :] = ones16
        return 0
    lax.fori_loop(0, CH, _memset_one, 0)

    for q in range(4):
        pltpu.sync_copy(zero_t, s_sh.at[pl.ds(row0 + q * (ROWS // 4),
                                              ROWS // 4)])
    plsc.subcore_barrier()

    def _dgrp(g, _c):
        j0 = NBUF * g
        for r in range(NBUF):
            @pl.when(j0 >= NBUF)
            def _(r=r):
                pltpu.make_async_copy(ones_t, s_sh.at[dst_t.at[0]],
                                      sems[r]).wait()
            pltpu.async_copy(ones_t, s_sh.at[dst_t.at[j0 + r]], sems[r],
                             add=True)
        return 0
    lax.fori_loop(0, CPT // NBUF, _dgrp, 0)
    for r in range(NBUF):
        pltpu.make_async_copy(ones_t, s_sh.at[dst_t.at[0]], sems[r]).wait()

    plsc.subcore_barrier()
    pltpu.sync_copy(s_sh.at[pl.ds(row0, ROWS)],
                    deg_hbm.at[pl.ds(row0, ROWS)])


def _degrees(dst_p):
    mesh = plsc.VectorSubcoreMesh(
        core_axis_name="c", subcore_axis_name="s", num_cores=1)
    f = pl.kernel(
        _deg_body,
        out_type=(jax.ShapeDtypeStruct((NP, C), jnp.float32),),
        mesh=mesh,
        compiler_params=pltpu.CompilerParams(use_tc_tiling_on_sc=False),
        scratch_types=(
            pltpu.VMEM_SHARED((NP, C), jnp.float32),
            pltpu.VMEM((CPT, CH), jnp.int32),
            pltpu.VMEM((ROWS // 4, C), jnp.float32),
            pltpu.VMEM((CH, C), jnp.float32),
        ) + tuple(pltpu.SemaphoreType.DMA for _ in range(8)),
    )
    (deg16,) = f(dst_p)
    return deg16


NBUF = 8


def _sc_body(z_hbm, src_hbm, dst_hbm, deg_hbm,
             out_hbm,
             s_sh, u_sh,
             src_t, dst_t,
             m0, m1, m2, m3, m4, m5, m6, m7,
             a_t, c_t, u_t, s_t,
             zero_t,
             g0, g1, g2, g3, g4, g5, g6, g7,
             t0, t1, t2, t3, t4, t5, t6, t7):
    msgs = (m0, m1, m2, m3, m4, m5, m6, m7)
    semg = (g0, g1, g2, g3, g4, g5, g6, g7)
    sems = (t0, t1, t2, t3, t4, t5, t6, t7)
    tid = lax.axis_index("s")
    row0 = tid * ROWS

    pltpu.sync_copy(src_hbm.at[tid], src_t)
    pltpu.sync_copy(dst_hbm.at[tid], dst_t)
    pltpu.sync_copy(z_hbm.at[pl.ds(row0, ROWS)], u_t)

    zeros16 = jnp.zeros((16,), jnp.float32)

    def _memset_zero(i, _):
        zero_t[i, :] = zeros16
        return 0
    lax.fori_loop(0, ROWS // 4, _memset_zero, 0)

    for q in range(4):
        pltpu.sync_copy(zero_t, s_sh.at[pl.ds(row0 + q * (ROWS // 4),
                                              ROWS // 4)])

    pltpu.sync_copy(deg_hbm.at[pl.ds(row0, ROWS)], s_t)

    def _coef(i, _):
        deg = s_t[i, :] + 1.0
        bits = lax.bitcast_convert_type(deg, jnp.int32)
        bits = jnp.int32(0x5F3759DF) - lax.shift_right_logical(bits, 1)
        y = lax.bitcast_convert_type(bits, jnp.float32)
        y = y * (1.5 - 0.5 * deg * y * y)
        y = y * (1.5 - 0.5 * deg * y * y)
        y = y * (1.5 - 0.5 * deg * y * y)
        zrow = u_t[i, :]
        a_t[i, :] = 0.9 * y * y
        c_t[i, :] = 0.1 * y * zrow
        u_t[i, :] = y * zrow
        return 0
    lax.fori_loop(0, ROWS, _coef, 0)

    pltpu.sync_copy(u_t, u_sh.at[pl.ds(row0, ROWS)])
    plsc.subcore_barrier()

    def _step(k, _):
        for r in range(NBUF):
            pltpu.async_copy(u_sh.at[src_t.at[r]], msgs[r], semg[r])

        def _grp(g, _c):
            j0 = NBUF * g
            for r in range(NBUF):
                j = j0 + r
                pltpu.make_async_copy(u_sh.at[src_t.at[0]], msgs[r],
                                      semg[r]).wait()
                pltpu.async_copy(msgs[r], s_sh.at[dst_t.at[j]], sems[r],
                                 add=True)
                rp = (r + NBUF - 1) % NBUF
                jp = j - 1

                @pl.when((jp >= 0) & (jp + NBUF < CPT))
                def _(rp=rp, jp=jp):
                    pltpu.make_async_copy(msgs[rp], s_sh.at[dst_t.at[0]],
                                          sems[rp]).wait()
                    pltpu.async_copy(u_sh.at[src_t.at[jp + NBUF]], msgs[rp],
                                     semg[rp])
            return 0
        lax.fori_loop(0, CPT // NBUF, _grp, 0)
        for r in range(NBUF):
            pltpu.make_async_copy(msgs[r], s_sh.at[dst_t.at[0]],
                                  sems[r]).wait()

        plsc.subcore_barrier()

        pltpu.sync_copy(s_sh.at[pl.ds(row0, ROWS)], s_t)

        def _upd(q, _u):
            i = 4 * q
            u_t[i, :] = a_t[i, :] * (s_t[i, :] + u_t[i, :]) + c_t[i, :]
            u_t[i + 1, :] = (a_t[i + 1, :] * (s_t[i + 1, :] + u_t[i + 1, :])
                             + c_t[i + 1, :])
            u_t[i + 2, :] = (a_t[i + 2, :] * (s_t[i + 2, :] + u_t[i + 2, :])
                             + c_t[i + 2, :])
            u_t[i + 3, :] = (a_t[i + 3, :] * (s_t[i + 3, :] + u_t[i + 3, :])
                             + c_t[i + 3, :])
            return 0
        lax.fori_loop(0, ROWS // 4, _upd, 0)

        for q in range(4):
            pltpu.sync_copy(zero_t, s_sh.at[pl.ds(row0 + q * (ROWS // 4),
                                                  ROWS // 4)])
        pltpu.sync_copy(u_t, u_sh.at[pl.ds(row0, ROWS)])
        plsc.subcore_barrier()
        return 0
    lax.fori_loop(0, K_PROP, _step, 0)

    def _fin(i, _):
        deg = 0.9 / a_t[i, :]
        bits = lax.bitcast_convert_type(deg, jnp.int32)
        bits = jnp.int32(0x5F3759DF) - lax.shift_right_logical(bits, 1)
        y = lax.bitcast_convert_type(bits, jnp.float32)
        y = y * (1.5 - 0.5 * deg * y * y)
        y = y * (1.5 - 0.5 * deg * y * y)
        y = y * (1.5 - 0.5 * deg * y * y)
        s_t[i, :] = u_t[i, :] * deg * y
        return 0
    lax.fori_loop(0, ROWS, _fin, 0)
    pltpu.sync_copy(s_t, out_hbm.at[pl.ds(row0, ROWS)])


def _propagate(z, src_p, dst_p, deg16):
    mesh = plsc.VectorSubcoreMesh(
        core_axis_name="c", subcore_axis_name="s", num_cores=1)
    f = pl.kernel(
        _sc_body,
        out_type=(jax.ShapeDtypeStruct((NP, C), jnp.float32),),
        mesh=mesh,
        compiler_params=pltpu.CompilerParams(use_tc_tiling_on_sc=False),
        scratch_types=(
            pltpu.VMEM_SHARED((NP, C), jnp.float32),
            pltpu.VMEM_SHARED((NP, C), jnp.float32),
            pltpu.VMEM((CPT, CH), jnp.int32),
            pltpu.VMEM((CPT, CH), jnp.int32),
            pltpu.VMEM((CH, C), jnp.float32),
            pltpu.VMEM((CH, C), jnp.float32),
            pltpu.VMEM((CH, C), jnp.float32),
            pltpu.VMEM((CH, C), jnp.float32),
            pltpu.VMEM((CH, C), jnp.float32),
            pltpu.VMEM((CH, C), jnp.float32),
            pltpu.VMEM((CH, C), jnp.float32),
            pltpu.VMEM((CH, C), jnp.float32),
            pltpu.VMEM((ROWS, C), jnp.float32),
            pltpu.VMEM((ROWS, C), jnp.float32),
            pltpu.VMEM((ROWS, C), jnp.float32),
            pltpu.VMEM((ROWS, C), jnp.float32),
            pltpu.VMEM((ROWS // 4, C), jnp.float32),
        ) + tuple(pltpu.SemaphoreType.DMA for _ in range(16)),
    )
    (out,) = f(z, src_p, dst_p, deg16)
    return out[:N]


def kernel(x, edge_index, W1, b1, W2, b2):
    z = _mlp(x, W1, b1, W2, b2)
    z_p = jnp.concatenate([z, jnp.zeros((NP - N, C), jnp.float32)])

    src = edge_index[0]
    dst = edge_index[1]
    pad = NS * EPT - E
    padv = jnp.full((pad,), N, dtype=jnp.int32)
    src_p = jnp.concatenate([src, padv]).reshape(NS, CPT, CH)
    dst_p = jnp.concatenate([dst, padv]).reshape(NS, CPT, CH)

    deg16 = _degrees(dst_p)
    out = _propagate(z_p, src_p, dst_p, deg16)
    ls, sm = _finalize(out)
    return (ls, out, sm)

# --- scband reference (transcript-rebuilt; emitter-appended) ---
"""Pipeline reference for scband-app-47888885350562 (READ-ONLY COPY).

The authoritative reference and input builder live on the scoring server;
editing this copy changes nothing except your own understanding.
"""

import jax, jax.numpy as jnp
import numpy as np

N = 10000
E = 320000
F_IN = 128
HID = 128
C = 16
K_PROP = 10
ALPHA = 0.1


def setup_inputs(seed: int = 0) -> dict:
    key = jax.random.key(seed)
    k1, k2, k3, k4 = jax.random.split(key, 4)
    x = jax.random.normal(k1, (N, F_IN), dtype=jnp.float32)
    edge_index = jax.random.randint(k2, (2, E), 0, N, dtype=jnp.int32)
    # learned parameters (nn.Linear weights stored as (in, out) for x @ W + b)
    W1 = jax.random.normal(k3, (F_IN, HID), dtype=jnp.float32) * (1.0 / np.sqrt(F_IN))
    b1 = jnp.zeros((HID,), dtype=jnp.float32)
    W2 = jax.random.normal(k4, (HID, C), dtype=jnp.float32) * (1.0 / np.sqrt(HID))
    b2 = jnp.zeros((C,), dtype=jnp.float32)
    return {"x": x, "edge_index": edge_index, "W1": W1, "b1": b1, "W2": W2, "b2": b2}


def reference(x, edge_index, W1, b1, W2, b2):
    # dropout is identity in eval mode
    h = jnp.maximum(x @ W1 + b1, 0.0)  # lin1 + relu
    z = h @ W2 + b2                    # lin2

    # APPNP(K=10, alpha=0.1) propagation with GCN normalization + self loops
    src = edge_index[0]
    dst = edge_index[1]
    loop = jnp.arange(N, dtype=src.dtype)
    src = jnp.concatenate([src, loop])
    dst = jnp.concatenate([dst, loop])
    ones = jnp.ones(src.shape[0], dtype=jnp.float32)
    deg = jax.ops.segment_sum(ones, dst, num_segments=N)
    dinv = jnp.where(deg > 0, 1.0 / jnp.sqrt(deg), 0.0)
    norm = dinv[src] * dinv[dst]

    out = z
    for _ in range(K_PROP):
        msg = out[src] * norm[:, None]           # gather
        agg = jax.ops.segment_sum(msg, dst, num_segments=N)  # scatter-add
        out = (1.0 - ALPHA) * agg + ALPHA * z

    return (jax.nn.log_softmax(out, axis=1), out, jax.nn.softmax(out, axis=0))

if __name__ == "__main__":
    import jax
    _d = setup_inputs()
    print(jax.jit(kernel)(*tuple(_d.values())))

</pallas_src>

<mosaic_0001>
#map = affine_map<(d0, d1) -> (0, 0, 0)>
#map1 = affine_map<(d0, d1) -> (0, 0)>
module attributes {stable_mosaic.version = 14 : i64} {
  func.func @_deg_body(%arg0: i32, %arg1: i32, %arg2: memref<16x160x128xi32, #tpu.memory_space<hbm>>, %arg3: memref<10240x16xf32, #tpu.memory_space<hbm>>, %arg4: memref<10240x16xf32, #tpu.memory_space<vmem_shared>>, %arg5: memref<160x128xi32, #tpu.memory_space<vmem>>, %arg6: memref<160x16xf32, #tpu.memory_space<vmem>>, %arg7: memref<128x16xf32, #tpu.memory_space<vmem>>, %arg8: memref<!tpu.dma_semaphore, #tpu.memory_space<semaphore_mem>>, %arg9: memref<!tpu.dma_semaphore, #tpu.memory_space<semaphore_mem>>, %arg10: memref<!tpu.dma_semaphore, #tpu.memory_space<semaphore_mem>>, %arg11: memref<!tpu.dma_semaphore, #tpu.memory_space<semaphore_mem>>, %arg12: memref<!tpu.dma_semaphore, #tpu.memory_space<semaphore_mem>>, %arg13: memref<!tpu.dma_semaphore, #tpu.memory_space<semaphore_mem>>, %arg14: memref<!tpu.dma_semaphore, #tpu.memory_space<semaphore_mem>>, %arg15: memref<!tpu.dma_semaphore, #tpu.memory_space<semaphore_mem>>) attributes {dimension_semantics = [#tpu.dimension_semantics<core_parallel>, #tpu.dimension_semantics<subcore_parallel>], iteration_bounds = array<i64: 1, 16>, scalar_prefetch = 0 : i64, scratch_operands = 12 : i64, tpu.core_type = #tpu.core_type<sc_vector_subcore>, window_params = [{transform_indices = #map}, {transform_indices = #map1}]} {
    %mul3A = arith.constant 640 : i32
    %mul3A_0 = arith.muli %arg1, %mul3A : i32
    "tpu.region"() ({
      %run_scoped3A = tpu.sem_alloc : memref<!tpu.dma_semaphore, #tpu.memory_space<semaphore_mem>>
      %dma_start3A = arith.constant 0 : i32
      %dma_start3A_87 = arith.constant 0 : i32
      %dma_start3A_88 = tpu.memref_slice %arg2[%arg1, %dma_start3A, %dma_start3A_87] : memref<16x160x128xi32, #tpu.memory_space<hbm>> -> memref<1x160x128xi32, #tpu.memory_space<hbm>>
      %dma_start3A_89 = tpu.memref_squeeze %dma_start3A_88 : memref<1x160x128xi32, #tpu.memory_space<hbm>> -> memref<160x128xi32, #tpu.memory_space<hbm>>
      %dma_start3A_90 = arith.constant 0 : i32
      %dma_start3A_91 = arith.constant 0 : i32
      %dma_start3A_92 = tpu.memref_slice %arg2[%arg1, %dma_start3A_90, %dma_start3A_91] : memref<16x160x128xi32, #tpu.memory_space<hbm>> -> memref<1x160x128xi32, #tpu.memory_space<hbm>>
      %dma_start3A_93 = tpu.memref_squeeze %dma_start3A_92 : memref<1x160x128xi32, #tpu.memory_space<hbm>> -> memref<160x128xi32, #tpu.memory_space<hbm>>
      tpu.enqueue_dma source(%dma_start3A_93 : memref<160x128xi32, #tpu.memory_space<hbm>>) target(%arg5 : memref<160x128xi32, #tpu.memory_space<vmem>>) target_semaphore(%run_scoped3A : memref<!tpu.dma_semaphore, #tpu.memory_space<semaphore_mem>>)
      %dma_wait3A_94 = arith.constant 0 : i32
      %dma_wait3A_95 = arith.constant 0 : i32
      %dma_wait3A_96 = tpu.memref_slice %arg2[%arg1, %dma_wait3A_94, %dma_wait3A_95] : memref<16x160x128xi32, #tpu.memory_space<hbm>> -> memref<1x160x128xi32, #tpu.memory_space<hbm>>
      %dma_wait3A_97 = tpu.memref_squeeze %dma_wait3A_96 : memref<1x160x128xi32, #tpu.memory_space<hbm>> -> memref<160x128xi32, #tpu.memory_space<hbm>>
      %dma_wait3A_98 = arith.constant 0 : i32
      %dma_wait3A_99 = arith.constant 0 : i32
      %dma_wait3A_100 = tpu.memref_slice %arg2[%arg1, %dma_wait3A_98, %dma_wait3A_99] : memref<16x160x128xi32, #tpu.memory_space<hbm>> -> memref<1x160x128xi32, #tpu.memory_space<hbm>>
      %dma_wait3A_101 = tpu.memref_squeeze %dma_wait3A_100 : memref<1x160x128xi32, #tpu.memory_space<hbm>> -> memref<160x128xi32, #tpu.memory_space<hbm>>
      tpu.wait_dma2 semaphore(%run_scoped3A : memref<!tpu.dma_semaphore, #tpu.memory_space<semaphore_mem>>) src(%dma_wait3A_101 : memref<160x128xi32, #tpu.memory_space<hbm>>) dst(%arg5 : memref<160x128xi32, #tpu.memory_space<vmem>>)
      tpu.yield
    }) : () -> ()
    %broadcast_in_dim3A = arith.constant 0.000000e+00 : f32
    %broadcast_in_dim3A_1 = vector.broadcast %broadcast_in_dim3A : f32 to vector<16xf32>
    %broadcast_in_dim3A_2 = arith.constant 1.000000e+00 : f32
    %broadcast_in_dim3A_3 = vector.broadcast %broadcast_in_dim3A_2 : f32 to vector<16xf32>
    %scan3A = arith.constant 0 : i32
    %scan3A_4 = arith.constant 0 : i32
    %scan3A_5 = arith.constant 160 : i32
    %scan3A_6 = arith.addi %scan3A_4, %scan3A_5 : i32
    %scan3A_7 = arith.constant 1 : i32
    %scan3A_8 = scf.for %scan3A_87 = %scan3A_4 to %scan3A_6 step %scan3A_7 iter_args(%scan3A_88 = %scan3A) -> (i32)  : i32 {
      %swap3A = arith.index_cast %scan3A_87 : i32 to index
      %swap3A_89 = arith.constant 0 : index
      %swap3A_90 = tpu.vector_load %arg6[%swap3A, %swap3A_89] {strides = array<i32>} : memref<160x16xf32, #tpu.memory_space<vmem>>, vector<1x16xf32>,
      %swap3A_91 = vector.shape_cast %swap3A_90 : vector<1x16xf32> to vector<16xf32>
      %swap3A_92 = vector.shape_cast %broadcast_in_dim3A_1 : vector<16xf32> to vector<1x16xf32>
      tpu.vector_store %arg6[%swap3A, %swap3A_89], %swap3A_92 {strides = array<i32>} : memref<160x16xf32, #tpu.memory_space<vmem>>, vector<1x16xf32>,
      %scan3A_93 = arith.constant 0 : i32
      scf.yield %scan3A_93 : i32
    }
    %scan3A_9 = arith.constant 160 : i32
    %scan3A_10 = arith.constant 0 : i32
    %scan3A_11 = arith.constant 0 : i32
    %scan3A_12 = arith.constant 128 : i32
    %scan3A_13 = arith.addi %scan3A_11, %scan3A_12 : i32
    %scan3A_14 = arith.constant 1 : i32
    %scan3A_15 = scf.for %scan3A_87 = %scan3A_11 to %scan3A_13 step %scan3A_14 iter_args(%scan3A_88 = %scan3A_10) -> (i32)  : i32 {
      %swap3A = arith.index_cast %scan3A_87 : i32 to index
      %swap3A_89 = arith.constant 0 : index
      %swap3A_90 = tpu.vector_load %arg7[%swap3A, %swap3A_89] {strides = array<i32>} : memref<128x16xf32, #tpu.memory_space<vmem>>, vector<1x16xf32>,
      %swap3A_91 = vector.shape_cast %swap3A_90 : vector<1x16xf32> to vector<16xf32>
      %swap3A_92 = vector.shape_cast %broadcast_in_dim3A_3 : vector<16xf32> to vector<1x16xf32>
      tpu.vector_store %arg7[%swap3A, %swap3A_89], %swap3A_92 {strides = array<i32>} : memref<128x16xf32, #tpu.memory_space<vmem>>, vector<1x16xf32>,
      %scan3A_93 = arith.constant 0 : i32
      scf.yield %scan3A_93 : i32
    }
    %scan3A_16 = arith.constant 128 : i32
    %add3A = arith.constant 0 : i32
    %add3A_17 = arith.addi %mul3A_0, %add3A : i32
    "tpu.region"() ({
      %run_scoped3A = tpu.sem_alloc : memref<!tpu.dma_semaphore, #tpu.memory_space<semaphore_mem>>
      %dma_start3A = arith.constant 0 : i32
      %dma_start3A_87 = tpu.memref_slice %arg4[%add3A_17, %dma_start3A] : memref<10240x16xf32, #tpu.memory_space<vmem_shared>> -> memref<160x16xf32, #tpu.memory_space<vmem_shared>>
      %dma_start3A_88 = arith.constant 0 : i32
      %dma_start3A_89 = tpu.memref_slice %arg4[%add3A_17, %dma_start3A_88] : memref<10240x16xf32, #tpu.memory_space<vmem_shared>> -> memref<160x16xf32, #tpu.memory_space<vmem_shared>>
      tpu.enqueue_dma source(%arg6 : memref<160x16xf32, #tpu.memory_space<vmem>>) target(%dma_start3A_89 : memref<160x16xf32, #tpu.memory_space<vmem_shared>>) target_semaphore(%run_scoped3A : memref<!tpu.dma_semaphore, #tpu.memory_space<semaphore_mem>>)
      %dma_wait3A_90 = arith.constant 0 : i32
      %dma_wait3A_91 = tpu.memref_slice %arg4[%add3A_17, %dma_wait3A_90] : memref<10240x16xf32, #tpu.memory_space<vmem_shared>> -> memref<160x16xf32, #tpu.memory_space<vmem_shared>>
      %dma_wait3A_92 = arith.constant 0 : i32
      %dma_wait3A_93 = tpu.memref_slice %arg4[%add3A_17, %dma_wait3A_92] : memref<10240x16xf32, #tpu.memory_space<vmem_shared>> -> memref<160x16xf32, #tpu.memory_space<vmem_shared>>
      tpu.wait_dma2 semaphore(%run_scoped3A : memref<!tpu.dma_semaphore, #tpu.memory_space<semaphore_mem>>) src(%arg6 : memref<160x16xf32, #tpu.memory_space<vmem>>) dst(%dma_wait3A_93 : memref<160x16xf32, #tpu.memory_space<vmem_shared>>)
      tpu.yield
    }) : () -> ()
    %add3A_18 = arith.constant 160 : i32
    %add3A_19 = arith.addi %mul3A_0, %add3A_18 : i32
    "tpu.region"() ({
      %run_scoped3A = tpu.sem_alloc : memref<!tpu.dma_semaphore, #tpu.memory_space<semaphore_mem>>
      %dma_start3A = arith.constant 0 : i32
      %dma_start3A_87 = tpu.memref_slice %arg4[%add3A_19, %dma_start3A] : memref<10240x16xf32, #tpu.memory_space<vmem_shared>> -> memref<160x16xf32, #tpu.memory_space<vmem_shared>>
      %dma_start3A_88 = arith.constant 0 : i32
      %dma_start3A_89 = tpu.memref_slice %arg4[%add3A_19, %dma_start3A_88] : memref<10240x16xf32, #tpu.memory_space<vmem_shared>> -> memref<160x16xf32, #tpu.memory_space<vmem_shared>>
      tpu.enqueue_dma source(%arg6 : memref<160x16xf32, #tpu.memory_space<vmem>>) target(%dma_start3A_89 : memref<160x16xf32, #tpu.memory_space<vmem_shared>>) target_semaphore(%run_scoped3A : memref<!tpu.dma_semaphore, #tpu.memory_space<semaphore_mem>>)
      %dma_wait3A_90 = arith.constant 0 : i32
      %dma_wait3A_91 = tpu.memref_slice %arg4[%add3A_19, %dma_wait3A_90] : memref<10240x16xf32, #tpu.memory_space<vmem_shared>> -> memref<160x16xf32, #tpu.memory_space<vmem_shared>>
      %dma_wait3A_92 = arith.constant 0 : i32
      %dma_wait3A_93 = tpu.memref_slice %arg4[%add3A_19, %dma_wait3A_92] : memref<10240x16xf32, #tpu.memory_space<vmem_shared>> -> memref<160x16xf32, #tpu.memory_space<vmem_shared>>
      tpu.wait_dma2 semaphore(%run_scoped3A : memref<!tpu.dma_semaphore, #tpu.memory_space<semaphore_mem>>) src(%arg6 : memref<160x16xf32, #tpu.memory_space<vmem>>) dst(%dma_wait3A_93 : memref<160x16xf32, #tpu.memory_space<vmem_shared>>)
      tpu.yield
    }) : () -> ()
    %add3A_20 = arith.constant 320 : i32
    %add3A_21 = arith.addi %mul3A_0, %add3A_20 : i32
    "tpu.region"() ({
      %run_scoped3A = tpu.sem_alloc : memref<!tpu.dma_semaphore, #tpu.memory_space<semaphore_mem>>
      %dma_start3A = arith.constant 0 : i32
      %dma_start3A_87 = tpu.memref_slice %arg4[%add3A_21, %dma_start3A] : memref<10240x16xf32, #tpu.memory_space<vmem_shared>> -> memref<160x16xf32, #tpu.memory_space<vmem_shared>>
      %dma_start3A_88 = arith.constant 0 : i32
      %dma_start3A_89 = tpu.memref_slice %arg4[%add3A_21, %dma_start3A_88] : memref<10240x16xf32, #tpu.memory_space<vmem_shared>> -> memref<160x16xf32, #tpu.memory_space<vmem_shared>>
      tpu.enqueue_dma source(%arg6 : memref<160x16xf32, #tpu.memory_space<vmem>>) target(%dma_start3A_89 : memref<160x16xf32, #tpu.memory_space<vmem_shared>>) target_semaphore(%run_scoped3A : memref<!tpu.dma_semaphore, #tpu.memory_space<semaphore_mem>>)
      %dma_wait3A_90 = arith.constant 0 : i32
      %dma_wait3A_91 = tpu.memref_slice %arg4[%add3A_21, %dma_wait3A_90] : memref<10240x16xf32, #tpu.memory_space<vmem_shared>> -> memref<160x16xf32, #tpu.memory_space<vmem_shared>>
      %dma_wait3A_92 = arith.constant 0 : i32
      %dma_wait3A_93 = tpu.memref_slice %arg4[%add3A_21, %dma_wait3A_92] : memref<10240x16xf32, #tpu.memory_space<vmem_shared>> -> memref<160x16xf32, #tpu.memory_space<vmem_shared>>
      tpu.wait_dma2 semaphore(%run_scoped3A : memref<!tpu.dma_semaphore, #tpu.memory_space<semaphore_mem>>) src(%arg6 : memref<160x16xf32, #tpu.memory_space<vmem>>) dst(%dma_wait3A_93 : memref<160x16xf32, #tpu.memory_space<vmem_shared>>)
      tpu.yield
    }) : () -> ()
    %add3A_22 = arith.constant 480 : i32
    %add3A_23 = arith.addi %mul3A_0, %add3A_22 : i32
    "tpu.region"() ({
      %run_scoped3A = tpu.sem_alloc : memref<!tpu.dma_semaphore, #tpu.memory_space<semaphore_mem>>
      %dma_start3A = arith.constant 0 : i32
      %dma_start3A_87 = tpu.memref_slice %arg4[%add3A_23, %dma_start3A] : memref<10240x16xf32, #tpu.memory_space<vmem_shared>> -> memref<160x16xf32, #tpu.memory_space<vmem_shared>>
      %dma_start3A_88 = arith.constant 0 : i32
      %dma_start3A_89 = tpu.memref_slice %arg4[%add3A_23, %dma_start3A_88] : memref<10240x16xf32, #tpu.memory_space<vmem_shared>> -> memref<160x16xf32, #tpu.memory_space<vmem_shared>>
      tpu.enqueue_dma source(%arg6 : memref<160x16xf32, #tpu.memory_space<vmem>>) target(%dma_start3A_89 : memref<160x16xf32, #tpu.memory_space<vmem_shared>>) target_semaphore(%run_scoped3A : memref<!tpu.dma_semaphore, #tpu.memory_space<semaphore_mem>>)
      %dma_wait3A_90 = arith.constant 0 : i32
      %dma_wait3A_91 = tpu.memref_slice %arg4[%add3A_23, %dma_wait3A_90] : memref<10240x16xf32, #tpu.memory_space<vmem_shared>> -> memref<160x16xf32, #tpu.memory_space<vmem_shared>>
      %dma_wait3A_92 = arith.constant 0 : i32
      %dma_wait3A_93 = tpu.memref_slice %arg4[%add3A_23, %dma_wait3A_92] : memref<10240x16xf32, #tpu.memory_space<vmem_shared>> -> memref<160x16xf32, #tpu.memory_space<vmem_shared>>
      tpu.wait_dma2 semaphore(%run_scoped3A : memref<!tpu.dma_semaphore, #tpu.memory_space<semaphore_mem>>) src(%arg6 : memref<160x16xf32, #tpu.memory_space<vmem>>) dst(%dma_wait3A_93 : memref<160x16xf32, #tpu.memory_space<vmem_shared>>)
      tpu.yield
    }) : () -> ()
    %barrier3A = arith.constant 0 : index
    tpu.barrier barrier_id(%barrier3A)
    %scan3A_24 = arith.constant 0 : i32
    %scan3A_25 = arith.constant 0 : i32
    %scan3A_26 = arith.constant 20 : i32
    %scan3A_27 = arith.addi %scan3A_25, %scan3A_26 : i32
    %scan3A_28 = arith.constant 1 : i32
    %scan3A_29 = scf.for %scan3A_87 = %scan3A_25 to %scan3A_27 step %scan3A_28 iter_args(%scan3A_88 = %scan3A_24) -> (i32)  : i32 {
      %mul3A_89 = arith.constant 8 : i32
      %mul3A_90 = arith.muli %mul3A_89, %scan3A_87 : i32
      %ge3A = arith.constant 8 : i32
      %ge3A_91 = arith.cmpi sge, %mul3A_90, %ge3A : i32
      %convert_element_type3A = arith.extui %ge3A_91 : i1 to i32
      %cond3A = arith.constant 0 : i32
      %cond3A_92 = arith.cmpi ne, %convert_element_type3A, %cond3A : i32
      scf.if %cond3A_92 {
        %dma_wait3A_192 = arith.constant 0 : i32
        %dma_wait3A_193 = arith.constant 0 : i32
        %dma_wait3A_194 = tpu.memref_slice %arg5[%dma_wait3A_192, %dma_wait3A_193] : memref<160x128xi32, #tpu.memory_space<vmem>> -> memref<1x128xi32, #tpu.memory_space<vmem>>
        %dma_wait3A_195 = tpu.memref_squeeze %dma_wait3A_194 : memref<1x128xi32, #tpu.memory_space<vmem>> -> memref<128xi32, #tpu.memory_space<vmem>>
        %dma_wait3A_196 = arith.constant 0 : i32
        %dma_wait3A_197 = arith.constant 0 : i32
        %dma_wait3A_198 = tpu.memref_slice %arg4[%dma_wait3A_196, %dma_wait3A_197] : memref<10240x16xf32, #tpu.memory_space<vmem_shared>> -> memref<10240x16xf32, #tpu.memory_space<vmem_shared>>
        tpu.wait_indirect_dma semaphore(%arg8 : memref<!tpu.dma_semaphore, #tpu.memory_space<semaphore_mem>>) src(%arg7 : memref<128x16xf32, #tpu.memory_space<vmem>>) dst(%dma_wait3A_198 : memref<10240x16xf32, #tpu.memory_space<vmem_shared>>)
      } else {
      }
      %add3A_93 = arith.constant 0 : i32
      %add3A_94 = arith.addi %mul3A_90, %add3A_93 : i32
      %dma_start3A = arith.constant 0 : i32
      %dma_start3A_95 = tpu.memref_slice %arg5[%add3A_94, %dma_start3A] : memref<160x128xi32, #tpu.memory_space<vmem>> -> memref<1x128xi32, #tpu.memory_space<vmem>>
      %dma_start3A_96 = tpu.memref_squeeze %dma_start3A_95 : memref<1x128xi32, #tpu.memory_space<vmem>> -> memref<128xi32, #tpu.memory_space<vmem>>
      %dma_start3A_97 = arith.constant 0 : i32
      %dma_start3A_98 = arith.constant 0 : i32
      %dma_start3A_99 = tpu.memref_slice %arg4[%dma_start3A_97, %dma_start3A_98] : memref<10240x16xf32, #tpu.memory_space<vmem_shared>> -> memref<10240x16xf32, #tpu.memory_space<vmem_shared>>
      tpu.enqueue_indirect_dma source(%arg7 : memref<128x16xf32, #tpu.memory_space<vmem>>) target(%dma_start3A_99 : memref<10240x16xf32, #tpu.memory_space<vmem_shared>>) offsets(%dma_start3A_96 : memref<128xi32, #tpu.memory_space<vmem>>) semaphore(%arg8 : memref<!tpu.dma_semaphore, #tpu.memory_space<semaphore_mem>>) {add = true}
      %ge3A_100 = arith.constant 8 : i32
      %ge3A_101 = arith.cmpi sge, %mul3A_90, %ge3A_100 : i32
      %convert_element_type3A_102 = arith.extui %ge3A_101 : i1 to i32
      %cond3A_103 = arith.constant 0 : i32
      %cond3A_104 = arith.cmpi ne, %convert_element_type3A_102, %cond3A_103 : i32
      scf.if %cond3A_104 {
        %dma_wait3A_192 = arith.constant 0 : i32
        %dma_wait3A_193 = arith.constant 0 : i32
        %dma_wait3A_194 = tpu.memref_slice %arg5[%dma_wait3A_192, %dma_wait3A_193] : memref<160x128xi32, #tpu.memory_space<vmem>> -> memref<1x128xi32, #tpu.memory_space<vmem>>
        %dma_wait3A_195 = tpu.memref_squeeze %dma_wait3A_194 : memref<1x128xi32, #tpu.memory_space<vmem>> -> memref<128xi32, #tpu.memory_space<vmem>>
        %dma_wait3A_196 = arith.constant 0 : i32
        %dma_wait3A_197 = arith.constant 0 : i32
        %dma_wait3A_198 = tpu.memref_slice %arg4[%dma_wait3A_196, %dma_wait3A_197] : memref<10240x16xf32, #tpu.memory_space<vmem_shared>> -> memref<10240x16xf32, #tpu.memory_space<vmem_shared>>
        tpu.wait_indirect_dma semaphore(%arg9 : memref<!tpu.dma_semaphore, #tpu.memory_space<semaphore_mem>>) src(%arg7 : memref<128x16xf32, #tpu.memory_space<vmem>>) dst(%dma_wait3A_198 : memref<10240x16xf32, #tpu.memory_space<vmem_shared>>)
      } else {
      }
      %add3A_105 = arith.constant 1 : i32
      %add3A_106 = arith.addi %mul3A_90, %add3A_105 : i32
      %dma_start3A_107 = arith.constant 0 : i32
      %dma_start3A_108 = tpu.memref_slice %arg5[%add3A_106, %dma_start3A_107] : memref<160x128xi32, #tpu.memory_space<vmem>> -> memref<1x128xi32, #tpu.memory_space<vmem>>
      %dma_start3A_109 = tpu.memref_squeeze %dma_start3A_108 : memref<1x128xi32, #tpu.memory_space<vmem>> -> memref<128xi32, #tpu.memory_space<vmem>>
      %dma_start3A_110 = arith.constant 0 : i32
      %dma_start3A_111 = arith.constant 0 : i32
      %dma_start3A_112 = tpu.memref_slice %arg4[%dma_start3A_110, %dma_start3A_111] : memref<10240x16xf32, #tpu.memory_space<vmem_shared>> -> memref<10240x16xf32, #tpu.memory_space<vmem_shared>>
      tpu.enqueue_indirect_dma source(%arg7 : memref<128x16xf32, #tpu.memory_space<vmem>>) target(%dma_start3A_112 : memref<10240x16xf32, #tpu.memory_space<vmem_shared>>) offsets(%dma_start3A_109 : memref<128xi32, #tpu.memory_space<vmem>>) semaphore(%arg9 : memref<!tpu.dma_semaphore, #tpu.memory_space<semaphore_mem>>) {add = true}
      %ge3A_113 = arith.constant 8 : i32
      %ge3A_114 = arith.cmpi sge, %mul3A_90, %ge3A_113 : i32
      %convert_element_type3A_115 = arith.extui %ge3A_114 : i1 to i32
      %cond3A_116 = arith.constant 0 : i32
      %cond3A_117 = arith.cmpi ne, %convert_element_type3A_115, %cond3A_116 : i32
      scf.if %cond3A_117 {
        %dma_wait3A_192 = arith.constant 0 : i32
        %dma_wait3A_193 = arith.constant 0 : i32
        %dma_wait3A_194 = tpu.memref_slice %arg5[%dma_wait3A_192, %dma_wait3A_193] : memref<160x128xi32, #tpu.memory_space<vmem>> -> memref<1x128xi32, #tpu.memory_space<vmem>>
        %dma_wait3A_195 = tpu.memref_squeeze %dma_wait3A_194 : memref<1x128xi32, #tpu.memory_space<vmem>> -> memref<128xi32, #tpu.memory_space<vmem>>
        %dma_wait3A_196 = arith.constant 0 : i32
        %dma_wait3A_197 = arith.constant 0 : i32
        %dma_wait3A_198 = tpu.memref_slice %arg4[%dma_wait3A_196, %dma_wait3A_197] : memref<10240x16xf32, #tpu.memory_space<vmem_shared>> -> memref<10240x16xf32, #tpu.memory_space<vmem_shared>>
        tpu.wait_indirect_dma semaphore(%arg10 : memref<!tpu.dma_semaphore, #tpu.memory_space<semaphore_mem>>) src(%arg7 : memref<128x16xf32, #tpu.memory_space<vmem>>) dst(%dma_wait3A_198 : memref<10240x16xf32, #tpu.memory_space<vmem_shared>>)
      } else {
      }
      %add3A_118 = arith.constant 2 : i32
      %add3A_119 = arith.addi %mul3A_90, %add3A_118 : i32
      %dma_start3A_120 = arith.constant 0 : i32
      %dma_start3A_121 = tpu.memref_slice %arg5[%add3A_119, %dma_start3A_120] : memref<160x128xi32, #tpu.memory_space<vmem>> -> memref<1x128xi32, #tpu.memory_space<vmem>>
      %dma_start3A_122 = tpu.memref_squeeze %dma_start3A_121 : memref<1x128xi32, #tpu.memory_space<vmem>> -> memref<128xi32, #tpu.memory_space<vmem>>
      %dma_start3A_123 = arith.constant 0 : i32
      %dma_start3A_124 = arith.constant 0 : i32
      %dma_start3A_125 = tpu.memref_slice %arg4[%dma_start3A_123, %dma_start3A_124] : memref<10240x16xf32, #tpu.memory_space<vmem_shared>> -> memref<10240x16xf32, #tpu.memory_space<vmem_shared>>
      tpu.enqueue_indirect_dma source(%arg7 : memref<128x16xf32, #tpu.memory_space<vmem>>) target(%dma_start3A_125 : memref<10240x16xf32, #tpu.memory_space<vmem_shared>>) offsets(%dma_start3A_122 : memref<128xi32, #tpu.memory_space<vmem>>) semaphore(%arg10 : memref<!tpu.dma_semaphore, #tpu.memory_space<semaphore_mem>>) {add = true}
      %ge3A_126 = arith.constant 8 : i32
      %ge3A_127 = arith.cmpi sge, %mul3A_90, %ge3A_126 : i32
      %convert_element_type3A_128 = arith.extui %ge3A_127 : i1 to i32
      %cond3A_129 = arith.constant 0 : i32
      %cond3A_130 = arith.cmpi ne, %convert_element_type3A_128, %cond3A_129 : i32
      scf.if %cond3A_130 {
        %dma_wait3A_192 = arith.constant 0 : i32
        %dma_wait3A_193 = arith.constant 0 : i32
        %dma_wait3A_194 = tpu.memref_slice %arg5[%dma_wait3A_192, %dma_wait3A_193] : memref<160x128xi32, #tpu.memory_space<vmem>> -> memref<1x128xi32, #tpu.memory_space<vmem>>
        %dma_wait3A_195 = tpu.memref_squeeze %dma_wait3A_194 : memref<1x128xi32, #tpu.memory_space<vmem>> -> memref<128xi32, #tpu.memory_space<vmem>>
        %dma_wait3A_196 = arith.constant 0 : i32
        %dma_wait3A_197 = arith.constant 0 : i32
        %dma_wait3A_198 = tpu.memref_slice %arg4[%dma_wait3A_196, %dma_wait3A_197] : memref<10240x16xf32, #tpu.memory_space<vmem_shared>> -> memref<10240x16xf32, #tpu.memory_space<vmem_shared>>
        tpu.wait_indirect_dma semaphore(%arg11 : memref<!tpu.dma_semaphore, #tpu.memory_space<semaphore_mem>>) src(%arg7 : memref<128x16xf32, #tpu.memory_space<vmem>>) dst(%dma_wait3A_198 : memref<10240x16xf32, #tpu.memory_space<vmem_shared>>)
      } else {
      }
      %add3A_131 = arith.constant 3 : i32
      %add3A_132 = arith.addi %mul3A_90, %add3A_131 : i32
      %dma_start3A_133 = arith.constant 0 : i32
      %dma_start3A_134 = tpu.memref_slice %arg5[%add3A_132, %dma_start3A_133] : memref<160x128xi32, #tpu.memory_space<vmem>> -> memref<1x128xi32, #tpu.memory_space<vmem>>
      %dma_start3A_135 = tpu.memref_squeeze %dma_start3A_134 : memref<1x128xi32, #tpu.memory_space<vmem>> -> memref<128xi32, #tpu.memory_space<vmem>>
      %dma_start3A_136 = arith.constant 0 : i32
      %dma_start3A_137 = arith.constant 0 : i32
      %dma_start3A_138 = tpu.memref_slice %arg4[%dma_start3A_136, %dma_start3A_137] : memref<10240x16xf32, #tpu.memory_space<vmem_shared>> -> memref<10240x16xf32, #tpu.memory_space<vmem_shared>>
      tpu.enqueue_indirect_dma source(%arg7 : memref<128x16xf32, #tpu.memory_space<vmem>>) target(%dma_start3A_138 : memref<10240x16xf32, #tpu.memory_space<vmem_shared>>) offsets(%dma_start3A_135 : memref<128xi32, #tpu.memory_space<vmem>>) semaphore(%arg11 : memref<!tpu.dma_semaphore, #tpu.memory_space<semaphore_mem>>) {add = true}
      %ge3A_139 = arith.constant 8 : i32
      %ge3A_140 = arith.cmpi sge, %mul3A_90, %ge3A_139 : i32
      %convert_element_type3A_141 = arith.extui %ge3A_140 : i1 to i32
      %cond3A_142 = arith.constant 0 : i32
      %cond3A_143 = arith.cmpi ne, %convert_element_type3A_141, %cond3A_142 : i32
      scf.if %cond3A_143 {
        %dma_wait3A_192 = arith.constant 0 : i32
        %dma_wait3A_193 = arith.constant 0 : i32
        %dma_wait3A_194 = tpu.memref_slice %arg5[%dma_wait3A_192, %dma_wait3A_193] : memref<160x128xi32, #tpu.memory_space<vmem>> -> memref<1x128xi32, #tpu.memory_space<vmem>>
        %dma_wait3A_195 = tpu.memref_squeeze %dma_wait3A_194 : memref<1x128xi32, #tpu.memory_space<vmem>> -> memref<128xi32, #tpu.memory_space<vmem>>
        %dma_wait3A_196 = arith.constant 0 : i32
        %dma_wait3A_197 = arith.constant 0 : i32
        %dma_wait3A_198 = tpu.memref_slice %arg4[%dma_wait3A_196, %dma_wait3A_197] : memref<10240x16xf32, #tpu.memory_space<vmem_shared>> -> memref<10240x16xf32, #tpu.memory_space<vmem_shared>>
        tpu.wait_indirect_dma semaphore(%arg12 : memref<!tpu.dma_semaphore, #tpu.memory_space<semaphore_mem>>) src(%arg7 : memref<128x16xf32, #tpu.memory_space<vmem>>) dst(%dma_wait3A_198 : memref<10240x16xf32, #tpu.memory_space<vmem_shared>>)
      } else {
      }
      %add3A_144 = arith.constant 4 : i32
      %add3A_145 = arith.addi %mul3A_90, %add3A_144 : i32
      %dma_start3A_146 = arith.constant 0 : i32
      %dma_start3A_147 = tpu.memref_slice %arg5[%add3A_145, %dma_start3A_146] : memref<160x128xi32, #tpu.memory_space<vmem>> -> memref<1x128xi32, #tpu.memory_space<vmem>>
      %dma_start3A_148 = tpu.memref_squeeze %dma_start3A_147 : memref<1x128xi32, #tpu.memory_space<vmem>> -> memref<128xi32, #tpu.memory_space<vmem>>
      %dma_start3A_149 = arith.constant 0 : i32
      %dma_start3A_150 = arith.constant 0 : i32
      %dma_start3A_151 = tpu.memref_slice %arg4[%dma_start3A_149, %dma_start3A_150] : memref<10240x16xf32, #tpu.memory_space<vmem_shared>> -> memref<10240x16xf32, #tpu.memory_space<vmem_shared>>
      tpu.enqueue_indirect_dma source(%arg7 : memref<128x16xf32, #tpu.memory_space<vmem>>) target(%dma_start3A_151 : memref<10240x16xf32, #tpu.memory_space<vmem_shared>>) offsets(%dma_start3A_148 : memref<128xi32, #tpu.memory_space<vmem>>) semaphore(%arg12 : memref<!tpu.dma_semaphore, #tpu.memory_space<semaphore_mem>>) {add = true}
      %ge3A_152 = arith.constant 8 : i32
      %ge3A_153 = arith.cmpi sge, %mul3A_90, %ge3A_152 : i32
      %convert_element_type3A_154 = arith.extui %ge3A_153 : i1 to i32
      %cond3A_155 = arith.constant 0 : i32
      %cond3A_156 = arith.cmpi ne, %convert_element_type3A_154, %cond3A_155 : i32
      scf.if %cond3A_156 {
        %dma_wait3A_192 = arith.constant 0 : i32
        %dma_wait3A_193 = arith.constant 0 : i32
        %dma_wait3A_194 = tpu.memref_slice %arg5[%dma_wait3A_192, %dma_wait3A_193] : memref<160x128xi32, #tpu.memory_space<vmem>> -> memref<1x128xi32, #tpu.memory_space<vmem>>
        %dma_wait3A_195 = tpu.memref_squeeze %dma_wait3A_194 : memref<1x128xi32, #tpu.memory_space<vmem>> -> memref<128xi32, #tpu.memory_space<vmem>>
        %dma_wait3A_196 = arith.constant 0 : i32
        %dma_wait3A_197 = arith.constant 0 : i32
        %dma_wait3A_198 = tpu.memref_slice %arg4[%dma_wait3A_196, %dma_wait3A_197] : memref<10240x16xf32, #tpu.memory_space<vmem_shared>> -> memref<10240x16xf32, #tpu.memory_space<vmem_shared>>
        tpu.wait_indirect_dma semaphore(%arg13 : memref<!tpu.dma_semaphore, #tpu.memory_space<semaphore_mem>>) src(%arg7 : memref<128x16xf32, #tpu.memory_space<vmem>>) dst(%dma_wait3A_198 : memref<10240x16xf32, #tpu.memory_space<vmem_shared>>)
      } else {
      }
      %add3A_157 = arith.constant 5 : i32
      %add3A_158 = arith.addi %mul3A_90, %add3A_157 : i32
      %dma_start3A_159 = arith.constant 0 : i32
      %dma_start3A_160 = tpu.memref_slice %arg5[%add3A_158, %dma_start3A_159] : memref<160x128xi32, #tpu.memory_space<vmem>> -> memref<1x128xi32, #tpu.memory_space<vmem>>
      %dma_start3A_161 = tpu.memref_squeeze %dma_start3A_160 : memref<1x128xi32, #tpu.memory_space<vmem>> -> memref<128xi32, #tpu.memory_space<vmem>>
      %dma_start3A_162 = arith.constant 0 : i32
      %dma_start3A_163 = arith.constant 0 : i32
      %dma_start3A_164 = tpu.memref_slice %arg4[%dma_start3A_162, %dma_start3A_163] : memref<10240x16xf32, #tpu.memory_space<vmem_shared>> -> memref<10240x16xf32, #tpu.memory_space<vmem_shared>>
      tpu.enqueue_indirect_dma source(%arg7 : memref<128x16xf32, #tpu.memory_space<vmem>>) target(%dma_start3A_164 : memref<10240x16xf32, #tpu.memory_space<vmem_shared>>) offsets(%dma_start3A_161 : memref<128xi32, #tpu.memory_space<vmem>>) semaphore(%arg13 : memref<!tpu.dma_semaphore, #tpu.memory_space<semaphore_mem>>) {add = true}
      %ge3A_165 = arith.constant 8 : i32
      %ge3A_166 = arith.cmpi sge, %mul3A_90, %ge3A_165 : i32
      %convert_element_type3A_167 = arith.extui %ge3A_166 : i1 to i32
      %cond3A_168 = arith.constant 0 : i32
      %cond3A_169 = arith.cmpi ne, %convert_element_type3A_167, %cond3A_168 : i32
      scf.if %cond3A_169 {
        %dma_wait3A_192 = arith.constant 0 : i32
        %dma_wait3A_193 = arith.constant 0 : i32
        %dma_wait3A_194 = tpu.memref_slice %arg5[%dma_wait3A_192, %dma_wait3A_193] : memref<160x128xi32, #tpu.memory_space<vmem>> -> memref<1x128xi32, #tpu.memory_space<vmem>>
        %dma_wait3A_195 = tpu.memref_squeeze %dma_wait3A_194 : memref<1x128xi32, #tpu.memory_space<vmem>> -> memref<128xi32, #tpu.memory_space<vmem>>
        %dma_wait3A_196 = arith.constant 0 : i32
        %dma_wait3A_197 = arith.constant 0 : i32
        %dma_wait3A_198 = tpu.memref_slice %arg4[%dma_wait3A_196, %dma_wait3A_197] : memref<10240x16xf32, #tpu.memory_space<vmem_shared>> -> memref<10240x16xf32, #tpu.memory_space<vmem_shared>>
        tpu.wait_indirect_dma semaphore(%arg14 : memref<!tpu.dma_semaphore, #tpu.memory_space<semaphore_mem>>) src(%arg7 : memref<128x16xf32, #tpu.memory_space<vmem>>) dst(%dma_wait3A_198 : memref<10240x16xf32, #tpu.memory_space<vmem_shared>>)
      } else {
      }
      %add3A_170 = arith.constant 6 : i32
      %add3A_171 = arith.addi %mul3A_90, %add3A_170 : i32
      %dma_start3A_172 = arith.constant 0 : i32
      %dma_start3A_173 = tpu.memref_slice %arg5[%add3A_171, %dma_start3A_172] : memref<160x128xi32, #tpu.memory_space<vmem>> -> memref<1x128xi32, #tpu.memory_space<vmem>>
      %dma_start3A_174 = tpu.memref_squeeze %dma_start3A_173 : memref<1x128xi32, #tpu.memory_space<vmem>> -> memref<128xi32, #tpu.memory_space<vmem>>
      %dma_start3A_175 = arith.constant 0 : i32
      %dma_start3A_176 = arith.constant 0 : i32
      %dma_start3A_177 = tpu.memref_slice %arg4[%dma_start3A_175, %dma_start3A_176] : memref<10240x16xf32, #tpu.memory_space<vmem_shared>> -> memref<10240x16xf32, #tpu.memory_space<vmem_shared>>
      tpu.enqueue_indirect_dma source(%arg7 : memref<128x16xf32, #tpu.memory_space<vmem>>) target(%dma_start3A_177 : memref<10240x16xf32, #tpu.memory_space<vmem_shared>>) offsets(%dma_start3A_174 : memref<128xi32, #tpu.memory_space<vmem>>) semaphore(%arg14 : memref<!tpu.dma_semaphore, #tpu.memory_space<semaphore_mem>>) {add = true}
      %ge3A_178 = arith.constant 8 : i32
      %ge3A_179 = arith.cmpi sge, %mul3A_90, %ge3A_178 : i32
      %convert_element_type3A_180 = arith.extui %ge3A_179 : i1 to i32
      %cond3A_181 = arith.constant 0 : i32
      %cond3A_182 = arith.cmpi ne, %convert_element_type3A_180, %cond3A_181 : i32
      scf.if %cond3A_182 {
        %dma_wait3A_192 = arith.constant 0 : i32
        %dma_wait3A_193 = arith.constant 0 : i32
        %dma_wait3A_194 = tpu.memref_slice %arg5[%dma_wait3A_192, %dma_wait3A_193] : memref<160x128xi32, #tpu.memory_space<vmem>> -> memref<1x128xi32, #tpu.memory_space<vmem>>
        %dma_wait3A_195 = tpu.memref_squeeze %dma_wait3A_194 : memref<1x128xi32, #tpu.memory_space<vmem>> -> memref<128xi32, #tpu.memory_space<vmem>>
        %dma_wait3A_196 = arith.constant 0 : i32
        %dma_wait3A_197 = arith.constant 0 : i32
        %dma_wait3A_198 = tpu.memref_slice %arg4[%dma_wait3A_196, %dma_wait3A_197] : memref<10240x16xf32, #tpu.memory_space<vmem_shared>> -> memref<10240x16xf32, #tpu.memory_space<vmem_shared>>
        tpu.wait_indirect_dma semaphore(%arg15 : memref<!tpu.dma_semaphore, #tpu.memory_space<semaphore_mem>>) src(%arg7 : memref<128x16xf32, #tpu.memory_space<vmem>>) dst(%dma_wait3A_198 : memref<10240x16xf32, #tpu.memory_space<vmem_shared>>)
      } else {
      }
      %add3A_183 = arith.constant 7 : i32
      %add3A_184 = arith.addi %mul3A_90, %add3A_183 : i32
      %dma_start3A_185 = arith.constant 0 : i32
      %dma_start3A_186 = tpu.memref_slice %arg5[%add3A_184, %dma_start3A_185] : memref<160x128xi32, #tpu.memory_space<vmem>> -> memref<1x128xi32, #tpu.memory_space<vmem>>
      %dma_start3A_187 = tpu.memref_squeeze %dma_start3A_186 : memref<1x128xi32, #tpu.memory_space<vmem>> -> memref<128xi32, #tpu.memory_space<vmem>>
      %dma_start3A_188 = arith.constant 0 : i32
      %dma_start3A_189 = arith.constant 0 : i32
      %dma_start3A_190 = tpu.memref_slice %arg4[%dma_start3A_188, %dma_start3A_189] : memref<10240x16xf32, #tpu.memory_space<vmem_shared>> -> memref<10240x16xf32, #tpu.memory_space<vmem_shared>>
      tpu.enqueue_indirect_dma source(%arg7 : memref<128x16xf32, #tpu.memory_space<vmem>>) target(%dma_start3A_190 : memref<10240x16xf32, #tpu.memory_space<vmem_shared>>) offsets(%dma_start3A_187 : memref<128xi32, #tpu.memory_space<vmem>>) semaphore(%arg15 : memref<!tpu.dma_semaphore, #tpu.memory_space<semaphore_mem>>) {add = true}
      %scan3A_191 = arith.constant 0 : i32
      scf.yield %scan3A_191 : i32
    }
    %scan3A_30 = arith.constant 20 : i32
    %dma_wait3A = arith.constant 0 : i32
    %dma_wait3A_31 = arith.constant 0 : i32
    %dma_wait3A_32 = tpu.memref_slice %arg5[%dma_wait3A, %dma_wait3A_31] : memref<160x128xi32, #tpu.memory_space<vmem>> -> memref<1x128xi32, #tpu.memory_space<vmem>>
    %dma_wait3A_33 = tpu.memref_squeeze %dma_wait3A_32 : memref<1x128xi32, #tpu.memory_space<vmem>> -> memref<128xi32, #tpu.memory_space<vmem>>
    %dma_wait3A_34 = arith.constant 0 : i32
    %dma_wait3A_35 = arith.constant 0 : i32
    %dma_wait3A_36 = tpu.memref_slice %arg4[%dma_wait3A_34, %dma_wait3A_35] : memref<10240x16xf32, #tpu.memory_space<vmem_shared>> -> memref<10240x16xf32, #tpu.memory_space<vmem_shared>>
    tpu.wait_indirect_dma semaphore(%arg8 : memref<!tpu.dma_semaphore, #tpu.memory_space<semaphore_mem>>) src(%arg7 : memref<128x16xf32, #tpu.memory_space<vmem>>) dst(%dma_wait3A_36 : memref<10240x16xf32, #tpu.memory_space<vmem_shared>>)
    %dma_wait3A_37 = arith.constant 0 : i32
    %dma_wait3A_38 = arith.constant 0 : i32
    %dma_wait3A_39 = tpu.memref_slice %arg5[%dma_wait3A_37, %dma_wait3A_38] : memref<160x128xi32, #tpu.memory_space<vmem>> -> memref<1x128xi32, #tpu.memory_space<vmem>>
    %dma_wait3A_40 = tpu.memref_squeeze %dma_wait3A_39 : memref<1x128xi32, #tpu.memory_space<vmem>> -> memref<128xi32, #tpu.memory_space<vmem>>
    %dma_wait3A_41 = arith.constant 0 : i32
    %dma_wait3A_42 = arith.constant 0 : i32
    %dma_wait3A_43 = tpu.memref_slice %arg4[%dma_wait3A_41, %dma_wait3A_42] : memref<10240x16xf32, #tpu.memory_space<vmem_shared>> -> memref<10240x16xf32, #tpu.memory_space<vmem_shared>>
    tpu.wait_indirect_dma semaphore(%arg9 : memref<!tpu.dma_semaphore, #tpu.memory_space<semaphore_mem>>) src(%arg7 : memref<128x16xf32, #tpu.memory_space<vmem>>) dst(%dma_wait3A_43 : memref<10240x16xf32, #tpu.memory_space<vmem_shared>>)
    %dma_wait3A_44 = arith.constant 0 : i32
    %dma_wait3A_45 = arith.constant 0 : i32
    %dma_wait3A_46 = tpu.memref_slice %arg5[%dma_wait3A_44, %dma_wait3A_45] : memref<160x128xi32, #tpu.memory_space<vmem>> -> memref<1x128xi32, #tpu.memory_space<vmem>>
    %dma_wait3A_47 = tpu.memref_squeeze %dma_wait3A_46 : memref<1x128xi32, #tpu.memory_space<vmem>> -> memref<128xi32, #tpu.memory_space<vmem>>
    %dma_wait3A_48 = arith.constant 0 : i32
    %dma_wait3A_49 = arith.constant 0 : i32
    %dma_wait3A_50 = tpu.memref_slice %arg4[%dma_wait3A_48, %dma_wait3A_49] : memref<10240x16xf32, #tpu.memory_space<vmem_shared>> -> memref<10240x16xf32, #tpu.memory_space<vmem_shared>>
    tpu.wait_indirect_dma semaphore(%arg10 : memref<!tpu.dma_semaphore, #tpu.memory_space<semaphore_mem>>) src(%arg7 : memref<128x16xf32, #tpu.memory_space<vmem>>) dst(%dma_wait3A_50 : memref<10240x16xf32, #tpu.memory_space<vmem_shared>>)
    %dma_wait3A_51 = arith.constant 0 : i32
    %dma_wait3A_52 = arith.constant 0 : i32
    %dma_wait3A_53 = tpu.memref_slice %arg5[%dma_wait3A_51, %dma_wait3A_52] : memref<160x128xi32, #tpu.memory_space<vmem>> -> memref<1x128xi32, #tpu.memory_space<vmem>>
    %dma_wait3A_54 = tpu.memref_squeeze %dma_wait3A_53 : memref<1x128xi32, #tpu.memory_space<vmem>> -> memref<128xi32, #tpu.memory_space<vmem>>
    %dma_wait3A_55 = arith.constant 0 : i32
    %dma_wait3A_56 = arith.constant 0 : i32
    %dma_wait3A_57 = tpu.memref_slice %arg4[%dma_wait3A_55, %dma_wait3A_56] : memref<10240x16xf32, #tpu.memory_space<vmem_shared>> -> memref<10240x16xf32, #tpu.memory_space<vmem_shared>>
    tpu.wait_indirect_dma semaphore(%arg11 : memref<!tpu.dma_semaphore, #tpu.memory_space<semaphore_mem>>) src(%arg7 : memref<128x16xf32, #tpu.memory_space<vmem>>) dst(%dma_wait3A_57 : memref<10240x16xf32, #tpu.memory_space<vmem_shared>>)
    %dma_wait3A_58 = arith.constant 0 : i32
    %dma_wait3A_59 = arith.constant 0 : i32
    %dma_wait3A_60 = tpu.memref_slice %arg5[%dma_wait3A_58, %dma_wait3A_59] : memref<160x128xi32, #tpu.memory_space<vmem>> -> memref<1x128xi32, #tpu.memory_space<vmem>>
    %dma_wait3A_61 = tpu.memref_squeeze %dma_wait3A_60 : memref<1x128xi32, #tpu.memory_space<vmem>> -> memref<128xi32, #tpu.memory_space<vmem>>
    %dma_wait3A_62 = arith.constant 0 : i32
    %dma_wait3A_63 = arith.constant 0 : i32
    %dma_wait3A_64 = tpu.memref_slice %arg4[%dma_wait3A_62, %dma_wait3A_63] : memref<10240x16xf32, #tpu.memory_space<vmem_shared>> -> memref<10240x16xf32, #tpu.memory_space<vmem_shared>>
    tpu.wait_indirect_dma semaphore(%arg12 : memref<!tpu.dma_semaphore, #tpu.memory_space<semaphore_mem>>) src(%arg7 : memref<128x16xf32, #tpu.memory_space<vmem>>) dst(%dma_wait3A_64 : memref<10240x16xf32, #tpu.memory_space<vmem_shared>>)
    %dma_wait3A_65 = arith.constant 0 : i32
    %dma_wait3A_66 = arith.constant 0 : i32
    %dma_wait3A_67 = tpu.memref_slice %arg5[%dma_wait3A_65, %dma_wait3A_66] : memref<160x128xi32, #tpu.memory_space<vmem>> -> memref<1x128xi32, #tpu.memory_space<vmem>>
    %dma_wait3A_68 = tpu.memref_squeeze %dma_wait3A_67 : memref<1x128xi32, #tpu.memory_space<vmem>> -> memref<128xi32, #tpu.memory_space<vmem>>
    %dma_wait3A_69 = arith.constant 0 : i32
    %dma_wait3A_70 = arith.constant 0 : i32
    %dma_wait3A_71 = tpu.memref_slice %arg4[%dma_wait3A_69, %dma_wait3A_70] : memref<10240x16xf32, #tpu.memory_space<vmem_shared>> -> memref<10240x16xf32, #tpu.memory_space<vmem_shared>>
    tpu.wait_indirect_dma semaphore(%arg13 : memref<!tpu.dma_semaphore, #tpu.memory_space<semaphore_mem>>) src(%arg7 : memref<128x16xf32, #tpu.memory_space<vmem>>) dst(%dma_wait3A_71 : memref<10240x16xf32, #tpu.memory_space<vmem_shared>>)
    %dma_wait3A_72 = arith.constant 0 : i32
    %dma_wait3A_73 = arith.constant 0 : i32
    %dma_wait3A_74 = tpu.memref_slice %arg5[%dma_wait3A_72, %dma_wait3A_73] : memref<160x128xi32, #tpu.memory_space<vmem>> -> memref<1x128xi32, #tpu.memory_space<vmem>>
    %dma_wait3A_75 = tpu.memref_squeeze %dma_wait3A_74 : memref<1x128xi32, #tpu.memory_space<vmem>> -> memref<128xi32, #tpu.memory_space<vmem>>
    %dma_wait3A_76 = arith.constant 0 : i32
    %dma_wait3A_77 = arith.constant 0 : i32
    %dma_wait3A_78 = tpu.memref_slice %arg4[%dma_wait3A_76, %dma_wait3A_77] : memref<10240x16xf32, #tpu.memory_space<vmem_shared>> -> memref<10240x16xf32, #tpu.memory_space<vmem_shared>>
    tpu.wait_indirect_dma semaphore(%arg14 : memref<!tpu.dma_semaphore, #tpu.memory_space<semaphore_mem>>) src(%arg7 : memref<128x16xf32, #tpu.memory_space<vmem>>) dst(%dma_wait3A_78 : memref<10240x16xf32, #tpu.memory_space<vmem_shared>>)
    %dma_wait3A_79 = arith.constant 0 : i32
    %dma_wait3A_80 = arith.constant 0 : i32
    %dma_wait3A_81 = tpu.memref_slice %arg5[%dma_wait3A_79, %dma_wait3A_80] : memref<160x128xi32, #tpu.memory_space<vmem>> -> memref<1x128xi32, #tpu.memory_space<vmem>>
    %dma_wait3A_82 = tpu.memref_squeeze %dma_wait3A_81 : memref<1x128xi32, #tpu.memory_space<vmem>> -> memref<128xi32, #tpu.memory_space<vmem>>
    %dma_wait3A_83 = arith.constant 0 : i32
    %dma_wait3A_84 = arith.constant 0 : i32
    %dma_wait3A_85 = tpu.memref_slice %arg4[%dma_wait3A_83, %dma_wait3A_84] : memref<10240x16xf32, #tpu.memory_space<vmem_shared>> -> memref<10240x16xf32, #tpu.memory_space<vmem_shared>>
    tpu.wait_indirect_dma semaphore(%arg15 : memref<!tpu.dma_semaphore, #tpu.memory_space<semaphore_mem>>) src(%arg7 : memref<128x16xf32, #tpu.memory_space<vmem>>) dst(%dma_wait3A_85 : memref<10240x16xf32, #tpu.memory_space<vmem_shared>>)
    %barrier3A_86 = arith.constant 0 : index
    tpu.barrier barrier_id(%barrier3A_86)
    "tpu.region"() ({
      %run_scoped3A = tpu.sem_alloc : memref<!tpu.dma_semaphore, #tpu.memory_space<semaphore_mem>>
      %dma_start3A = arith.constant 0 : i32
      %dma_start3A_87 = tpu.memref_slice %arg3[%mul3A_0, %dma_start3A] : memref<10240x16xf32, #tpu.memory_space<hbm>> -> memref<640x16xf32, #tpu.memory_space<hbm>>
      %dma_start3A_88 = arith.constant 0 : i32
      %dma_start3A_89 = tpu.memref_slice %arg4[%mul3A_0, %dma_start3A_88] : memref<10240x16xf32, #tpu.memory_space<vmem_shared>> -> memref<640x16xf32, #tpu.memory_space<vmem_shared>>
      tpu.enqueue_dma source(%dma_start3A_89 : memref<640x16xf32, #tpu.memory_space<vmem_shared>>) target(%dma_start3A_87 : memref<640x16xf32, #tpu.memory_space<hbm>>) target_semaphore(%run_scoped3A : memref<!tpu.dma_semaphore, #tpu.memory_space<semaphore_mem>>)
      %dma_wait3A_90 = arith.constant 0 : i32
      %dma_wait3A_91 = tpu.memref_slice %arg3[%mul3A_0, %dma_wait3A_90] : memref<10240x16xf32, #tpu.memory_space<hbm>> -> memref<640x16xf32, #tpu.memory_space<hbm>>
      %dma_wait3A_92 = arith.constant 0 : i32
      %dma_wait3A_93 = tpu.memref_slice %arg4[%mul3A_0, %dma_wait3A_92] : memref<10240x16xf32, #tpu.memory_space<vmem_shared>> -> memref<640x16xf32, #tpu.memory_space<vmem_shared>>
      tpu.wait_dma2 semaphore(%run_scoped3A : memref<!tpu.dma_semaphore, #tpu.memory_space<semaphore_mem>>) src(%dma_wait3A_93 : memref<640x16xf32, #tpu.memory_space<vmem_shared>>) dst(%dma_wait3A_91 : memref<640x16xf32, #tpu.memory_space<hbm>>)
      tpu.yield
    }) : () -> ()
    return
  }
}

#map = affine_map<(d0, d1) -> (0, 0)>
#map1 = affine_map<(d0, d1) -> (0, 0, 0)>
module attributes {stable_mosaic.version = 14 : i64} {
  func.func @_sc_body(%arg0: i32, %arg1: i32, %arg2: memref<10240x16xf32, #tpu.memory_space<hbm>>, %arg3: memref<16x160x128xi32, #tpu.memory_space<hbm>>, %arg4: memref<16x160x128xi32, #tpu.memory_space<hbm>>, %arg5: memref<10240x16xf32, #tpu.memory_space<hbm>>, %arg6: memref<10240x16xf32, #tpu.memory_space<hbm>>, %arg7: memref<10240x16xf32, #tpu.memory_space<vmem_shared>>, %arg8: memref<10240x16xf32, #tpu.memory_space<vmem_shared>>, %arg9: memref<160x128xi32, #tpu.memory_space<vmem>>, %arg10: memref<160x128xi32, #tpu.memory_space<vmem>>, %arg11: memref<128x16xf32, #tpu.memory_space<vmem>>, %arg12: memref<128x16xf32, #tpu.memory_space<vmem>>, %arg13: memref<128x16xf32, #tpu.memory_space<vmem>>, %arg14: memref<128x16xf32, #tpu.memory_space<vmem>>, %arg15: memref<128x16xf32, #tpu.memory_space<vmem>>, %arg16: memref<128x16xf32, #tpu.memory_space<vmem>>, %arg17: memref<128x16xf32, #tpu.memory_space<vmem>>, %arg18: memref<128x16xf32, #tpu.memory_space<vmem>>, %arg19: memref<640x16xf32, #tpu.memory_space<vmem>>, %arg20: memref<640x16xf32, #tpu.memory_space<vmem>>, %arg21: memref<640x16xf32, #tpu.memory_space<vmem>>, %arg22: memref<640x16xf32, #tpu.memory_space<vmem>>, %arg23: memref<160x16xf32, #tpu.memory_space<vmem>>, %arg24: memref<!tpu.dma_semaphore, #tpu.memory_space<semaphore_mem>>, %arg25: memref<!tpu.dma_semaphore, #tpu.memory_space<semaphore_mem>>, %arg26: memref<!tpu.dma_semaphore, #tpu.memory_space<semaphore_mem>>, %arg27: memref<!tpu.dma_semaphore, #tpu.memory_space<semaphore_mem>>, %arg28: memref<!tpu.dma_semaphore, #tpu.memory_space<semaphore_mem>>, %arg29: memref<!tpu.dma_semaphore, #tpu.memory_space<semaphore_mem>>, %arg30: memref<!tpu.dma_semaphore, #tpu.memory_space<semaphore_mem>>, %arg31: memref<!tpu.dma_semaphore, #tpu.memory_space<semaphore_mem>>, %arg32: memref<!tpu.dma_semaphore, #tpu.memory_space<semaphore_mem>>, %arg33: memref<!tpu.dma_semaphore, #tpu.memory_space<semaphore_mem>>, %arg34: memref<!tpu.dma_semaphore, #tpu.memory_space<semaphore_mem>>, %arg35: memref<!tpu.dma_semaphore, #tpu.memory_space<semaphore_mem>>, %arg36: memref<!tpu.dma_semaphore, #tpu.memory_space<semaphore_mem>>, %arg37: memref<!tpu.dma_semaphore, #tpu.memory_space<semaphore_mem>>, %arg38: memref<!tpu.dma_semaphore, #tpu.memory_space<semaphore_mem>>, %arg39: memref<!tpu.dma_semaphore, #tpu.memory_space<semaphore_mem>>) attributes {dimension_semantics = [#tpu.dimension_semantics<core_parallel>, #tpu.dimension_semantics<subcore_parallel>], iteration_bounds = array<i64: 1, 16>, scalar_prefetch = 0 : i64, scratch_operands = 33 : i64, tpu.core_type = #tpu.core_type<sc_vector_subcore>, window_params = [{transform_indices = #map}, {transform_indices = #map1}, {transform_indices = #map1}, {transform_indices = #map}, {transform_indices = #map}]} {
    %mul3A = arith.constant 640 : i32
    %mul3A_0 = arith.muli %arg1, %mul3A : i32
    "tpu.region"() ({
      %run_scoped3A = tpu.sem_alloc : memref<!tpu.dma_semaphore, #tpu.memory_space<semaphore_mem>>
      %dma_start3A = arith.constant 0 : i32
      %dma_start3A_36 = arith.constant 0 : i32
      %dma_start3A_37 = tpu.memref_slice %arg3[%arg1, %dma_start3A, %dma_start3A_36] : memref<16x160x128xi32, #tpu.memory_space<hbm>> -> memref<1x160x128xi32, #tpu.memory_space<hbm>>
      %dma_start3A_38 = tpu.memref_squeeze %dma_start3A_37 : memref<1x160x128xi32, #tpu.memory_space<hbm>> -> memref<160x128xi32, #tpu.memory_space<hbm>>
      %dma_start3A_39 = arith.constant 0 : i32
      %dma_start3A_40 = arith.constant 0 : i32
      %dma_start3A_41 = tpu.memref_slice %arg3[%arg1, %dma_start3A_39, %dma_start3A_40] : memref<16x160x128xi32, #tpu.memory_space<hbm>> -> memref<1x160x128xi32, #tpu.memory_space<hbm>>
      %dma_start3A_42 = tpu.memref_squeeze %dma_start3A_41 : memref<1x160x128xi32, #tpu.memory_space<hbm>> -> memref<160x128xi32, #tpu.memory_space<hbm>>
      tpu.enqueue_dma source(%dma_start3A_42 : memref<160x128xi32, #tpu.memory_space<hbm>>) target(%arg9 : memref<160x128xi32, #tpu.memory_space<vmem>>) target_semaphore(%run_scoped3A : memref<!tpu.dma_semaphore, #tpu.memory_space<semaphore_mem>>)
      %dma_wait3A = arith.constant 0 : i32
      %dma_wait3A_43 = arith.constant 0 : i32
      %dma_wait3A_44 = tpu.memref_slice %arg3[%arg1, %dma_wait3A, %dma_wait3A_43] : memref<16x160x128xi32, #tpu.memory_space<hbm>> -> memref<1x160x128xi32, #tpu.memory_space<hbm>>
      %dma_wait3A_45 = tpu.memref_squeeze %dma_wait3A_44 : memref<1x160x128xi32, #tpu.memory_space<hbm>> -> memref<160x128xi32, #tpu.memory_space<hbm>>
      %dma_wait3A_46 = arith.constant 0 : i32
      %dma_wait3A_47 = arith.constant 0 : i32
      %dma_wait3A_48 = tpu.memref_slice %arg3[%arg1, %dma_wait3A_46, %dma_wait3A_47] : memref<16x160x128xi32, #tpu.memory_space<hbm>> -> memref<1x160x128xi32, #tpu.memory_space<hbm>>
      %dma_wait3A_49 = tpu.memref_squeeze %dma_wait3A_48 : memref<1x160x128xi32, #tpu.memory_space<hbm>> -> memref<160x128xi32, #tpu.memory_space<hbm>>
      tpu.wait_dma2 semaphore(%run_scoped3A : memref<!tpu.dma_semaphore, #tpu.memory_space<semaphore_mem>>) src(%dma_wait3A_49 : memref<160x128xi32, #tpu.memory_space<hbm>>) dst(%arg9 : memref<160x128xi32, #tpu.memory_space<vmem>>)
      tpu.yield
    }) : () -> ()
    "tpu.region"() ({
      %run_scoped3A = tpu.sem_alloc : memref<!tpu.dma_semaphore, #tpu.memory_space<semaphore_mem>>
      %dma_start3A = arith.constant 0 : i32
      %dma_start3A_36 = arith.constant 0 : i32
      %dma_start3A_37 = tpu.memref_slice %arg4[%arg1, %dma_start3A, %dma_start3A_36] : memref<16x160x128xi32, #tpu.memory_space<hbm>> -> memref<1x160x128xi32, #tpu.memory_space<hbm>>
      %dma_start3A_38 = tpu.memref_squeeze %dma_start3A_37 : memref<1x160x128xi32, #tpu.memory_space<hbm>> -> memref<160x128xi32, #tpu.memory_space<hbm>>
      %dma_start3A_39 = arith.constant 0 : i32
      %dma_start3A_40 = arith.constant 0 : i32
      %dma_start3A_41 = tpu.memref_slice %arg4[%arg1, %dma_start3A_39, %dma_start3A_40] : memref<16x160x128xi32, #tpu.memory_space<hbm>> -> memref<1x160x128xi32, #tpu.memory_space<hbm>>
      %dma_start3A_42 = tpu.memref_squeeze %dma_start3A_41 : memref<1x160x128xi32, #tpu.memory_space<hbm>> -> memref<160x128xi32, #tpu.memory_space<hbm>>
      tpu.enqueue_dma source(%dma_start3A_42 : memref<160x128xi32, #tpu.memory_space<hbm>>) target(%arg10 : memref<160x128xi32, #tpu.memory_space<vmem>>) target_semaphore(%run_scoped3A : memref<!tpu.dma_semaphore, #tpu.memory_space<semaphore_mem>>)
      %dma_wait3A = arith.constant 0 : i32
      %dma_wait3A_43 = arith.constant 0 : i32
      %dma_wait3A_44 = tpu.memref_slice %arg4[%arg1, %dma_wait3A, %dma_wait3A_43] : memref<16x160x128xi32, #tpu.memory_space<hbm>> -> memref<1x160x128xi32, #tpu.memory_space<hbm>>
      %dma_wait3A_45 = tpu.memref_squeeze %dma_wait3A_44 : memref<1x160x128xi32, #tpu.memory_space<hbm>> -> memref<160x128xi32, #tpu.memory_space<hbm>>
      %dma_wait3A_46 = arith.constant 0 : i32
      %dma_wait3A_47 = arith.constant 0 : i32
      %dma_wait3A_48 = tpu.memref_slice %arg4[%arg1, %dma_wait3A_46, %dma_wait3A_47] : memref<16x160x128xi32, #tpu.memory_space<hbm>> -> memref<1x160x128xi32, #tpu.memory_space<hbm>>
      %dma_wait3A_49 = tpu.memref_squeeze %dma_wait3A_48 : memref<1x160x128xi32, #tpu.memory_space<hbm>> -> memref<160x128xi32, #tpu.memory_space<hbm>>
      tpu.wait_dma2 semaphore(%run_scoped3A : memref<!tpu.dma_semaphore, #tpu.memory_space<semaphore_mem>>) src(%dma_wait3A_49 : memref<160x128xi32, #tpu.memory_space<hbm>>) dst(%arg10 : memref<160x128xi32, #tpu.memory_space<vmem>>)
      tpu.yield
    }) : () -> ()
    "tpu.region"() ({
      %run_scoped3A = tpu.sem_alloc : memref<!tpu.dma_semaphore, #tpu.memory_space<semaphore_mem>>
      %dma_start3A = arith.constant 0 : i32
      %dma_start3A_36 = tpu.memref_slice %arg2[%mul3A_0, %dma_start3A] : memref<10240x16xf32, #tpu.memory_space<hbm>> -> memref<640x16xf32, #tpu.memory_space<hbm>>
      %dma_start3A_37 = arith.constant 0 : i32
      %dma_start3A_38 = tpu.memref_slice %arg2[%mul3A_0, %dma_start3A_37] : memref<10240x16xf32, #tpu.memory_space<hbm>> -> memref<640x16xf32, #tpu.memory_space<hbm>>
      tpu.enqueue_dma source(%dma_start3A_38 : memref<640x16xf32, #tpu.memory_space<hbm>>) target(%arg21 : memref<640x16xf32, #tpu.memory_space<vmem>>) target_semaphore(%run_scoped3A : memref<!tpu.dma_semaphore, #tpu.memory_space<semaphore_mem>>)
      %dma_wait3A = arith.constant 0 : i32
      %dma_wait3A_39 = tpu.memref_slice %arg2[%mul3A_0, %dma_wait3A] : memref<10240x16xf32, #tpu.memory_space<hbm>> -> memref<640x16xf32, #tpu.memory_space<hbm>>
      %dma_wait3A_40 = arith.constant 0 : i32
      %dma_wait3A_41 = tpu.memref_slice %arg2[%mul3A_0, %dma_wait3A_40] : memref<10240x16xf32, #tpu.memory_space<hbm>> -> memref<640x16xf32, #tpu.memory_space<hbm>>
      tpu.wait_dma2 semaphore(%run_scoped3A : memref<!tpu.dma_semaphore, #tpu.memory_space<semaphore_mem>>) src(%dma_wait3A_41 : memref<640x16xf32, #tpu.memory_space<hbm>>) dst(%arg21 : memref<640x16xf32, #tpu.memory_space<vmem>>)
      tpu.yield
    }) : () -> ()
    %broadcast_in_dim3A = arith.constant 0.000000e+00 : f32
    %broadcast_in_dim3A_1 = vector.broadcast %broadcast_in_dim3A : f32 to vector<16xf32>
    %scan3A = arith.constant 0 : i32
    %scan3A_2 = arith.constant 0 : i32
    %scan3A_3 = arith.constant 160 : i32
    %scan3A_4 = arith.addi %scan3A_2, %scan3A_3 : i32
    %scan3A_5 = arith.constant 1 : i32
    %scan3A_6 = scf.for %scan3A_36 = %scan3A_2 to %scan3A_4 step %scan3A_5 iter_args(%scan3A_37 = %scan3A) -> (i32)  : i32 {
      %swap3A = arith.index_cast %scan3A_36 : i32 to index
      %swap3A_38 = arith.constant 0 : index
      %swap3A_39 = tpu.vector_load %arg23[%swap3A, %swap3A_38] {strides = array<i32>} : memref<160x16xf32, #tpu.memory_space<vmem>>, vector<1x16xf32>,
      %swap3A_40 = vector.shape_cast %swap3A_39 : vector<1x16xf32> to vector<16xf32>
      %swap3A_41 = vector.shape_cast %broadcast_in_dim3A_1 : vector<16xf32> to vector<1x16xf32>
      tpu.vector_store %arg23[%swap3A, %swap3A_38], %swap3A_41 {strides = array<i32>} : memref<160x16xf32, #tpu.memory_space<vmem>>, vector<1x16xf32>,
      %scan3A_42 = arith.constant 0 : i32
      scf.yield %scan3A_42 : i32
    }
    %scan3A_7 = arith.constant 160 : i32
    %add3A = arith.constant 0 : i32
    %add3A_8 = arith.addi %mul3A_0, %add3A : i32
    "tpu.region"() ({
      %run_scoped3A = tpu.sem_alloc : memref<!tpu.dma_semaphore, #tpu.memory_space<semaphore_mem>>
      %dma_start3A = arith.constant 0 : i32
      %dma_start3A_36 = tpu.memref_slice %arg7[%add3A_8, %dma_start3A] : memref<10240x16xf32, #tpu.memory_space<vmem_shared>> -> memref<160x16xf32, #tpu.memory_space<vmem_shared>>
      %dma_start3A_37 = arith.constant 0 : i32
      %dma_start3A_38 = tpu.memref_slice %arg7[%add3A_8, %dma_start3A_37] : memref<10240x16xf32, #tpu.memory_space<vmem_shared>> -> memref<160x16xf32, #tpu.memory_space<vmem_shared>>
      tpu.enqueue_dma source(%arg23 : memref<160x16xf32, #tpu.memory_space<vmem>>) target(%dma_start3A_38 : memref<160x16xf32, #tpu.memory_space<vmem_shared>>) target_semaphore(%run_scoped3A : memref<!tpu.dma_semaphore, #tpu.memory_space<semaphore_mem>>)
      %dma_wait3A = arith.constant 0 : i32
      %dma_wait3A_39 = tpu.memref_slice %arg7[%add3A_8, %dma_wait3A] : memref<10240x16xf32, #tpu.memory_space<vmem_shared>> -> memref<160x16xf32, #tpu.memory_space<vmem_shared>>
      %dma_wait3A_40 = arith.constant 0 : i32
      %dma_wait3A_41 = tpu.memref_slice %arg7[%add3A_8, %dma_wait3A_40] : memref<10240x16xf32, #tpu.memory_space<vmem_shared>> -> memref<160x16xf32, #tpu.memory_space<vmem_shared>>
      tpu.wait_dma2 semaphore(%run_scoped3A : memref<!tpu.dma_semaphore, #tpu.memory_space<semaphore_mem>>) src(%arg23 : memref<160x16xf32, #tpu.memory_space<vmem>>) dst(%dma_wait3A_41 : memref<160x16xf32, #tpu.memory_space<vmem_shared>>)
      tpu.yield
    }) : () -> ()
    %add3A_9 = arith.constant 160 : i32
    %add3A_10 = arith.addi %mul3A_0, %add3A_9 : i32
    "tpu.region"() ({
      %run_scoped3A = tpu.sem_alloc : memref<!tpu.dma_semaphore, #tpu.memory_space<semaphore_mem>>
      %dma_start3A = arith.constant 0 : i32
      %dma_start3A_36 = tpu.memref_slice %arg7[%add3A_10, %dma_start3A] : memref<10240x16xf32, #tpu.memory_space<vmem_shared>> -> memref<160x16xf32, #tpu.memory_space<vmem_shared>>
      %dma_start3A_37 = arith.constant 0 : i32
      %dma_start3A_38 = tpu.memref_slice %arg7[%add3A_10, %dma_start3A_37] : memref<10240x16xf32, #tpu.memory_space<vmem_shared>> -> memref<160x16xf32, #tpu.memory_space<vmem_shared>>
      tpu.enqueue_dma source(%arg23 : memref<160x16xf32, #tpu.memory_space<vmem>>) target(%dma_start3A_38 : memref<160x16xf32, #tpu.memory_space<vmem_shared>>) target_semaphore(%run_scoped3A : memref<!tpu.dma_semaphore, #tpu.memory_space<semaphore_mem>>)
      %dma_wait3A = arith.constant 0 : i32
      %dma_wait3A_39 = tpu.memref_slice %arg7[%add3A_10, %dma_wait3A] : memref<10240x16xf32, #tpu.memory_space<vmem_shared>> -> memref<160x16xf32, #tpu.memory_space<vmem_shared>>
      %dma_wait3A_40 = arith.constant 0 : i32
      %dma_wait3A_41 = tpu.memref_slice %arg7[%add3A_10, %dma_wait3A_40] : memref<10240x16xf32, #tpu.memory_space<vmem_shared>> -> memref<160x16xf32, #tpu.memory_space<vmem_shared>>
      tpu.wait_dma2 semaphore(%run_scoped3A : memref<!tpu.dma_semaphore, #tpu.memory_space<semaphore_mem>>) src(%arg23 : memref<160x16xf32, #tpu.memory_space<vmem>>) dst(%dma_wait3A_41 : memref<160x16xf32, #tpu.memory_space<vmem_shared>>)
      tpu.yield
    }) : () -> ()
    %add3A_11 = arith.constant 320 : i32
    %add3A_12 = arith.addi %mul3A_0, %add3A_11 : i32
    "tpu.region"() ({
      %run_scoped3A = tpu.sem_alloc : memref<!tpu.dma_semaphore, #tpu.memory_space<semaphore_mem>>
      %dma_start3A = arith.constant 0 : i32
      %dma_start3A_36 = tpu.memref_slice %arg7[%add3A_12, %dma_start3A] : memref<10240x16xf32, #tpu.memory_space<vmem_shared>> -> memref<160x16xf32, #tpu.memory_space<vmem_shared>>
      %dma_start3A_37 = arith.constant 0 : i32
      %dma_start3A_38 = tpu.memref_slice %arg7[%add3A_12, %dma_start3A_37] : memref<10240x16xf32, #tpu.memory_space<vmem_shared>> -> memref<160x16xf32, #tpu.memory_space<vmem_shared>>
      tpu.enqueue_dma source(%arg23 : memref<160x16xf32, #tpu.memory_space<vmem>>) target(%dma_start3A_38 : memref<160x16xf32, #tpu.memory_space<vmem_shared>>) target_semaphore(%run_scoped3A : memref<!tpu.dma_semaphore, #tpu.memory_space<semaphore_mem>>)
      %dma_wait3A = arith.constant 0 : i32
      %dma_wait3A_39 = tpu.memref_slice %arg7[%add3A_12, %dma_wait3A] : memref<10240x16xf32, #tpu.memory_space<vmem_shared>> -> memref<160x16xf32, #tpu.memory_space<vmem_shared>>
      %dma_wait3A_40 = arith.constant 0 : i32
      %dma_wait3A_41 = tpu.memref_slice %arg7[%add3A_12, %dma_wait3A_40] : memref<10240x16xf32, #tpu.memory_space<vmem_shared>> -> memref<160x16xf32, #tpu.memory_space<vmem_shared>>
      tpu.wait_dma2 semaphore(%run_scoped3A : memref<!tpu.dma_semaphore, #tpu.memory_space<semaphore_mem>>) src(%arg23 : memref<160x16xf32, #tpu.memory_space<vmem>>) dst(%dma_wait3A_41 : memref<160x16xf32, #tpu.memory_space<vmem_shared>>)
      tpu.yield
    }) : () -> ()
    %add3A_13 = arith.constant 480 : i32
    %add3A_14 = arith.addi %mul3A_0, %add3A_13 : i32
    "tpu.region"() ({
      %run_scoped3A = tpu.sem_alloc : memref<!tpu.dma_semaphore, #tpu.memory_space<semaphore_mem>>
      %dma_start3A = arith.constant 0 : i32
      %dma_start3A_36 = tpu.memref_slice %arg7[%add3A_14, %dma_start3A] : memref<10240x16xf32, #tpu.memory_space<vmem_shared>> -> memref<160x16xf32, #tpu.memory_space<vmem_shared>>
      %dma_start3A_37 = arith.constant 0 : i32
      %dma_start3A_38 = tpu.memref_slice %arg7[%add3A_14, %dma_start3A_37] : memref<10240x16xf32, #tpu.memory_space<vmem_shared>> -> memref<160x16xf32, #tpu.memory_space<vmem_shared>>
      tpu.enqueue_dma source(%arg23 : memref<160x16xf32, #tpu.memory_space<vmem>>) target(%dma_start3A_38 : memref<160x16xf32, #tpu.memory_space<vmem_shared>>) target_semaphore(%run_scoped3A : memref<!tpu.dma_semaphore, #tpu.memory_space<semaphore_mem>>)
      %dma_wait3A = arith.constant 0 : i32
      %dma_wait3A_39 = tpu.memref_slice %arg7[%add3A_14, %dma_wait3A] : memref<10240x16xf32, #tpu.memory_space<vmem_shared>> -> memref<160x16xf32, #tpu.memory_space<vmem_shared>>
      %dma_wait3A_40 = arith.constant 0 : i32
      %dma_wait3A_41 = tpu.memref_slice %arg7[%add3A_14, %dma_wait3A_40] : memref<10240x16xf32, #tpu.memory_space<vmem_shared>> -> memref<160x16xf32, #tpu.memory_space<vmem_shared>>
      tpu.wait_dma2 semaphore(%run_scoped3A : memref<!tpu.dma_semaphore, #tpu.memory_space<semaphore_mem>>) src(%arg23 : memref<160x16xf32, #tpu.memory_space<vmem>>) dst(%dma_wait3A_41 : memref<160x16xf32, #tpu.memory_space<vmem_shared>>)
      tpu.yield
    }) : () -> ()
    "tpu.region"() ({
      %run_scoped3A = tpu.sem_alloc : memref<!tpu.dma_semaphore, #tpu.memory_space<semaphore_mem>>
      %dma_start3A = arith.constant 0 : i32
      %dma_start3A_36 = tpu.memref_slice %arg5[%mul3A_0, %dma_start3A] : memref<10240x16xf32, #tpu.memory_space<hbm>> -> memref<640x16xf32, #tpu.memory_space<hbm>>
      %dma_start3A_37 = arith.constant 0 : i32
      %dma_start3A_38 = tpu.memref_slice %arg5[%mul3A_0, %dma_start3A_37] : memref<10240x16xf32, #tpu.memory_space<hbm>> -> memref<640x16xf32, #tpu.memory_space<hbm>>
      tpu.enqueue_dma source(%dma_start3A_38 : memref<640x16xf32, #tpu.memory_space<hbm>>) target(%arg22 : memref<640x16xf32, #tpu.memory_space<vmem>>) target_semaphore(%run_scoped3A : memref<!tpu.dma_semaphore, #tpu.memory_space<semaphore_mem>>)
      %dma_wait3A = arith.constant 0 : i32
      %dma_wait3A_39 = tpu.memref_slice %arg5[%mul3A_0, %dma_wait3A] : memref<10240x16xf32, #tpu.memory_space<hbm>> -> memref<640x16xf32, #tpu.memory_space<hbm>>
      %dma_wait3A_40 = arith.constant 0 : i32
      %dma_wait3A_41 = tpu.memref_slice %arg5[%mul3A_0, %dma_wait3A_40] : memref<10240x16xf32, #tpu.memory_space<hbm>> -> memref<640x16xf32, #tpu.memory_space<hbm>>
      tpu.wait_dma2 semaphore(%run_scoped3A : memref<!tpu.dma_semaphore, #tpu.memory_space<semaphore_mem>>) src(%dma_wait3A_41 : memref<640x16xf32, #tpu.memory_space<hbm>>) dst(%arg22 : memref<640x16xf32, #tpu.memory_space<vmem>>)
      tpu.yield
    }) : () -> ()
    %scan3A_15 = arith.constant 0 : i32
    %scan3A_16 = arith.constant 0 : i32
    %scan3A_17 = arith.constant 640 : i32
    %scan3A_18 = arith.addi %scan3A_16, %scan3A_17 : i32
    %scan3A_19 = arith.constant 1 : i32
    %scan3A_20 = scf.for %scan3A_36 = %scan3A_16 to %scan3A_18 step %scan3A_19 iter_args(%scan3A_37 = %scan3A_15) -> (i32)  : i32 {
      %get3A = arith.index_cast %scan3A_36 : i32 to index
      %get3A_38 = arith.constant 0 : index
      %get3A_39 = tpu.vector_load %arg22[%get3A, %get3A_38] {strides = array<i32>} : memref<640x16xf32, #tpu.memory_space<vmem>>, vector<1x16xf32>,
      %get3A_40 = vector.shape_cast %get3A_39 : vector<1x16xf32> to vector<16xf32>
      %add3A_41 = arith.constant 1.000000e+00 : f32
      %add3A_42 = vector.broadcast %add3A_41 : f32 to vector<16xf32>
      %add3A_43 = arith.addf %get3A_40, %add3A_42 : vector<16xf32>
      %bitcast_convert_type3A = tpu.bitcast %add3A_43 : vector<16xf32> -> vector<16xi32>
      %shift_right_logical3A = arith.constant 1 : i32
      %shift_right_logical3A_44 = vector.broadcast %shift_right_logical3A : i32 to vector<16xi32>
      %shift_right_logical3A_45 = arith.shrui %bitcast_convert_type3A, %shift_right_logical3A_44 : vector<16xi32>
      %sub3A = arith.constant 1597463007 : i32
      %sub3A_46 = vector.broadcast %sub3A : i32 to vector<16xi32>
      %sub3A_47 = arith.subi %sub3A_46, %shift_right_logical3A_45 : vector<16xi32>
      %bitcast_convert_type3A_48 = tpu.bitcast %sub3A_47 : vector<16xi32> -> vector<16xf32>
      %mul3A_49 = arith.constant 5.000000e-01 : f32
      %mul3A_50 = vector.broadcast %mul3A_49 : f32 to vector<16xf32>
      %mul3A_51 = arith.mulf %mul3A_50, %add3A_43 : vector<16xf32>
      %mul3A_52 = arith.mulf %mul3A_51, %bitcast_convert_type3A_48 : vector<16xf32>
      %mul3A_53 = arith.mulf %mul3A_52, %bitcast_convert_type3A_48 : vector<16xf32>
      %sub3A_54 = arith.constant 1.500000e+00 : f32
      %sub3A_55 = vector.broadcast %sub3A_54 : f32 to vector<16xf32>
      %sub3A_56 = arith.subf %sub3A_55, %mul3A_53 : vector<16xf32>
      %mul3A_57 = arith.mulf %bitcast_convert_type3A_48, %sub3A_56 : vector<16xf32>
      %mul3A_58 = arith.constant 5.000000e-01 : f32
      %mul3A_59 = vector.broadcast %mul3A_58 : f32 to vector<16xf32>
      %mul3A_60 = arith.mulf %mul3A_59, %add3A_43 : vector<16xf32>
      %mul3A_61 = arith.mulf %mul3A_60, %mul3A_57 : vector<16xf32>
      %mul3A_62 = arith.mulf %mul3A_61, %mul3A_57 : vector<16xf32>
      %sub3A_63 = arith.constant 1.500000e+00 : f32
      %sub3A_64 = vector.broadcast %sub3A_63 : f32 to vector<16xf32>
      %sub3A_65 = arith.subf %sub3A_64, %mul3A_62 : vector<16xf32>
      %mul3A_66 = arith.mulf %mul3A_57, %sub3A_65 : vector<16xf32>
      %mul3A_67 = arith.constant 5.000000e-01 : f32
      %mul3A_68 = vector.broadcast %mul3A_67 : f32 to vector<16xf32>
      %mul3A_69 = arith.mulf %mul3A_68, %add3A_43 : vector<16xf32>
      %mul3A_70 = arith.mulf %mul3A_69, %mul3A_66 : vector<16xf32>
      %mul3A_71 = arith.mulf %mul3A_70, %mul3A_66 : vector<16xf32>
      %sub3A_72 = arith.constant 1.500000e+00 : f32
      %sub3A_73 = vector.broadcast %sub3A_72 : f32 to vector<16xf32>
      %sub3A_74 = arith.subf %sub3A_73, %mul3A_71 : vector<16xf32>
      %mul3A_75 = arith.mulf %mul3A_66, %sub3A_74 : vector<16xf32>
      %get3A_76 = arith.index_cast %scan3A_36 : i32 to index
      %get3A_77 = arith.constant 0 : index
      %get3A_78 = tpu.vector_load %arg21[%get3A_76, %get3A_77] {strides = array<i32>} : memref<640x16xf32, #tpu.memory_space<vmem>>, vector<1x16xf32>,
      %get3A_79 = vector.shape_cast %get3A_78 : vector<1x16xf32> to vector<16xf32>
      %mul3A_80 = arith.constant 0.899999976 : f32
      %mul3A_81 = vector.broadcast %mul3A_80 : f32 to vector<16xf32>
      %mul3A_82 = arith.mulf %mul3A_81, %mul3A_75 : vector<16xf32>
      %mul3A_83 = arith.mulf %mul3A_82, %mul3A_75 : vector<16xf32>
      %swap3A = arith.index_cast %scan3A_36 : i32 to index
      %swap3A_84 = arith.constant 0 : index
      %swap3A_85 = tpu.vector_load %arg19[%swap3A, %swap3A_84] {strides = array<i32>} : memref<640x16xf32, #tpu.memory_space<vmem>>, vector<1x16xf32>,
      %swap3A_86 = vector.shape_cast %swap3A_85 : vector<1x16xf32> to vector<16xf32>
      %swap3A_87 = vector.shape_cast %mul3A_83 : vector<16xf32> to vector<1x16xf32>
      tpu.vector_store %arg19[%swap3A, %swap3A_84], %swap3A_87 {strides = array<i32>} : memref<640x16xf32, #tpu.memory_space<vmem>>, vector<1x16xf32>,
      %mul3A_88 = arith.constant 1.000000e-01 : f32
      %mul3A_89 = vector.broadcast %mul3A_88 : f32 to vector<16xf32>
      %mul3A_90 = arith.mulf %mul3A_89, %mul3A_75 : vector<16xf32>
      %mul3A_91 = arith.mulf %mul3A_90, %get3A_79 : vector<16xf32>
      %swap3A_92 = arith.index_cast %scan3A_36 : i32 to index
      %swap3A_93 = arith.constant 0 : index
      %swap3A_94 = tpu.vector_load %arg20[%swap3A_92, %swap3A_93] {strides = array<i32>} : memref<640x16xf32, #tpu.memory_space<vmem>>, vector<1x16xf32>,
      %swap3A_95 = vector.shape_cast %swap3A_94 : vector<1x16xf32> to vector<16xf32>
      %swap3A_96 = vector.shape_cast %mul3A_91 : vector<16xf32> to vector<1x16xf32>
      tpu.vector_store %arg20[%swap3A_92, %swap3A_93], %swap3A_96 {strides = array<i32>} : memref<640x16xf32, #tpu.memory_space<vmem>>, vector<1x16xf32>,
      %mul3A_97 = arith.mulf %mul3A_75, %get3A_79 : vector<16xf32>
      %swap3A_98 = arith.index_cast %scan3A_36 : i32 to index
      %swap3A_99 = arith.constant 0 : index
      %swap3A_100 = tpu.vector_load %arg21[%swap3A_98, %swap3A_99] {strides = array<i32>} : memref<640x16xf32, #tpu.memory_space<vmem>>, vector<1x16xf32>,
      %swap3A_101 = vector.shape_cast %swap3A_100 : vector<1x16xf32> to vector<16xf32>
      %swap3A_102 = vector.shape_cast %mul3A_97 : vector<16xf32> to vector<1x16xf32>
      tpu.vector_store %arg21[%swap3A_98, %swap3A_99], %swap3A_102 {strides = array<i32>} : memref<640x16xf32, #tpu.memory_space<vmem>>, vector<1x16xf32>,
      %scan3A_103 = arith.constant 0 : i32
      scf.yield %scan3A_103 : i32
    }
    %scan3A_21 = arith.constant 640 : i32
    "tpu.region"() ({
      %run_scoped3A = tpu.sem_alloc : memref<!tpu.dma_semaphore, #tpu.memory_space<semaphore_mem>>
      %dma_start3A = arith.constant 0 : i32
      %dma_start3A_36 = tpu.memref_slice %arg8[%mul3A_0, %dma_start3A] : memref<10240x16xf32, #tpu.memory_space<vmem_shared>> -> memref<640x16xf32, #tpu.memory_space<vmem_shared>>
      %dma_start3A_37 = arith.constant 0 : i32
      %dma_start3A_38 = tpu.memref_slice %arg8[%mul3A_0, %dma_start3A_37] : memref<10240x16xf32, #tpu.memory_space<vmem_shared>> -> memref<640x16xf32, #tpu.memory_space<vmem_shared>>
      tpu.enqueue_dma source(%arg21 : memref<640x16xf32, #tpu.memory_space<vmem>>) target(%dma_start3A_38 : memref<640x16xf32, #tpu.memory_space<vmem_shared>>) target_semaphore(%run_scoped3A : memref<!tpu.dma_semaphore, #tpu.memory_space<semaphore_mem>>)
      %dma_wait3A = arith.constant 0 : i32
      %dma_wait3A_39 = tpu.memref_slice %arg8[%mul3A_0, %dma_wait3A] : memref<10240x16xf32, #tpu.memory_space<vmem_shared>> -> memref<640x16xf32, #tpu.memory_space<vmem_shared>>
      %dma_wait3A_40 = arith.constant 0 : i32
      %dma_wait3A_41 = tpu.memref_slice %arg8[%mul3A_0, %dma_wait3A_40] : memref<10240x16xf32, #tpu.memory_space<vmem_shared>> -> memref<640x16xf32, #tpu.memory_space<vmem_shared>>
      tpu.wait_dma2 semaphore(%run_scoped3A : memref<!tpu.dma_semaphore, #tpu.memory_space<semaphore_mem>>) src(%arg21 : memref<640x16xf32, #tpu.memory_space<vmem>>) dst(%dma_wait3A_41 : memref<640x16xf32, #tpu.memory_space<vmem_shared>>)
      tpu.yield
    }) : () -> ()
    %barrier3A = arith.constant 0 : index
    tpu.barrier barrier_id(%barrier3A)
    %scan3A_22 = arith.constant 0 : i32
    %scan3A_23 = arith.constant 0 : i32
    %scan3A_24 = arith.constant 10 : i32
    %scan3A_25 = arith.addi %scan3A_23, %scan3A_24 : i32
    %scan3A_26 = arith.constant 1 : i32
    %scan3A_27 = scf.for %scan3A_36 = %scan3A_23 to %scan3A_25 step %scan3A_26 iter_args(%scan3A_37 = %scan3A_22) -> (i32)  : i32 {
      %dma_start3A = arith.constant 0 : i32
      %dma_start3A_38 = arith.constant 0 : i32
      %dma_start3A_39 = tpu.memref_slice %arg9[%dma_start3A, %dma_start3A_38] : memref<160x128xi32, #tpu.memory_space<vmem>> -> memref<1x128xi32, #tpu.memory_space<vmem>>
      %dma_start3A_40 = tpu.memref_squeeze %dma_start3A_39 : memref<1x128xi32, #tpu.memory_space<vmem>> -> memref<128xi32, #tpu.memory_space<vmem>>
      %dma_start3A_41 = arith.constant 0 : i32
      %dma_start3A_42 = arith.constant 0 : i32
      %dma_start3A_43 = tpu.memref_slice %arg8[%dma_start3A_41, %dma_start3A_42] : memref<10240x16xf32, #tpu.memory_space<vmem_shared>> -> memref<10240x16xf32, #tpu.memory_space<vmem_shared>>
      tpu.enqueue_indirect_dma source(%dma_start3A_43 : memref<10240x16xf32, #tpu.memory_space<vmem_shared>>) target(%arg11 : memref<128x16xf32, #tpu.memory_space<vmem>>) offsets(%dma_start3A_40 : memref<128xi32, #tpu.memory_space<vmem>>) semaphore(%arg24 : memref<!tpu.dma_semaphore, #tpu.memory_space<semaphore_mem>>)
      %dma_start3A_44 = arith.constant 1 : i32
      %dma_start3A_45 = arith.constant 0 : i32
      %dma_start3A_46 = tpu.memref_slice %arg9[%dma_start3A_44, %dma_start3A_45] : memref<160x128xi32, #tpu.memory_space<vmem>> -> memref<1x128xi32, #tpu.memory_space<vmem>>
      %dma_start3A_47 = tpu.memref_squeeze %dma_start3A_46 : memref<1x128xi32, #tpu.memory_space<vmem>> -> memref<128xi32, #tpu.memory_space<vmem>>
      %dma_start3A_48 = arith.constant 0 : i32
      %dma_start3A_49 = arith.constant 0 : i32
      %dma_start3A_50 = tpu.memref_slice %arg8[%dma_start3A_48, %dma_start3A_49] : memref<10240x16xf32, #tpu.memory_space<vmem_shared>> -> memref<10240x16xf32, #tpu.memory_space<vmem_shared>>
      tpu.enqueue_indirect_dma source(%dma_start3A_50 : memref<10240x16xf32, #tpu.memory_space<vmem_shared>>) target(%arg12 : memref<128x16xf32, #tpu.memory_space<vmem>>) offsets(%dma_start3A_47 : memref<128xi32, #tpu.memory_space<vmem>>) semaphore(%arg25 : memref<!tpu.dma_semaphore, #tpu.memory_space<semaphore_mem>>)
      %dma_start3A_51 = arith.constant 2 : i32
      %dma_start3A_52 = arith.constant 0 : i32
      %dma_start3A_53 = tpu.memref_slice %arg9[%dma_start3A_51, %dma_start3A_52] : memref<160x128xi32, #tpu.memory_space<vmem>> -> memref<1x128xi32, #tpu.memory_space<vmem>>
      %dma_start3A_54 = tpu.memref_squeeze %dma_start3A_53 : memref<1x128xi32, #tpu.memory_space<vmem>> -> memref<128xi32, #tpu.memory_space<vmem>>
      %dma_start3A_55 = arith.constant 0 : i32
      %dma_start3A_56 = arith.constant 0 : i32
      %dma_start3A_57 = tpu.memref_slice %arg8[%dma_start3A_55, %dma_start3A_56] : memref<10240x16xf32, #tpu.memory_space<vmem_shared>> -> memref<10240x16xf32, #tpu.memory_space<vmem_shared>>
      tpu.enqueue_indirect_dma source(%dma_start3A_57 : memref<10240x16xf32, #tpu.memory_space<vmem_shared>>) target(%arg13 : memref<128x16xf32, #tpu.memory_space<vmem>>) offsets(%dma_start3A_54 : memref<128xi32, #tpu.memory_space<vmem>>) semaphore(%arg26 : memref<!tpu.dma_semaphore, #tpu.memory_space<semaphore_mem>>)
      %dma_start3A_58 = arith.constant 3 : i32
      %dma_start3A_59 = arith.constant 0 : i32
      %dma_start3A_60 = tpu.memref_slice %arg9[%dma_start3A_58, %dma_start3A_59] : memref<160x128xi32, #tpu.memory_space<vmem>> -> memref<1x128xi32, #tpu.memory_space<vmem>>
      %dma_start3A_61 = tpu.memref_squeeze %dma_start3A_60 : memref<1x128xi32, #tpu.memory_space<vmem>> -> memref<128xi32, #tpu.memory_space<vmem>>
      %dma_start3A_62 = arith.constant 0 : i32
      %dma_start3A_63 = arith.constant 0 : i32
      %dma_start3A_64 = tpu.memref_slice %arg8[%dma_start3A_62, %dma_start3A_63] : memref<10240x16xf32, #tpu.memory_space<vmem_shared>> -> memref<10240x16xf32, #tpu.memory_space<vmem_shared>>
      tpu.enqueue_indirect_dma source(%dma_start3A_64 : memref<10240x16xf32, #tpu.memory_space<vmem_shared>>) target(%arg14 : memref<128x16xf32, #tpu.memory_space<vmem>>) offsets(%dma_start3A_61 : memref<128xi32, #tpu.memory_space<vmem>>) semaphore(%arg27 : memref<!tpu.dma_semaphore, #tpu.memory_space<semaphore_mem>>)
      %dma_start3A_65 = arith.constant 4 : i32
      %dma_start3A_66 = arith.constant 0 : i32
      %dma_start3A_67 = tpu.memref_slice %arg9[%dma_start3A_65, %dma_start3A_66] : memref<160x128xi32, #tpu.memory_space<vmem>> -> memref<1x128xi32, #tpu.memory_space<vmem>>
      %dma_start3A_68 = tpu.memref_squeeze %dma_start3A_67 : memref<1x128xi32, #tpu.memory_space<vmem>> -> memref<128xi32, #tpu.memory_space<vmem>>
      %dma_start3A_69 = arith.constant 0 : i32
      %dma_start3A_70 = arith.constant 0 : i32
      %dma_start3A_71 = tpu.memref_slice %arg8[%dma_start3A_69, %dma_start3A_70] : memref<10240x16xf32, #tpu.memory_space<vmem_shared>> -> memref<10240x16xf32, #tpu.memory_space<vmem_shared>>
      tpu.enqueue_indirect_dma source(%dma_start3A_71 : memref<10240x16xf32, #tpu.memory_space<vmem_shared>>) target(%arg15 : memref<128x16xf32, #tpu.memory_space<vmem>>) offsets(%dma_start3A_68 : memref<128xi32, #tpu.memory_space<vmem>>) semaphore(%arg28 : memref<!tpu.dma_semaphore, #tpu.memory_space<semaphore_mem>>)
      %dma_start3A_72 = arith.constant 5 : i32
      %dma_start3A_73 = arith.constant 0 : i32
      %dma_start3A_74 = tpu.memref_slice %arg9[%dma_start3A_72, %dma_start3A_73] : memref<160x128xi32, #tpu.memory_space<vmem>> -> memref<1x128xi32, #tpu.memory_space<vmem>>
      %dma_start3A_75 = tpu.memref_squeeze %dma_start3A_74 : memref<1x128xi32, #tpu.memory_space<vmem>> -> memref<128xi32, #tpu.memory_space<vmem>>
      %dma_start3A_76 = arith.constant 0 : i32
      %dma_start3A_77 = arith.constant 0 : i32
      %dma_start3A_78 = tpu.memref_slice %arg8[%dma_start3A_76, %dma_start3A_77] : memref<10240x16xf32, #tpu.memory_space<vmem_shared>> -> memref<10240x16xf32, #tpu.memory_space<vmem_shared>>
      tpu.enqueue_indirect_dma source(%dma_start3A_78 : memref<10240x16xf32, #tpu.memory_space<vmem_shared>>) target(%arg16 : memref<128x16xf32, #tpu.memory_space<vmem>>) offsets(%dma_start3A_75 : memref<128xi32, #tpu.memory_space<vmem>>) semaphore(%arg29 : memref<!tpu.dma_semaphore, #tpu.memory_space<semaphore_mem>>)
      %dma_start3A_79 = arith.constant 6 : i32
      %dma_start3A_80 = arith.constant 0 : i32
      %dma_start3A_81 = tpu.memref_slice %arg9[%dma_start3A_79, %dma_start3A_80] : memref<160x128xi32, #tpu.memory_space<vmem>> -> memref<1x128xi32, #tpu.memory_space<vmem>>
      %dma_start3A_82 = tpu.memref_squeeze %dma_start3A_81 : memref<1x128xi32, #tpu.memory_space<vmem>> -> memref<128xi32, #tpu.memory_space<vmem>>
      %dma_start3A_83 = arith.constant 0 : i32
      %dma_start3A_84 = arith.constant 0 : i32
      %dma_start3A_85 = tpu.memref_slice %arg8[%dma_start3A_83, %dma_start3A_84] : memref<10240x16xf32, #tpu.memory_space<vmem_shared>> -> memref<10240x16xf32, #tpu.memory_space<vmem_shared>>
      tpu.enqueue_indirect_dma source(%dma_start3A_85 : memref<10240x16xf32, #tpu.memory_space<vmem_shared>>) target(%arg17 : memref<128x16xf32, #tpu.memory_space<vmem>>) offsets(%dma_start3A_82 : memref<128xi32, #tpu.memory_space<vmem>>) semaphore(%arg30 : memref<!tpu.dma_semaphore, #tpu.memory_space<semaphore_mem>>)
      %dma_start3A_86 = arith.constant 7 : i32
      %dma_start3A_87 = arith.constant 0 : i32
      %dma_start3A_88 = tpu.memref_slice %arg9[%dma_start3A_86, %dma_start3A_87] : memref<160x128xi32, #tpu.memory_space<vmem>> -> memref<1x128xi32, #tpu.memory_space<vmem>>
      %dma_start3A_89 = tpu.memref_squeeze %dma_start3A_88 : memref<1x128xi32, #tpu.memory_space<vmem>> -> memref<128xi32, #tpu.memory_space<vmem>>
      %dma_start3A_90 = arith.constant 0 : i32
      %dma_start3A_91 = arith.constant 0 : i32
      %dma_start3A_92 = tpu.memref_slice %arg8[%dma_start3A_90, %dma_start3A_91] : memref<10240x16xf32, #tpu.memory_space<vmem_shared>> -> memref<10240x16xf32, #tpu.memory_space<vmem_shared>>
      tpu.enqueue_indirect_dma source(%dma_start3A_92 : memref<10240x16xf32, #tpu.memory_space<vmem_shared>>) target(%arg18 : memref<128x16xf32, #tpu.memory_space<vmem>>) offsets(%dma_start3A_89 : memref<128xi32, #tpu.memory_space<vmem>>) semaphore(%arg31 : memref<!tpu.dma_semaphore, #tpu.memory_space<semaphore_mem>>)
      %scan3A_93 = arith.constant 0 : i32
      %scan3A_94 = arith.constant 0 : i32
      %scan3A_95 = arith.constant 20 : i32
      %scan3A_96 = arith.addi %scan3A_94, %scan3A_95 : i32
      %scan3A_97 = arith.constant 1 : i32
      %scan3A_98 = scf.for %scan3A_173 = %scan3A_94 to %scan3A_96 step %scan3A_97 iter_args(%scan3A_174 = %scan3A_93) -> (i32)  : i32 {
        %mul3A_175 = arith.constant 8 : i32
        %mul3A_176 = arith.muli %mul3A_175, %scan3A_173 : i32
        %add3A_177 = arith.constant 0 : i32
        %add3A_178 = arith.addi %mul3A_176, %add3A_177 : i32
        %dma_wait3A_179 = arith.constant 0 : i32
        %dma_wait3A_180 = arith.constant 0 : i32
        %dma_wait3A_181 = tpu.memref_slice %arg9[%dma_wait3A_179, %dma_wait3A_180] : memref<160x128xi32, #tpu.memory_space<vmem>> -> memref<1x128xi32, #tpu.memory_space<vmem>>
        %dma_wait3A_182 = tpu.memref_squeeze %dma_wait3A_181 : memref<1x128xi32, #tpu.memory_space<vmem>> -> memref<128xi32, #tpu.memory_space<vmem>>
        %dma_wait3A_183 = arith.constant 0 : i32
        %dma_wait3A_184 = arith.constant 0 : i32
        %dma_wait3A_185 = tpu.memref_slice %arg8[%dma_wait3A_183, %dma_wait3A_184] : memref<10240x16xf32, #tpu.memory_space<vmem_shared>> -> memref<10240x16xf32, #tpu.memory_space<vmem_shared>>
        tpu.wait_indirect_dma semaphore(%arg24 : memref<!tpu.dma_semaphore, #tpu.memory_space<semaphore_mem>>) src(%dma_wait3A_185 : memref<10240x16xf32, #tpu.memory_space<vmem_shared>>) dst(%arg11 : memref<128x16xf32, #tpu.memory_space<vmem>>)
        %dma_start3A_186 = arith.constant 0 : i32
        %dma_start3A_187 = tpu.memref_slice %arg10[%add3A_178, %dma_start3A_186] : memref<160x128xi32, #tpu.memory_space<vmem>> -> memref<1x128xi32, #tpu.memory_space<vmem>>
        %dma_start3A_188 = tpu.memref_squeeze %dma_start3A_187 : memref<1x128xi32, #tpu.memory_space<vmem>> -> memref<128xi32, #tpu.memory_space<vmem>>
        %dma_start3A_189 = arith.constant 0 : i32
        %dma_start3A_190 = arith.constant 0 : i32
        %dma_start3A_191 = tpu.memref_slice %arg7[%dma_start3A_189, %dma_start3A_190] : memref<10240x16xf32, #tpu.memory_space<vmem_shared>> -> memref<10240x16xf32, #tpu.memory_space<vmem_shared>>
        tpu.enqueue_indirect_dma source(%arg11 : memref<128x16xf32, #tpu.memory_space<vmem>>) target(%dma_start3A_191 : memref<10240x16xf32, #tpu.memory_space<vmem_shared>>) offsets(%dma_start3A_188 : memref<128xi32, #tpu.memory_space<vmem>>) semaphore(%arg32 : memref<!tpu.dma_semaphore, #tpu.memory_space<semaphore_mem>>) {add = true}
        %sub3A = arith.constant 1 : i32
        %sub3A_192 = arith.subi %add3A_178, %sub3A : i32
        %ge3A = arith.constant 0 : i32
        %ge3A_193 = arith.cmpi sge, %sub3A_192, %ge3A : i32
        %add3A_194 = arith.constant 8 : i32
        %add3A_195 = arith.addi %sub3A_192, %add3A_194 : i32
        %lt3A = arith.constant 160 : i32
        %lt3A_196 = arith.cmpi slt, %add3A_195, %lt3A : i32
        %and3A = arith.andi %ge3A_193, %lt3A_196 : i1
        %convert_element_type3A = arith.extui %and3A : i1 to i32
        %cond3A = arith.constant 0 : i32
        %cond3A_197 = arith.cmpi ne, %convert_element_type3A, %cond3A : i32
        scf.if %cond3A_197 {
          %dma_wait3A_388 = arith.constant 0 : i32
          %dma_wait3A_389 = arith.constant 0 : i32
          %dma_wait3A_390 = tpu.memref_slice %arg10[%dma_wait3A_388, %dma_wait3A_389] : memref<160x128xi32, #tpu.memory_space<vmem>> -> memref<1x128xi32, #tpu.memory_space<vmem>>
          %dma_wait3A_391 = tpu.memref_squeeze %dma_wait3A_390 : memref<1x128xi32, #tpu.memory_space<vmem>> -> memref<128xi32, #tpu.memory_space<vmem>>
          %dma_wait3A_392 = arith.constant 0 : i32
          %dma_wait3A_393 = arith.constant 0 : i32
          %dma_wait3A_394 = tpu.memref_slice %arg7[%dma_wait3A_392, %dma_wait3A_393] : memref<10240x16xf32, #tpu.memory_space<vmem_shared>> -> memref<10240x16xf32, #tpu.memory_space<vmem_shared>>
          tpu.wait_indirect_dma semaphore(%arg39 : memref<!tpu.dma_semaphore, #tpu.memory_space<semaphore_mem>>) src(%arg18 : memref<128x16xf32, #tpu.memory_space<vmem>>) dst(%dma_wait3A_394 : memref<10240x16xf32, #tpu.memory_space<vmem_shared>>)
          %add3A_395 = arith.constant 8 : i32
          %add3A_396 = arith.addi %sub3A_192, %add3A_395 : i32
          %dma_start3A_397 = arith.constant 0 : i32
          %dma_start3A_398 = tpu.memref_slice %arg9[%add3A_396, %dma_start3A_397] : memref<160x128xi32, #tpu.memory_space<vmem>> -> memref<1x128xi32, #tpu.memory_space<vmem>>
          %dma_start3A_399 = tpu.memref_squeeze %dma_start3A_398 : memref<1x128xi32, #tpu.memory_space<vmem>> -> memref<128xi32, #tpu.memory_space<vmem>>
          %dma_start3A_400 = arith.constant 0 : i32
          %dma_start3A_401 = arith.constant 0 : i32
          %dma_start3A_402 = tpu.memref_slice %arg8[%dma_start3A_400, %dma_start3A_401] : memref<10240x16xf32, #tpu.memory_space<vmem_shared>> -> memref<10240x16xf32, #tpu.memory_space<vmem_shared>>
          tpu.enqueue_indirect_dma source(%dma_start3A_402 : memref<10240x16xf32, #tpu.memory_space<vmem_shared>>) target(%arg18 : memref<128x16xf32, #tpu.memory_space<vmem>>) offsets(%dma_start3A_399 : memref<128xi32, #tpu.memory_space<vmem>>) semaphore(%arg31 : memref<!tpu.dma_semaphore, #tpu.memory_space<semaphore_mem>>)
        } else {
        }
        %add3A_198 = arith.constant 1 : i32
        %add3A_199 = arith.addi %mul3A_176, %add3A_198 : i32
        %dma_wait3A_200 = arith.constant 0 : i32
        %dma_wait3A_201 = arith.constant 0 : i32
        %dma_wait3A_202 = tpu.memref_slice %arg9[%dma_wait3A_200, %dma_wait3A_201] : memref<160x128xi32, #tpu.memory_space<vmem>> -> memref<1x128xi32, #tpu.memory_space<vmem>>
        %dma_wait3A_203 = tpu.memref_squeeze %dma_wait3A_202 : memref<1x128xi32, #tpu.memory_space<vmem>> -> memref<128xi32, #tpu.memory_space<vmem>>
        %dma_wait3A_204 = arith.constant 0 : i32
        %dma_wait3A_205 = arith.constant 0 : i32
        %dma_wait3A_206 = tpu.memref_slice %arg8[%dma_wait3A_204, %dma_wait3A_205] : memref<10240x16xf32, #tpu.memory_space<vmem_shared>> -> memref<10240x16xf32, #tpu.memory_space<vmem_shared>>
        tpu.wait_indirect_dma semaphore(%arg25 : memref<!tpu.dma_semaphore, #tpu.memory_space<semaphore_mem>>) src(%dma_wait3A_206 : memref<10240x16xf32, #tpu.memory_space<vmem_shared>>) dst(%arg12 : memref<128x16xf32, #tpu.memory_space<vmem>>)
        %dma_start3A_207 = arith.constant 0 : i32
        %dma_start3A_208 = tpu.memref_slice %arg10[%add3A_199, %dma_start3A_207] : memref<160x128xi32, #tpu.memory_space<vmem>> -> memref<1x128xi32, #tpu.memory_space<vmem>>
        %dma_start3A_209 = tpu.memref_squeeze %dma_start3A_208 : memref<1x128xi32, #tpu.memory_space<vmem>> -> memref<128xi32, #tpu.memory_space<vmem>>
        %dma_start3A_210 = arith.constant 0 : i32
        %dma_start3A_211 = arith.constant 0 : i32
        %dma_start3A_212 = tpu.memref_slice %arg7[%dma_start3A_210, %dma_start3A_211] : memref<10240x16xf32, #tpu.memory_space<vmem_shared>> -> memref<10240x16xf32, #tpu.memory_space<vmem_shared>>
        tpu.enqueue_indirect_dma source(%arg12 : memref<128x16xf32, #tpu.memory_space<vmem>>) target(%dma_start3A_212 : memref<10240x16xf32, #tpu.memory_space<vmem_shared>>) offsets(%dma_start3A_209 : memref<128xi32, #tpu.memory_space<vmem>>) semaphore(%arg33 : memref<!tpu.dma_semaphore, #tpu.memory_space<semaphore_mem>>) {add = true}
        %sub3A_213 = arith.constant 1 : i32
        %sub3A_214 = arith.subi %add3A_199, %sub3A_213 : i32
        %ge3A_215 = arith.constant 0 : i32
        %ge3A_216 = arith.cmpi sge, %sub3A_214, %ge3A_215 : i32
        %add3A_217 = arith.constant 8 : i32
        %add3A_218 = arith.addi %sub3A_214, %add3A_217 : i32
        %lt3A_219 = arith.constant 160 : i32
        %lt3A_220 = arith.cmpi slt, %add3A_218, %lt3A_219 : i32
        %and3A_221 = arith.andi %ge3A_216, %lt3A_220 : i1
        %convert_element_type3A_222 = arith.extui %and3A_221 : i1 to i32
        %cond3A_223 = arith.constant 0 : i32
        %cond3A_224 = arith.cmpi ne, %convert_element_type3A_222, %cond3A_223 : i32
        scf.if %cond3A_224 {
          %dma_wait3A_388 = arith.constant 0 : i32
          %dma_wait3A_389 = arith.constant 0 : i32
          %dma_wait3A_390 = tpu.memref_slice %arg10[%dma_wait3A_388, %dma_wait3A_389] : memref<160x128xi32, #tpu.memory_space<vmem>> -> memref<1x128xi32, #tpu.memory_space<vmem>>
          %dma_wait3A_391 = tpu.memref_squeeze %dma_wait3A_390 : memref<1x128xi32, #tpu.memory_space<vmem>> -> memref<128xi32, #tpu.memory_space<vmem>>
          %dma_wait3A_392 = arith.constant 0 : i32
          %dma_wait3A_393 = arith.constant 0 : i32
          %dma_wait3A_394 = tpu.memref_slice %arg7[%dma_wait3A_392, %dma_wait3A_393] : memref<10240x16xf32, #tpu.memory_space<vmem_shared>> -> memref<10240x16xf32, #tpu.memory_space<vmem_shared>>
          tpu.wait_indirect_dma semaphore(%arg32 : memref<!tpu.dma_semaphore, #tpu.memory_space<semaphore_mem>>) src(%arg11 : memref<128x16xf32, #tpu.memory_space<vmem>>) dst(%dma_wait3A_394 : memref<10240x16xf32, #tpu.memory_space<vmem_shared>>)
          %add3A_395 = arith.constant 8 : i32
          %add3A_396 = arith.addi %sub3A_214, %add3A_395 : i32
          %dma_start3A_397 = arith.constant 0 : i32
          %dma_start3A_398 = tpu.memref_slice %arg9[%add3A_396, %dma_start3A_397] : memref<160x128xi32, #tpu.memory_space<vmem>> -> memref<1x128xi32, #tpu.memory_space<vmem>>
          %dma_start3A_399 = tpu.memref_squeeze %dma_start3A_398 : memref<1x128xi32, #tpu.memory_space<vmem>> -> memref<128xi32, #tpu.memory_space<vmem>>
          %dma_start3A_400 = arith.constant 0 : i32
          %dma_start3A_401 = arith.constant 0 : i32
          %dma_start3A_402 = tpu.memref_slice %arg8[%dma_start3A_400, %dma_start3A_401] : memref<10240x16xf32, #tpu.memory_space<vmem_shared>> -> memref<10240x16xf32, #tpu.memory_space<vmem_shared>>
          tpu.enqueue_indirect_dma source(%dma_start3A_402 : memref<10240x16xf32, #tpu.memory_space<vmem_shared>>) target(%arg11 : memref<128x16xf32, #tpu.memory_space<vmem>>) offsets(%dma_start3A_399 : memref<128xi32, #tpu.memory_space<vmem>>) semaphore(%arg24 : memref<!tpu.dma_semaphore, #tpu.memory_space<semaphore_mem>>)
        } else {
        }
        %add3A_225 = arith.constant 2 : i32
        %add3A_226 = arith.addi %mul3A_176, %add3A_225 : i32
        %dma_wait3A_227 = arith.constant 0 : i32
        %dma_wait3A_228 = arith.constant 0 : i32
        %dma_wait3A_229 = tpu.memref_slice %arg9[%dma_wait3A_227, %dma_wait3A_228] : memref<160x128xi32, #tpu.memory_space<vmem>> -> memref<1x128xi32, #tpu.memory_space<vmem>>
        %dma_wait3A_230 = tpu.memref_squeeze %dma_wait3A_229 : memref<1x128xi32, #tpu.memory_space<vmem>> -> memref<128xi32, #tpu.memory_space<vmem>>
        %dma_wait3A_231 = arith.constant 0 : i32
        %dma_wait3A_232 = arith.constant 0 : i32
        %dma_wait3A_233 = tpu.memref_slice %arg8[%dma_wait3A_231, %dma_wait3A_232] : memref<10240x16xf32, #tpu.memory_space<vmem_shared>> -> memref<10240x16xf32, #tpu.memory_space<vmem_shared>>
        tpu.wait_indirect_dma semaphore(%arg26 : memref<!tpu.dma_semaphore, #tpu.memory_space<semaphore_mem>>) src(%dma_wait3A_233 : memref<10240x16xf32, #tpu.memory_space<vmem_shared>>) dst(%arg13 : memref<128x16xf32, #tpu.memory_space<vmem>>)
        %dma_start3A_234 = arith.constant 0 : i32
        %dma_start3A_235 = tpu.memref_slice %arg10[%add3A_226, %dma_start3A_234] : memref<160x128xi32, #tpu.memory_space<vmem>> -> memref<1x128xi32, #tpu.memory_space<vmem>>
        %dma_start3A_236 = tpu.memref_squeeze %dma_start3A_235 : memref<1x128xi32, #tpu.memory_space<vmem>> -> memref<128xi32, #tpu.memory_space<vmem>>
        %dma_start3A_237 = arith.constant 0 : i32
        %dma_start3A_238 = arith.constant 0 : i32
        %dma_start3A_239 = tpu.memref_slice %arg7[%dma_start3A_237, %dma_start3A_238] : memref<10240x16xf32, #tpu.memory_space<vmem_shared>> -> memref<10240x16xf32, #tpu.memory_space<vmem_shared>>
        tpu.enqueue_indirect_dma source(%arg13 : memref<128x16xf32, #tpu.memory_space<vmem>>) target(%dma_start3A_239 : memref<10240x16xf32, #tpu.memory_space<vmem_shared>>) offsets(%dma_start3A_236 : memref<128xi32, #tpu.memory_space<vmem>>) semaphore(%arg34 : memref<!tpu.dma_semaphore, #tpu.memory_space<semaphore_mem>>) {add = true}
        %sub3A_240 = arith.constant 1 : i32
        %sub3A_241 = arith.subi %add3A_226, %sub3A_240 : i32
        %ge3A_242 = arith.constant 0 : i32
        %ge3A_243 = arith.cmpi sge, %sub3A_241, %ge3A_242 : i32
        %add3A_244 = arith.constant 8 : i32
        %add3A_245 = arith.addi %sub3A_241, %add3A_244 : i32
        %lt3A_246 = arith.constant 160 : i32
        %lt3A_247 = arith.cmpi slt, %add3A_245, %lt3A_246 : i32
        %and3A_248 = arith.andi %ge3A_243, %lt3A_247 : i1
        %convert_element_type3A_249 = arith.extui %and3A_248 : i1 to i32
        %cond3A_250 = arith.constant 0 : i32
        %cond3A_251 = arith.cmpi ne, %convert_element_type3A_249, %cond3A_250 : i32
        scf.if %cond3A_251 {
          %dma_wait3A_388 = arith.constant 0 : i32
          %dma_wait3A_389 = arith.constant 0 : i32
          %dma_wait3A_390 = tpu.memref_slice %arg10[%dma_wait3A_388, %dma_wait3A_389] : memref<160x128xi32, #tpu.memory_space<vmem>> -> memref<1x128xi32, #tpu.memory_space<vmem>>
          %dma_wait3A_391 = tpu.memref_squeeze %dma_wait3A_390 : memref<1x128xi32, #tpu.memory_space<vmem>> -> memref<128xi32, #tpu.memory_space<vmem>>
          %dma_wait3A_392 = arith.constant 0 : i32
          %dma_wait3A_393 = arith.constant 0 : i32
          %dma_wait3A_394 = tpu.memref_slice %arg7[%dma_wait3A_392, %dma_wait3A_393] : memref<10240x16xf32, #tpu.memory_space<vmem_shared>> -> memref<10240x16xf32, #tpu.memory_space<vmem_shared>>
          tpu.wait_indirect_dma semaphore(%arg33 : memref<!tpu.dma_semaphore, #tpu.memory_space<semaphore_mem>>) src(%arg12 : memref<128x16xf32, #tpu.memory_space<vmem>>) dst(%dma_wait3A_394 : memref<10240x16xf32, #tpu.memory_space<vmem_shared>>)
          %add3A_395 = arith.constant 8 : i32
          %add3A_396 = arith.addi %sub3A_241, %add3A_395 : i32
          %dma_start3A_397 = arith.constant 0 : i32
          %dma_start3A_398 = tpu.memref_slice %arg9[%add3A_396, %dma_start3A_397] : memref<160x128xi32, #tpu.memory_space<vmem>> -> memref<1x128xi32, #tpu.memory_space<vmem>>
          %dma_start3A_399 = tpu.memref_squeeze %dma_start3A_398 : memref<1x128xi32, #tpu.memory_space<vmem>> -> memref<128xi32, #tpu.memory_space<vmem>>
          %dma_start3A_400 = arith.constant 0 : i32
          %dma_start3A_401 = arith.constant 0 : i32
          %dma_start3A_402 = tpu.memref_slice %arg8[%dma_start3A_400, %dma_start3A_401] : memref<10240x16xf32, #tpu.memory_space<vmem_shared>> -> memref<10240x16xf32, #tpu.memory_space<vmem_shared>>
          tpu.enqueue_indirect_dma source(%dma_start3A_402 : memref<10240x16xf32, #tpu.memory_space<vmem_shared>>) target(%arg12 : memref<128x16xf32, #tpu.memory_space<vmem>>) offsets(%dma_start3A_399 : memref<128xi32, #tpu.memory_space<vmem>>) semaphore(%arg25 : memref<!tpu.dma_semaphore, #tpu.memory_space<semaphore_mem>>)
        } else {
        }
        %add3A_252 = arith.constant 3 : i32
        %add3A_253 = arith.addi %mul3A_176, %add3A_252 : i32
        %dma_wait3A_254 = arith.constant 0 : i32
        %dma_wait3A_255 = arith.constant 0 : i32
        %dma_wait3A_256 = tpu.memref_slice %arg9[%dma_wait3A_254, %dma_wait3A_255] : memref<160x128xi32, #tpu.memory_space<vmem>> -> memref<1x128xi32, #tpu.memory_space<vmem>>
        %dma_wait3A_257 = tpu.memref_squeeze %dma_wait3A_256 : memref<1x128xi32, #tpu.memory_space<vmem>> -> memref<128xi32, #tpu.memory_space<vmem>>
        %dma_wait3A_258 = arith.constant 0 : i32
        %dma_wait3A_259 = arith.constant 0 : i32
        %dma_wait3A_260 = tpu.memref_slice %arg8[%dma_wait3A_258, %dma_wait3A_259] : memref<10240x16xf32, #tpu.memory_space<vmem_shared>> -> memref<10240x16xf32, #tpu.memory_space<vmem_shared>>
        tpu.wait_indirect_dma semaphore(%arg27 : memref<!tpu.dma_semaphore, #tpu.memory_space<semaphore_mem>>) src(%dma_wait3A_260 : memref<10240x16xf32, #tpu.memory_space<vmem_shared>>) dst(%arg14 : memref<128x16xf32, #tpu.memory_space<vmem>>)
        %dma_start3A_261 = arith.constant 0 : i32
        %dma_start3A_262 = tpu.memref_slice %arg10[%add3A_253, %dma_start3A_261] : memref<160x128xi32, #tpu.memory_space<vmem>> -> memref<1x128xi32, #tpu.memory_space<vmem>>
        %dma_start3A_263 = tpu.memref_squeeze %dma_start3A_262 : memref<1x128xi32, #tpu.memory_space<vmem>> -> memref<128xi32, #tpu.memory_space<vmem>>
        %dma_start3A_264 = arith.constant 0 : i32
        %dma_start3A_265 = arith.constant 0 : i32
        %dma_start3A_266 = tpu.memref_slice %arg7[%dma_start3A_264, %dma_start3A_265] : memref<10240x16xf32, #tpu.memory_space<vmem_shared>> -> memref<10240x16xf32, #tpu.memory_space<vmem_shared>>
        tpu.enqueue_indirect_dma source(%arg14 : memref<128x16xf32, #tpu.memory_space<vmem>>) target(%dma_start3A_266 : memref<10240x16xf32, #tpu.memory_space<vmem_shared>>) offsets(%dma_start3A_263 : memref<128xi32, #tpu.memory_space<vmem>>) semaphore(%arg35 : memref<!tpu.dma_semaphore, #tpu.memory_space<semaphore_mem>>) {add = true}
        %sub3A_267 = arith.constant 1 : i32
        %sub3A_268 = arith.subi %add3A_253, %sub3A_267 : i32
        %ge3A_269 = arith.constant 0 : i32
        %ge3A_270 = arith.cmpi sge, %sub3A_268, %ge3A_269 : i32
        %add3A_271 = arith.constant 8 : i32
        %add3A_272 = arith.addi %sub3A_268, %add3A_271 : i32
        %lt3A_273 = arith.constant 160 : i32
        %lt3A_274 = arith.cmpi slt, %add3A_272, %lt3A_273 : i32
        %and3A_275 = arith.andi %ge3A_270, %lt3A_274 : i1
        %convert_element_type3A_276 = arith.extui %and3A_275 : i1 to i32
        %cond3A_277 = arith.constant 0 : i32
        %cond3A_278 = arith.cmpi ne, %convert_element_type3A_276, %cond3A_277 : i32
        scf.if %cond3A_278 {
          %dma_wait3A_388 = arith.constant 0 : i32
          %dma_wait3A_389 = arith.constant 0 : i32
          %dma_wait3A_390 = tpu.memref_slice %arg10[%dma_wait3A_388, %dma_wait3A_389] : memref<160x128xi32, #tpu.memory_space<vmem>> -> memref<1x128xi32, #tpu.memory_space<vmem>>
          %dma_wait3A_391 = tpu.memref_squeeze %dma_wait3A_390 : memref<1x128xi32, #tpu.memory_space<vmem>> -> memref<128xi32, #tpu.memory_space<vmem>>
          %dma_wait3A_392 = arith.constant 0 : i32
          %dma_wait3A_393 = arith.constant 0 : i32
          %dma_wait3A_394 = tpu.memref_slice %arg7[%dma_wait3A_392, %dma_wait3A_393] : memref<10240x16xf32, #tpu.memory_space<vmem_shared>> -> memref<10240x16xf32, #tpu.memory_space<vmem_shared>>
          tpu.wait_indirect_dma semaphore(%arg34 : memref<!tpu.dma_semaphore, #tpu.memory_space<semaphore_mem>>) src(%arg13 : memref<128x16xf32, #tpu.memory_space<vmem>>) dst(%dma_wait3A_394 : memref<10240x16xf32, #tpu.memory_space<vmem_shared>>)
          %add3A_395 = arith.constant 8 : i32
          %add3A_396 = arith.addi %sub3A_268, %add3A_395 : i32
          %dma_start3A_397 = arith.constant 0 : i32
          %dma_start3A_398 = tpu.memref_slice %arg9[%add3A_396, %dma_start3A_397] : memref<160x128xi32, #tpu.memory_space<vmem>> -> memref<1x128xi32, #tpu.memory_space<vmem>>
          %dma_start3A_399 = tpu.memref_squeeze %dma_start3A_398 : memref<1x128xi32, #tpu.memory_space<vmem>> -> memref<128xi32, #tpu.memory_space<vmem>>
          %dma_start3A_400 = arith.constant 0 : i32
          %dma_start3A_401 = arith.constant 0 : i32
          %dma_start3A_402 = tpu.memref_slice %arg8[%dma_start3A_400, %dma_start3A_401] : memref<10240x16xf32, #tpu.memory_space<vmem_shared>> -> memref<10240x16xf32, #tpu.memory_space<vmem_shared>>
          tpu.enqueue_indirect_dma source(%dma_start3A_402 : memref<10240x16xf32, #tpu.memory_space<vmem_shared>>) target(%arg13 : memref<128x16xf32, #tpu.memory_space<vmem>>) offsets(%dma_start3A_399 : memref<128xi32, #tpu.memory_space<vmem>>) semaphore(%arg26 : memref<!tpu.dma_semaphore, #tpu.memory_space<semaphore_mem>>)
        } else {
        }
        %add3A_279 = arith.constant 4 : i32
        %add3A_280 = arith.addi %mul3A_176, %add3A_279 : i32
        %dma_wait3A_281 = arith.constant 0 : i32
        %dma_wait3A_282 = arith.constant 0 : i32
        %dma_wait3A_283 = tpu.memref_slice %arg9[%dma_wait3A_281, %dma_wait3A_282] : memref<160x128xi32, #tpu.memory_space<vmem>> -> memref<1x128xi32, #tpu.memory_space<vmem>>
        %dma_wait3A_284 = tpu.memref_squeeze %dma_wait3A_283 : memref<1x128xi32, #tpu.memory_space<vmem>> -> memref<128xi32, #tpu.memory_space<vmem>>
        %dma_wait3A_285 = arith.constant 0 : i32
        %dma_wait3A_286 = arith.constant 0 : i32
        %dma_wait3A_287 = tpu.memref_slice %arg8[%dma_wait3A_285, %dma_wait3A_286] : memref<10240x16xf32, #tpu.memory_space<vmem_shared>> -> memref<10240x16xf32, #tpu.memory_space<vmem_shared>>
        tpu.wait_indirect_dma semaphore(%arg28 : memref<!tpu.dma_semaphore, #tpu.memory_space<semaphore_mem>>) src(%dma_wait3A_287 : memref<10240x16xf32, #tpu.memory_space<vmem_shared>>) dst(%arg15 : memref<128x16xf32, #tpu.memory_space<vmem>>)
        %dma_start3A_288 = arith.constant 0 : i32
        %dma_start3A_289 = tpu.memref_slice %arg10[%add3A_280, %dma_start3A_288] : memref<160x128xi32, #tpu.memory_space<vmem>> -> memref<1x128xi32, #tpu.memory_space<vmem>>
        %dma_start3A_290 = tpu.memref_squeeze %dma_start3A_289 : memref<1x128xi32, #tpu.memory_space<vmem>> -> memref<128xi32, #tpu.memory_space<vmem>>
        %dma_start3A_291 = arith.constant 0 : i32
        %dma_start3A_292 = arith.constant 0 : i32
        %dma_start3A_293 = tpu.memref_slice %arg7[%dma_start3A_291, %dma_start3A_292] : memref<10240x16xf32, #tpu.memory_space<vmem_shared>> -> memref<10240x16xf32, #tpu.memory_space<vmem_shared>>
        tpu.enqueue_indirect_dma source(%arg15 : memref<128x16xf32, #tpu.memory_space<vmem>>) target(%dma_start3A_293 : memref<10240x16xf32, #tpu.memory_space<vmem_shared>>) offsets(%dma_start3A_290 : memref<128xi32, #tpu.memory_space<vmem>>) semaphore(%arg36 : memref<!tpu.dma_semaphore, #tpu.memory_space<semaphore_mem>>) {add = true}
        %sub3A_294 = arith.constant 1 : i32
        %sub3A_295 = arith.subi %add3A_280, %sub3A_294 : i32
        %ge3A_296 = arith.constant 0 : i32
        %ge3A_297 = arith.cmpi sge, %sub3A_295, %ge3A_296 : i32
        %add3A_298 = arith.constant 8 : i32
        %add3A_299 = arith.addi %sub3A_295, %add3A_298 : i32
        %lt3A_300 = arith.constant 160 : i32
        %lt3A_301 = arith.cmpi slt, %add3A_299, %lt3A_300 : i32
        %and3A_302 = arith.andi %ge3A_297, %lt3A_301 : i1
        %convert_element_type3A_303 = arith.extui %and3A_302 : i1 to i32
        %cond3A_304 = arith.constant 0 : i32
        %cond3A_305 = arith.cmpi ne, %convert_element_type3A_303, %cond3A_304 : i32
        scf.if %cond3A_305 {
          %dma_wait3A_388 = arith.constant 0 : i32
          %dma_wait3A_389 = arith.constant 0 : i32
          %dma_wait3A_390 = tpu.memref_slice %arg10[%dma_wait3A_388, %dma_wait3A_389] : memref<160x128xi32, #tpu.memory_space<vmem>> -> memref<1x128xi32, #tpu.memory_space<vmem>>
          %dma_wait3A_391 = tpu.memref_squeeze %dma_wait3A_390 : memref<1x128xi32, #tpu.memory_space<vmem>> -> memref<128xi32, #tpu.memory_space<vmem>>
          %dma_wait3A_392 = arith.constant 0 : i32
          %dma_wait3A_393 = arith.constant 0 : i32
          %dma_wait3A_394 = tpu.memref_slice %arg7[%dma_wait3A_392, %dma_wait3A_393] : memref<10240x16xf32, #tpu.memory_space<vmem_shared>> -> memref<10240x16xf32, #tpu.memory_space<vmem_shared>>
          tpu.wait_indirect_dma semaphore(%arg35 : memref<!tpu.dma_semaphore, #tpu.memory_space<semaphore_mem>>) src(%arg14 : memref<128x16xf32, #tpu.memory_space<vmem>>) dst(%dma_wait3A_394 : memref<10240x16xf32, #tpu.memory_space<vmem_shared>>)
          %add3A_395 = arith.constant 8 : i32
          %add3A_396 = arith.addi %sub3A_295, %add3A_395 : i32
          %dma_start3A_397 = arith.constant 0 : i32
          %dma_start3A_398 = tpu.memref_slice %arg9[%add3A_396, %dma_start3A_397] : memref<160x128xi32, #tpu.memory_space<vmem>> -> memref<1x128xi32, #tpu.memory_space<vmem>>
          %dma_start3A_399 = tpu.memref_squeeze %dma_start3A_398 : memref<1x128xi32, #tpu.memory_space<vmem>> -> memref<128xi32, #tpu.memory_space<vmem>>
          %dma_start3A_400 = arith.constant 0 : i32
          %dma_start3A_401 = arith.constant 0 : i32
          %dma_start3A_402 = tpu.memref_slice %arg8[%dma_start3A_400, %dma_start3A_401] : memref<10240x16xf32, #tpu.memory_space<vmem_shared>> -> memref<10240x16xf32, #tpu.memory_space<vmem_shared>>
          tpu.enqueue_indirect_dma source(%dma_start3A_402 : memref<10240x16xf32, #tpu.memory_space<vmem_shared>>) target(%arg14 : memref<128x16xf32, #tpu.memory_space<vmem>>) offsets(%dma_start3A_399 : memref<128xi32, #tpu.memory_space<vmem>>) semaphore(%arg27 : memref<!tpu.dma_semaphore, #tpu.memory_space<semaphore_mem>>)
        } else {
        }
        %add3A_306 = arith.constant 5 : i32
        %add3A_307 = arith.addi %mul3A_176, %add3A_306 : i32
        %dma_wait3A_308 = arith.constant 0 : i32
        %dma_wait3A_309 = arith.constant 0 : i32
        %dma_wait3A_310 = tpu.memref_slice %arg9[%dma_wait3A_308, %dma_wait3A_309] : memref<160x128xi32, #tpu.memory_space<vmem>> -> memref<1x128xi32, #tpu.memory_space<vmem>>
        %dma_wait3A_311 = tpu.memref_squeeze %dma_wait3A_310 : memref<1x128xi32, #tpu.memory_space<vmem>> -> memref<128xi32, #tpu.memory_space<vmem>>
        %dma_wait3A_312 = arith.constant 0 : i32
        %dma_wait3A_313 = arith.constant 0 : i32
        %dma_wait3A_314 = tpu.memref_slice %arg8[%dma_wait3A_312, %dma_wait3A_313] : memref<10240x16xf32, #tpu.memory_space<vmem_shared>> -> memref<10240x16xf32, #tpu.memory_space<vmem_shared>>
        tpu.wait_indirect_dma semaphore(%arg29 : memref<!tpu.dma_semaphore, #tpu.memory_space<semaphore_mem>>) src(%dma_wait3A_314 : memref<10240x16xf32, #tpu.memory_space<vmem_shared>>) dst(%arg16 : memref<128x16xf32, #tpu.memory_space<vmem>>)
        %dma_start3A_315 = arith.constant 0 : i32
        %dma_start3A_316 = tpu.memref_slice %arg10[%add3A_307, %dma_start3A_315] : memref<160x128xi32, #tpu.memory_space<vmem>> -> memref<1x128xi32, #tpu.memory_space<vmem>>
        %dma_start3A_317 = tpu.memref_squeeze %dma_start3A_316 : memref<1x128xi32, #tpu.memory_space<vmem>> -> memref<128xi32, #tpu.memory_space<vmem>>
        %dma_start3A_318 = arith.constant 0 : i32
        %dma_start3A_319 = arith.constant 0 : i32
        %dma_start3A_320 = tpu.memref_slice %arg7[%dma_start3A_318, %dma_start3A_319] : memref<10240x16xf32, #tpu.memory_space<vmem_shared>> -> memref<10240x16xf32, #tpu.memory_space<vmem_shared>>
        tpu.enqueue_indirect_dma source(%arg16 : memref<128x16xf32, #tpu.memory_space<vmem>>) target(%dma_start3A_320 : memref<10240x16xf32, #tpu.memory_space<vmem_shared>>) offsets(%dma_start3A_317 : memref<128xi32, #tpu.memory_space<vmem>>) semaphore(%arg37 : memref<!tpu.dma_semaphore, #tpu.memory_space<semaphore_mem>>) {add = true}
        %sub3A_321 = arith.constant 1 : i32
        %sub3A_322 = arith.subi %add3A_307, %sub3A_321 : i32
        %ge3A_323 = arith.constant 0 : i32
        %ge3A_324 = arith.cmpi sge, %sub3A_322, %ge3A_323 : i32
        %add3A_325 = arith.constant 8 : i32
        %add3A_326 = arith.addi %sub3A_322, %add3A_325 : i32
        %lt3A_327 = arith.constant 160 : i32
        %lt3A_328 = arith.cmpi slt, %add3A_326, %lt3A_327 : i32
        %and3A_329 = arith.andi %ge3A_324, %lt3A_328 : i1
        %convert_element_type3A_330 = arith.extui %and3A_329 : i1 to i32
        %cond3A_331 = arith.constant 0 : i32
        %cond3A_332 = arith.cmpi ne, %convert_element_type3A_330, %cond3A_331 : i32
        scf.if %cond3A_332 {
          %dma_wait3A_388 = arith.constant 0 : i32
          %dma_wait3A_389 = arith.constant 0 : i32
          %dma_wait3A_390 = tpu.memref_slice %arg10[%dma_wait3A_388, %dma_wait3A_389] : memref<160x128xi32, #tpu.memory_space<vmem>> -> memref<1x128xi32, #tpu.memory_space<vmem>>
          %dma_wait3A_391 = tpu.memref_squeeze %dma_wait3A_390 : memref<1x128xi32, #tpu.memory_space<vmem>> -> memref<128xi32, #tpu.memory_space<vmem>>
          %dma_wait3A_392 = arith.constant 0 : i32
          %dma_wait3A_393 = arith.constant 0 : i32
          %dma_wait3A_394 = tpu.memref_slice %arg7[%dma_wait3A_392, %dma_wait3A_393] : memref<10240x16xf32, #tpu.memory_space<vmem_shared>> -> memref<10240x16xf32, #tpu.memory_space<vmem_shared>>
          tpu.wait_indirect_dma semaphore(%arg36 : memref<!tpu.dma_semaphore, #tpu.memory_space<semaphore_mem>>) src(%arg15 : memref<128x16xf32, #tpu.memory_space<vmem>>) dst(%dma_wait3A_394 : memref<10240x16xf32, #tpu.memory_space<vmem_shared>>)
          %add3A_395 = arith.constant 8 : i32
          %add3A_396 = arith.addi %sub3A_322, %add3A_395 : i32
          %dma_start3A_397 = arith.constant 0 : i32
          %dma_start3A_398 = tpu.memref_slice %arg9[%add3A_396, %dma_start3A_397] : memref<160x128xi32, #tpu.memory_space<vmem>> -> memref<1x128xi32, #tpu.memory_space<vmem>>
          %dma_start3A_399 = tpu.memref_squeeze %dma_start3A_398 : memref<1x128xi32, #tpu.memory_space<vmem>> -> memref<128xi32, #tpu.memory_space<vmem>>
          %dma_start3A_400 = arith.constant 0 : i32
          %dma_start3A_401 = arith.constant 0 : i32
          %dma_start3A_402 = tpu.memref_slice %arg8[%dma_start3A_400, %dma_start3A_401] : memref<10240x16xf32, #tpu.memory_space<vmem_shared>> -> memref<10240x16xf32, #tpu.memory_space<vmem_shared>>
          tpu.enqueue_indirect_dma source(%dma_start3A_402 : memref<10240x16xf32, #tpu.memory_space<vmem_shared>>) target(%arg15 : memref<128x16xf32, #tpu.memory_space<vmem>>) offsets(%dma_start3A_399 : memref<128xi32, #tpu.memory_space<vmem>>) semaphore(%arg28 : memref<!tpu.dma_semaphore, #tpu.memory_space<semaphore_mem>>)
        } else {
        }
        %add3A_333 = arith.constant 6 : i32
        %add3A_334 = arith.addi %mul3A_176, %add3A_333 : i32
        %dma_wait3A_335 = arith.constant 0 : i32
        %dma_wait3A_336 = arith.constant 0 : i32
        %dma_wait3A_337 = tpu.memref_slice %arg9[%dma_wait3A_335, %dma_wait3A_336] : memref<160x128xi32, #tpu.memory_space<vmem>> -> memref<1x128xi32, #tpu.memory_space<vmem>>
        %dma_wait3A_338 = tpu.memref_squeeze %dma_wait3A_337 : memref<1x128xi32, #tpu.memory_space<vmem>> -> memref<128xi32, #tpu.memory_space<vmem>>
        %dma_wait3A_339 = arith.constant 0 : i32
        %dma_wait3A_340 = arith.constant 0 : i32
        %dma_wait3A_341 = tpu.memref_slice %arg8[%dma_wait3A_339, %dma_wait3A_340] : memref<10240x16xf32, #tpu.memory_space<vmem_shared>> -> memref<10240x16xf32, #tpu.memory_space<vmem_shared>>
        tpu.wait_indirect_dma semaphore(%arg30 : memref<!tpu.dma_semaphore, #tpu.memory_space<semaphore_mem>>) src(%dma_wait3A_341 : memref<10240x16xf32, #tpu.memory_space<vmem_shared>>) dst(%arg17 : memref<128x16xf32, #tpu.memory_space<vmem>>)
        %dma_start3A_342 = arith.constant 0 : i32
        %dma_start3A_343 = tpu.memref_slice %arg10[%add3A_334, %dma_start3A_342] : memref<160x128xi32, #tpu.memory_space<vmem>> -> memref<1x128xi32, #tpu.memory_space<vmem>>
        %dma_start3A_344 = tpu.memref_squeeze %dma_start3A_343 : memref<1x128xi32, #tpu.memory_space<vmem>> -> memref<128xi32, #tpu.memory_space<vmem>>
        %dma_start3A_345 = arith.constant 0 : i32
        %dma_start3A_346 = arith.constant 0 : i32
        %dma_start3A_347 = tpu.memref_slice %arg7[%dma_start3A_345, %dma_start3A_346] : memref<10240x16xf32, #tpu.memory_space<vmem_shared>> -> memref<10240x16xf32, #tpu.memory_space<vmem_shared>>
        tpu.enqueue_indirect_dma source(%arg17 : memref<128x16xf32, #tpu.memory_space<vmem>>) target(%dma_start3A_347 : memref<10240x16xf32, #tpu.memory_space<vmem_shared>>) offsets(%dma_start3A_344 : memref<128xi32, #tpu.memory_space<vmem>>) semaphore(%arg38 : memref<!tpu.dma_semaphore, #tpu.memory_space<semaphore_mem>>) {add = true}
        %sub3A_348 = arith.constant 1 : i32
        %sub3A_349 = arith.subi %add3A_334, %sub3A_348 : i32
        %ge3A_350 = arith.constant 0 : i32
        %ge3A_351 = arith.cmpi sge, %sub3A_349, %ge3A_350 : i32
        %add3A_352 = arith.constant 8 : i32
        %add3A_353 = arith.addi %sub3A_349, %add3A_352 : i32
        %lt3A_354 = arith.constant 160 : i32
        %lt3A_355 = arith.cmpi slt, %add3A_353, %lt3A_354 : i32
        %and3A_356 = arith.andi %ge3A_351, %lt3A_355 : i1
        %convert_element_type3A_357 = arith.extui %and3A_356 : i1 to i32
        %cond3A_358 = arith.constant 0 : i32
        %cond3A_359 = arith.cmpi ne, %convert_element_type3A_357, %cond3A_358 : i32
        scf.if %cond3A_359 {
          %dma_wait3A_388 = arith.constant 0 : i32
          %dma_wait3A_389 = arith.constant 0 : i32
          %dma_wait3A_390 = tpu.memref_slice %arg10[%dma_wait3A_388, %dma_wait3A_389] : memref<160x128xi32, #tpu.memory_space<vmem>> -> memref<1x128xi32, #tpu.memory_space<vmem>>
          %dma_wait3A_391 = tpu.memref_squeeze %dma_wait3A_390 : memref<1x128xi32, #tpu.memory_space<vmem>> -> memref<128xi32, #tpu.memory_space<vmem>>
          %dma_wait3A_392 = arith.constant 0 : i32
          %dma_wait3A_393 = arith.constant 0 : i32
          %dma_wait3A_394 = tpu.memref_slice %arg7[%dma_wait3A_392, %dma_wait3A_393] : memref<10240x16xf32, #tpu.memory_space<vmem_shared>> -> memref<10240x16xf32, #tpu.memory_space<vmem_shared>>
          tpu.wait_indirect_dma semaphore(%arg37 : memref<!tpu.dma_semaphore, #tpu.memory_space<semaphore_mem>>) src(%arg16 : memref<128x16xf32, #tpu.memory_space<vmem>>) dst(%dma_wait3A_394 : memref<10240x16xf32, #tpu.memory_space<vmem_shared>>)
          %add3A_395 = arith.constant 8 : i32
          %add3A_396 = arith.addi %sub3A_349, %add3A_395 : i32
          %dma_start3A_397 = arith.constant 0 : i32
          %dma_start3A_398 = tpu.memref_slice %arg9[%add3A_396, %dma_start3A_397] : memref<160x128xi32, #tpu.memory_space<vmem>> -> memref<1x128xi32, #tpu.memory_space<vmem>>
          %dma_start3A_399 = tpu.memref_squeeze %dma_start3A_398 : memref<1x128xi32, #tpu.memory_space<vmem>> -> memref<128xi32, #tpu.memory_space<vmem>>
          %dma_start3A_400 = arith.constant 0 : i32
          %dma_start3A_401 = arith.constant 0 : i32
          %dma_start3A_402 = tpu.memref_slice %arg8[%dma_start3A_400, %dma_start3A_401] : memref<10240x16xf32, #tpu.memory_space<vmem_shared>> -> memref<10240x16xf32, #tpu.memory_space<vmem_shared>>
          tpu.enqueue_indirect_dma source(%dma_start3A_402 : memref<10240x16xf32, #tpu.memory_space<vmem_shared>>) target(%arg16 : memref<128x16xf32, #tpu.memory_space<vmem>>) offsets(%dma_start3A_399 : memref<128xi32, #tpu.memory_space<vmem>>) semaphore(%arg29 : memref<!tpu.dma_semaphore, #tpu.memory_space<semaphore_mem>>)
        } else {
        }
        %add3A_360 = arith.constant 7 : i32
        %add3A_361 = arith.addi %mul3A_176, %add3A_360 : i32
        %dma_wait3A_362 = arith.constant 0 : i32
        %dma_wait3A_363 = arith.constant 0 : i32
        %dma_wait3A_364 = tpu.memref_slice %arg9[%dma_wait3A_362, %dma_wait3A_363] : memref<160x128xi32, #tpu.memory_space<vmem>> -> memref<1x128xi32, #tpu.memory_space<vmem>>
        %dma_wait3A_365 = tpu.memref_squeeze %dma_wait3A_364 : memref<1x128xi32, #tpu.memory_space<vmem>> -> memref<128xi32, #tpu.memory_space<vmem>>
        %dma_wait3A_366 = arith.constant 0 : i32
        %dma_wait3A_367 = arith.constant 0 : i32
        %dma_wait3A_368 = tpu.memref_slice %arg8[%dma_wait3A_366, %dma_wait3A_367] : memref<10240x16xf32, #tpu.memory_space<vmem_shared>> -> memref<10240x16xf32, #tpu.memory_space<vmem_shared>>
        tpu.wait_indirect_dma semaphore(%arg31 : memref<!tpu.dma_semaphore, #tpu.memory_space<semaphore_mem>>) src(%dma_wait3A_368 : memref<10240x16xf32, #tpu.memory_space<vmem_shared>>) dst(%arg18 : memref<128x16xf32, #tpu.memory_space<vmem>>)
        %dma_start3A_369 = arith.constant 0 : i32
        %dma_start3A_370 = tpu.memref_slice %arg10[%add3A_361, %dma_start3A_369] : memref<160x128xi32, #tpu.memory_space<vmem>> -> memref<1x128xi32, #tpu.memory_space<vmem>>
        %dma_start3A_371 = tpu.memref_squeeze %dma_start3A_370 : memref<1x128xi32, #tpu.memory_space<vmem>> -> memref<128xi32, #tpu.memory_space<vmem>>
        %dma_start3A_372 = arith.constant 0 : i32
        %dma_start3A_373 = arith.constant 0 : i32
        %dma_start3A_374 = tpu.memref_slice %arg7[%dma_start3A_372, %dma_start3A_373] : memref<10240x16xf32, #tpu.memory_space<vmem_shared>> -> memref<10240x16xf32, #tpu.memory_space<vmem_shared>>
        tpu.enqueue_indirect_dma source(%arg18 : memref<128x16xf32, #tpu.memory_space<vmem>>) target(%dma_start3A_374 : memref<10240x16xf32, #tpu.memory_space<vmem_shared>>) offsets(%dma_start3A_371 : memref<128xi32, #tpu.memory_space<vmem>>) semaphore(%arg39 : memref<!tpu.dma_semaphore, #tpu.memory_space<semaphore_mem>>) {add = true}
        %sub3A_375 = arith.constant 1 : i32
        %sub3A_376 = arith.subi %add3A_361, %sub3A_375 : i32
        %ge3A_377 = arith.constant 0 : i32
        %ge3A_378 = arith.cmpi sge, %sub3A_376, %ge3A_377 : i32
        %add3A_379 = arith.constant 8 : i32
        %add3A_380 = arith.addi %sub3A_376, %add3A_379 : i32
        %lt3A_381 = arith.constant 160 : i32
        %lt3A_382 = arith.cmpi slt, %add3A_380, %lt3A_381 : i32
        %and3A_383 = arith.andi %ge3A_378, %lt3A_382 : i1
        %convert_element_type3A_384 = arith.extui %and3A_383 : i1 to i32
        %cond3A_385 = arith.constant 0 : i32
        %cond3A_386 = arith.cmpi ne, %convert_element_type3A_384, %cond3A_385 : i32
        scf.if %cond3A_386 {
          %dma_wait3A_388 = arith.constant 0 : i32
          %dma_wait3A_389 = arith.constant 0 : i32
          %dma_wait3A_390 = tpu.memref_slice %arg10[%dma_wait3A_388, %dma_wait3A_389] : memref<160x128xi32, #tpu.memory_space<vmem>> -> memref<1x128xi32, #tpu.memory_space<vmem>>
          %dma_wait3A_391 = tpu.memref_squeeze %dma_wait3A_390 : memref<1x128xi32, #tpu.memory_space<vmem>> -> memref<128xi32, #tpu.memory_space<vmem>>
          %dma_wait3A_392 = arith.constant 0 : i32
          %dma_wait3A_393 = arith.constant 0 : i32
          %dma_wait3A_394 = tpu.memref_slice %arg7[%dma_wait3A_392, %dma_wait3A_393] : memref<10240x16xf32, #tpu.memory_space<vmem_shared>> -> memref<10240x16xf32, #tpu.memory_space<vmem_shared>>
          tpu.wait_indirect_dma semaphore(%arg38 : memref<!tpu.dma_semaphore, #tpu.memory_space<semaphore_mem>>) src(%arg17 : memref<128x16xf32, #tpu.memory_space<vmem>>) dst(%dma_wait3A_394 : memref<10240x16xf32, #tpu.memory_space<vmem_shared>>)
          %add3A_395 = arith.constant 8 : i32
          %add3A_396 = arith.addi %sub3A_376, %add3A_395 : i32
          %dma_start3A_397 = arith.constant 0 : i32
          %dma_start3A_398 = tpu.memref_slice %arg9[%add3A_396, %dma_start3A_397] : memref<160x128xi32, #tpu.memory_space<vmem>> -> memref<1x128xi32, #tpu.memory_space<vmem>>
          %dma_start3A_399 = tpu.memref_squeeze %dma_start3A_398 : memref<1x128xi32, #tpu.memory_space<vmem>> -> memref<128xi32, #tpu.memory_space<vmem>>
          %dma_start3A_400 = arith.constant 0 : i32
          %dma_start3A_401 = arith.constant 0 : i32
          %dma_start3A_402 = tpu.memref_slice %arg8[%dma_start3A_400, %dma_start3A_401] : memref<10240x16xf32, #tpu.memory_space<vmem_shared>> -> memref<10240x16xf32, #tpu.memory_space<vmem_shared>>
          tpu.enqueue_indirect_dma source(%dma_start3A_402 : memref<10240x16xf32, #tpu.memory_space<vmem_shared>>) target(%arg17 : memref<128x16xf32, #tpu.memory_space<vmem>>) offsets(%dma_start3A_399 : memref<128xi32, #tpu.memory_space<vmem>>) semaphore(%arg30 : memref<!tpu.dma_semaphore, #tpu.memory_space<semaphore_mem>>)
        } else {
        }
        %scan3A_387 = arith.constant 0 : i32
        scf.yield %scan3A_387 : i32
      }
      %scan3A_99 = arith.constant 20 : i32
      %dma_wait3A = arith.constant 0 : i32
      %dma_wait3A_100 = arith.constant 0 : i32
      %dma_wait3A_101 = tpu.memref_slice %arg10[%dma_wait3A, %dma_wait3A_100] : memref<160x128xi32, #tpu.memory_space<vmem>> -> memref<1x128xi32, #tpu.memory_space<vmem>>
      %dma_wait3A_102 = tpu.memref_squeeze %dma_wait3A_101 : memref<1x128xi32, #tpu.memory_space<vmem>> -> memref<128xi32, #tpu.memory_space<vmem>>
      %dma_wait3A_103 = arith.constant 0 : i32
      %dma_wait3A_104 = arith.constant 0 : i32
      %dma_wait3A_105 = tpu.memref_slice %arg7[%dma_wait3A_103, %dma_wait3A_104] : memref<10240x16xf32, #tpu.memory_space<vmem_shared>> -> memref<10240x16xf32, #tpu.memory_space<vmem_shared>>
      tpu.wait_indirect_dma semaphore(%arg32 : memref<!tpu.dma_semaphore, #tpu.memory_space<semaphore_mem>>) src(%arg11 : memref<128x16xf32, #tpu.memory_space<vmem>>) dst(%dma_wait3A_105 : memref<10240x16xf32, #tpu.memory_space<vmem_shared>>)
      %dma_wait3A_106 = arith.constant 0 : i32
      %dma_wait3A_107 = arith.constant 0 : i32
      %dma_wait3A_108 = tpu.memref_slice %arg10[%dma_wait3A_106, %dma_wait3A_107] : memref<160x128xi32, #tpu.memory_space<vmem>> -> memref<1x128xi32, #tpu.memory_space<vmem>>
      %dma_wait3A_109 = tpu.memref_squeeze %dma_wait3A_108 : memref<1x128xi32, #tpu.memory_space<vmem>> -> memref<128xi32, #tpu.memory_space<vmem>>
      %dma_wait3A_110 = arith.constant 0 : i32
      %dma_wait3A_111 = arith.constant 0 : i32
      %dma_wait3A_112 = tpu.memref_slice %arg7[%dma_wait3A_110, %dma_wait3A_111] : memref<10240x16xf32, #tpu.memory_space<vmem_shared>> -> memref<10240x16xf32, #tpu.memory_space<vmem_shared>>
      tpu.wait_indirect_dma semaphore(%arg33 : memref<!tpu.dma_semaphore, #tpu.memory_space<semaphore_mem>>) src(%arg12 : memref<128x16xf32, #tpu.memory_space<vmem>>) dst(%dma_wait3A_112 : memref<10240x16xf32, #tpu.memory_space<vmem_shared>>)
      %dma_wait3A_113 = arith.constant 0 : i32
      %dma_wait3A_114 = arith.constant 0 : i32
      %dma_wait3A_115 = tpu.memref_slice %arg10[%dma_wait3A_113, %dma_wait3A_114] : memref<160x128xi32, #tpu.memory_space<vmem>> -> memref<1x128xi32, #tpu.memory_space<vmem>>
      %dma_wait3A_116 = tpu.memref_squeeze %dma_wait3A_115 : memref<1x128xi32, #tpu.memory_space<vmem>> -> memref<128xi32, #tpu.memory_space<vmem>>
      %dma_wait3A_117 = arith.constant 0 : i32
      %dma_wait3A_118 = arith.constant 0 : i32
      %dma_wait3A_119 = tpu.memref_slice %arg7[%dma_wait3A_117, %dma_wait3A_118] : memref<10240x16xf32, #tpu.memory_space<vmem_shared>> -> memref<10240x16xf32, #tpu.memory_space<vmem_shared>>
      tpu.wait_indirect_dma semaphore(%arg34 : memref<!tpu.dma_semaphore, #tpu.memory_space<semaphore_mem>>) src(%arg13 : memref<128x16xf32, #tpu.memory_space<vmem>>) dst(%dma_wait3A_119 : memref<10240x16xf32, #tpu.memory_space<vmem_shared>>)
      %dma_wait3A_120 = arith.constant 0 : i32
      %dma_wait3A_121 = arith.constant 0 : i32
      %dma_wait3A_122 = tpu.memref_slice %arg10[%dma_wait3A_120, %dma_wait3A_121] : memref<160x128xi32, #tpu.memory_space<vmem>> -> memref<1x128xi32, #tpu.memory_space<vmem>>
      %dma_wait3A_123 = tpu.memref_squeeze %dma_wait3A_122 : memref<1x128xi32, #tpu.memory_space<vmem>> -> memref<128xi32, #tpu.memory_space<vmem>>
      %dma_wait3A_124 = arith.constant 0 : i32
      %dma_wait3A_125 = arith.constant 0 : i32
      %dma_wait3A_126 = tpu.memref_slice %arg7[%dma_wait3A_124, %dma_wait3A_125] : memref<10240x16xf32, #tpu.memory_space<vmem_shared>> -> memref<10240x16xf32, #tpu.memory_space<vmem_shared>>
      tpu.wait_indirect_dma semaphore(%arg35 : memref<!tpu.dma_semaphore, #tpu.memory_space<semaphore_mem>>) src(%arg14 : memref<128x16xf32, #tpu.memory_space<vmem>>) dst(%dma_wait3A_126 : memref<10240x16xf32, #tpu.memory_space<vmem_shared>>)
      %dma_wait3A_127 = arith.constant 0 : i32
      %dma_wait3A_128 = arith.constant 0 : i32
      %dma_wait3A_129 = tpu.memref_slice %arg10[%dma_wait3A_127, %dma_wait3A_128] : memref<160x128xi32, #tpu.memory_space<vmem>> -> memref<1x128xi32, #tpu.memory_space<vmem>>
      %dma_wait3A_130 = tpu.memref_squeeze %dma_wait3A_129 : memref<1x128xi32, #tpu.memory_space<vmem>> -> memref<128xi32, #tpu.memory_space<vmem>>
      %dma_wait3A_131 = arith.constant 0 : i32
      %dma_wait3A_132 = arith.constant 0 : i32
      %dma_wait3A_133 = tpu.memref_slice %arg7[%dma_wait3A_131, %dma_wait3A_132] : memref<10240x16xf32, #tpu.memory_space<vmem_shared>> -> memref<10240x16xf32, #tpu.memory_space<vmem_shared>>
      tpu.wait_indirect_dma semaphore(%arg36 : memref<!tpu.dma_semaphore, #tpu.memory_space<semaphore_mem>>) src(%arg15 : memref<128x16xf32, #tpu.memory_space<vmem>>) dst(%dma_wait3A_133 : memref<10240x16xf32, #tpu.memory_space<vmem_shared>>)
      %dma_wait3A_134 = arith.constant 0 : i32
      %dma_wait3A_135 = arith.constant 0 : i32
      %dma_wait3A_136 = tpu.memref_slice %arg10[%dma_wait3A_134, %dma_wait3A_135] : memref<160x128xi32, #tpu.memory_space<vmem>> -> memref<1x128xi32, #tpu.memory_space<vmem>>
      %dma_wait3A_137 = tpu.memref_squeeze %dma_wait3A_136 : memref<1x128xi32, #tpu.memory_space<vmem>> -> memref<128xi32, #tpu.memory_space<vmem>>
      %dma_wait3A_138 = arith.constant 0 : i32
      %dma_wait3A_139 = arith.constant 0 : i32
      %dma_wait3A_140 = tpu.memref_slice %arg7[%dma_wait3A_138, %dma_wait3A_139] : memref<10240x16xf32, #tpu.memory_space<vmem_shared>> -> memref<10240x16xf32, #tpu.memory_space<vmem_shared>>
      tpu.wait_indirect_dma semaphore(%arg37 : memref<!tpu.dma_semaphore, #tpu.memory_space<semaphore_mem>>) src(%arg16 : memref<128x16xf32, #tpu.memory_space<vmem>>) dst(%dma_wait3A_140 : memref<10240x16xf32, #tpu.memory_space<vmem_shared>>)
      %dma_wait3A_141 = arith.constant 0 : i32
      %dma_wait3A_142 = arith.constant 0 : i32
      %dma_wait3A_143 = tpu.memref_slice %arg10[%dma_wait3A_141, %dma_wait3A_142] : memref<160x128xi32, #tpu.memory_space<vmem>> -> memref<1x128xi32, #tpu.memory_space<vmem>>
      %dma_wait3A_144 = tpu.memref_squeeze %dma_wait3A_143 : memref<1x128xi32, #tpu.memory_space<vmem>> -> memref<128xi32, #tpu.memory_space<vmem>>
      %dma_wait3A_145 = arith.constant 0 : i32
      %dma_wait3A_146 = arith.constant 0 : i32
      %dma_wait3A_147 = tpu.memref_slice %arg7[%dma_wait3A_145, %dma_wait3A_146] : memref<10240x16xf32, #tpu.memory_space<vmem_shared>> -> memref<10240x16xf32, #tpu.memory_space<vmem_shared>>
      tpu.wait_indirect_dma semaphore(%arg38 : memref<!tpu.dma_semaphore, #tpu.memory_space<semaphore_mem>>) src(%arg17 : memref<128x16xf32, #tpu.memory_space<vmem>>) dst(%dma_wait3A_147 : memref<10240x16xf32, #tpu.memory_space<vmem_shared>>)
      %dma_wait3A_148 = arith.constant 0 : i32
      %dma_wait3A_149 = arith.constant 0 : i32
      %dma_wait3A_150 = tpu.memref_slice %arg10[%dma_wait3A_148, %dma_wait3A_149] : memref<160x128xi32, #tpu.memory_space<vmem>> -> memref<1x128xi32, #tpu.memory_space<vmem>>
      %dma_wait3A_151 = tpu.memref_squeeze %dma_wait3A_150 : memref<1x128xi32, #tpu.memory_space<vmem>> -> memref<128xi32, #tpu.memory_space<vmem>>
      %dma_wait3A_152 = arith.constant 0 : i32
      %dma_wait3A_153 = arith.constant 0 : i32
      %dma_wait3A_154 = tpu.memref_slice %arg7[%dma_wait3A_152, %dma_wait3A_153] : memref<10240x16xf32, #tpu.memory_space<vmem_shared>> -> memref<10240x16xf32, #tpu.memory_space<vmem_shared>>
      tpu.wait_indirect_dma semaphore(%arg39 : memref<!tpu.dma_semaphore, #tpu.memory_space<semaphore_mem>>) src(%arg18 : memref<128x16xf32, #tpu.memory_space<vmem>>) dst(%dma_wait3A_154 : memref<10240x16xf32, #tpu.memory_space<vmem_shared>>)
      %barrier3A_155 = arith.constant 0 : index
      tpu.barrier barrier_id(%barrier3A_155)
      "tpu.region"() ({
        %run_scoped3A = tpu.sem_alloc : memref<!tpu.dma_semaphore, #tpu.memory_space<semaphore_mem>>
        %dma_start3A_173 = arith.constant 0 : i32
        %dma_start3A_174 = tpu.memref_slice %arg7[%mul3A_0, %dma_start3A_173] : memref<10240x16xf32, #tpu.memory_space<vmem_shared>> -> memref<640x16xf32, #tpu.memory_space<vmem_shared>>
        %dma_start3A_175 = arith.constant 0 : i32
        %dma_start3A_176 = tpu.memref_slice %arg7[%mul3A_0, %dma_start3A_175] : memref<10240x16xf32, #tpu.memory_space<vmem_shared>> -> memref<640x16xf32, #tpu.memory_space<vmem_shared>>
        tpu.enqueue_dma source(%dma_start3A_176 : memref<640x16xf32, #tpu.memory_space<vmem_shared>>) target(%arg22 : memref<640x16xf32, #tpu.memory_space<vmem>>) target_semaphore(%run_scoped3A : memref<!tpu.dma_semaphore, #tpu.memory_space<semaphore_mem>>)
        %dma_wait3A_177 = arith.constant 0 : i32
        %dma_wait3A_178 = tpu.memref_slice %arg7[%mul3A_0, %dma_wait3A_177] : memref<10240x16xf32, #tpu.memory_space<vmem_shared>> -> memref<640x16xf32, #tpu.memory_space<vmem_shared>>
        %dma_wait3A_179 = arith.constant 0 : i32
        %dma_wait3A_180 = tpu.memref_slice %arg7[%mul3A_0, %dma_wait3A_179] : memref<10240x16xf32, #tpu.memory_space<vmem_shared>> -> memref<640x16xf32, #tpu.memory_space<vmem_shared>>
        tpu.wait_dma2 semaphore(%run_scoped3A : memref<!tpu.dma_semaphore, #tpu.memory_space<semaphore_mem>>) src(%dma_wait3A_180 : memref<640x16xf32, #tpu.memory_space<vmem_shared>>) dst(%arg22 : memref<640x16xf32, #tpu.memory_space<vmem>>)
        tpu.yield
      }) : () -> ()
      %scan3A_156 = arith.constant 0 : i32
      %scan3A_157 = arith.constant 0 : i32
      %scan3A_158 = arith.constant 160 : i32
      %scan3A_159 = arith.addi %scan3A_157, %scan3A_158 : i32
      %scan3A_160 = arith.constant 1 : i32
      %scan3A_161 = scf.for %scan3A_173 = %scan3A_157 to %scan3A_159 step %scan3A_160 iter_args(%scan3A_174 = %scan3A_156) -> (i32)  : i32 {
        %mul3A_175 = arith.constant 4 : i32
        %mul3A_176 = arith.muli %mul3A_175, %scan3A_173 : i32
        %get3A = arith.index_cast %mul3A_176 : i32 to index
        %get3A_177 = arith.constant 0 : index
        %get3A_178 = tpu.vector_load %arg19[%get3A, %get3A_177] {strides = array<i32>} : memref<640x16xf32, #tpu.memory_space<vmem>>, vector<1x16xf32>,
        %get3A_179 = vector.shape_cast %get3A_178 : vector<1x16xf32> to vector<16xf32>
        %get3A_180 = arith.index_cast %mul3A_176 : i32 to index
        %get3A_181 = arith.constant 0 : index
        %get3A_182 = tpu.vector_load %arg22[%get3A_180, %get3A_181] {strides = array<i32>} : memref<640x16xf32, #tpu.memory_space<vmem>>, vector<1x16xf32>,
        %get3A_183 = vector.shape_cast %get3A_182 : vector<1x16xf32> to vector<16xf32>
        %get3A_184 = arith.index_cast %mul3A_176 : i32 to index
        %get3A_185 = arith.constant 0 : index
        %get3A_186 = tpu.vector_load %arg21[%get3A_184, %get3A_185] {strides = array<i32>} : memref<640x16xf32, #tpu.memory_space<vmem>>, vector<1x16xf32>,
        %get3A_187 = vector.shape_cast %get3A_186 : vector<1x16xf32> to vector<16xf32>
        %add3A_188 = arith.addf %get3A_183, %get3A_187 : vector<16xf32>
        %mul3A_189 = arith.mulf %get3A_179, %add3A_188 : vector<16xf32>
        %get3A_190 = arith.index_cast %mul3A_176 : i32 to index
        %get3A_191 = arith.constant 0 : index
        %get3A_192 = tpu.vector_load %arg20[%get3A_190, %get3A_191] {strides = array<i32>} : memref<640x16xf32, #tpu.memory_space<vmem>>, vector<1x16xf32>,
        %get3A_193 = vector.shape_cast %get3A_192 : vector<1x16xf32> to vector<16xf32>
        %add3A_194 = arith.addf %mul3A_189, %get3A_193 : vector<16xf32>
        %swap3A = arith.index_cast %mul3A_176 : i32 to index
        %swap3A_195 = arith.constant 0 : index
        %swap3A_196 = tpu.vector_load %arg21[%swap3A, %swap3A_195] {strides = array<i32>} : memref<640x16xf32, #tpu.memory_space<vmem>>, vector<1x16xf32>,
        %swap3A_197 = vector.shape_cast %swap3A_196 : vector<1x16xf32> to vector<16xf32>
        %swap3A_198 = vector.shape_cast %add3A_194 : vector<16xf32> to vector<1x16xf32>
        tpu.vector_store %arg21[%swap3A, %swap3A_195], %swap3A_198 {strides = array<i32>} : memref<640x16xf32, #tpu.memory_space<vmem>>, vector<1x16xf32>,
        %add3A_199 = arith.constant 1 : i32
        %add3A_200 = arith.addi %mul3A_176, %add3A_199 : i32
        %get3A_201 = arith.index_cast %add3A_200 : i32 to index
        %get3A_202 = arith.constant 0 : index
        %get3A_203 = tpu.vector_load %arg19[%get3A_201, %get3A_202] {strides = array<i32>} : memref<640x16xf32, #tpu.memory_space<vmem>>, vector<1x16xf32>,
        %get3A_204 = vector.shape_cast %get3A_203 : vector<1x16xf32> to vector<16xf32>
        %add3A_205 = arith.constant 1 : i32
        %add3A_206 = arith.addi %mul3A_176, %add3A_205 : i32
        %get3A_207 = arith.index_cast %add3A_206 : i32 to index
        %get3A_208 = arith.constant 0 : index
        %get3A_209 = tpu.vector_load %arg22[%get3A_207, %get3A_208] {strides = array<i32>} : memref<640x16xf32, #tpu.memory_space<vmem>>, vector<1x16xf32>,
        %get3A_210 = vector.shape_cast %get3A_209 : vector<1x16xf32> to vector<16xf32>
        %add3A_211 = arith.constant 1 : i32
        %add3A_212 = arith.addi %mul3A_176, %add3A_211 : i32
        %get3A_213 = arith.index_cast %add3A_212 : i32 to index
        %get3A_214 = arith.constant 0 : index
        %get3A_215 = tpu.vector_load %arg21[%get3A_213, %get3A_214] {strides = array<i32>} : memref<640x16xf32, #tpu.memory_space<vmem>>, vector<1x16xf32>,
        %get3A_216 = vector.shape_cast %get3A_215 : vector<1x16xf32> to vector<16xf32>
        %add3A_217 = arith.addf %get3A_210, %get3A_216 : vector<16xf32>
        %mul3A_218 = arith.mulf %get3A_204, %add3A_217 : vector<16xf32>
        %add3A_219 = arith.constant 1 : i32
        %add3A_220 = arith.addi %mul3A_176, %add3A_219 : i32
        %get3A_221 = arith.index_cast %add3A_220 : i32 to index
        %get3A_222 = arith.constant 0 : index
        %get3A_223 = tpu.vector_load %arg20[%get3A_221, %get3A_222] {strides = array<i32>} : memref<640x16xf32, #tpu.memory_space<vmem>>, vector<1x16xf32>,
        %get3A_224 = vector.shape_cast %get3A_223 : vector<1x16xf32> to vector<16xf32>
        %add3A_225 = arith.addf %mul3A_218, %get3A_224 : vector<16xf32>
        %add3A_226 = arith.constant 1 : i32
        %add3A_227 = arith.addi %mul3A_176, %add3A_226 : i32
        %swap3A_228 = arith.index_cast %add3A_227 : i32 to index
        %swap3A_229 = arith.constant 0 : index
        %swap3A_230 = tpu.vector_load %arg21[%swap3A_228, %swap3A_229] {strides = array<i32>} : memref<640x16xf32, #tpu.memory_space<vmem>>, vector<1x16xf32>,
        %swap3A_231 = vector.shape_cast %swap3A_230 : vector<1x16xf32> to vector<16xf32>
        %swap3A_232 = vector.shape_cast %add3A_225 : vector<16xf32> to vector<1x16xf32>
        tpu.vector_store %arg21[%swap3A_228, %swap3A_229], %swap3A_232 {strides = array<i32>} : memref<640x16xf32, #tpu.memory_space<vmem>>, vector<1x16xf32>,
        %add3A_233 = arith.constant 2 : i32
        %add3A_234 = arith.addi %mul3A_176, %add3A_233 : i32
        %get3A_235 = arith.index_cast %add3A_234 : i32 to index
        %get3A_236 = arith.constant 0 : index
        %get3A_237 = tpu.vector_load %arg19[%get3A_235, %get3A_236] {strides = array<i32>} : memref<640x16xf32, #tpu.memory_space<vmem>>, vector<1x16xf32>,
        %get3A_238 = vector.shape_cast %get3A_237 : vector<1x16xf32> to vector<16xf32>
        %add3A_239 = arith.constant 2 : i32
        %add3A_240 = arith.addi %mul3A_176, %add3A_239 : i32
        %get3A_241 = arith.index_cast %add3A_240 : i32 to index
        %get3A_242 = arith.constant 0 : index
        %get3A_243 = tpu.vector_load %arg22[%get3A_241, %get3A_242] {strides = array<i32>} : memref<640x16xf32, #tpu.memory_space<vmem>>, vector<1x16xf32>,
        %get3A_244 = vector.shape_cast %get3A_243 : vector<1x16xf32> to vector<16xf32>
        %add3A_245 = arith.constant 2 : i32
        %add3A_246 = arith.addi %mul3A_176, %add3A_245 : i32
        %get3A_247 = arith.index_cast %add3A_246 : i32 to index
        %get3A_248 = arith.constant 0 : index
        %get3A_249 = tpu.vector_load %arg21[%get3A_247, %get3A_248] {strides = array<i32>} : memref<640x16xf32, #tpu.memory_space<vmem>>, vector<1x16xf32>,
        %get3A_250 = vector.shape_cast %get3A_249 : vector<1x16xf32> to vector<16xf32>
        %add3A_251 = arith.addf %get3A_244, %get3A_250 : vector<16xf32>
        %mul3A_252 = arith.mulf %get3A_238, %add3A_251 : vector<16xf32>
        %add3A_253 = arith.constant 2 : i32
        %add3A_254 = arith.addi %mul3A_176, %add3A_253 : i32
        %get3A_255 = arith.index_cast %add3A_254 : i32 to index
        %get3A_256 = arith.constant 0 : index
        %get3A_257 = tpu.vector_load %arg20[%get3A_255, %get3A_256] {strides = array<i32>} : memref<640x16xf32, #tpu.memory_space<vmem>>, vector<1x16xf32>,
        %get3A_258 = vector.shape_cast %get3A_257 : vector<1x16xf32> to vector<16xf32>
        %add3A_259 = arith.addf %mul3A_252, %get3A_258 : vector<16xf32>
        %add3A_260 = arith.constant 2 : i32
        %add3A_261 = arith.addi %mul3A_176, %add3A_260 : i32
        %swap3A_262 = arith.index_cast %add3A_261 : i32 to index
        %swap3A_263 = arith.constant 0 : index
        %swap3A_264 = tpu.vector_load %arg21[%swap3A_262, %swap3A_263] {strides = array<i32>} : memref<640x16xf32, #tpu.memory_space<vmem>>, vector<1x16xf32>,
        %swap3A_265 = vector.shape_cast %swap3A_264 : vector<1x16xf32> to vector<16xf32>
        %swap3A_266 = vector.shape_cast %add3A_259 : vector<16xf32> to vector<1x16xf32>
        tpu.vector_store %arg21[%swap3A_262, %swap3A_263], %swap3A_266 {strides = array<i32>} : memref<640x16xf32, #tpu.memory_space<vmem>>, vector<1x16xf32>,
        %add3A_267 = arith.constant 3 : i32
        %add3A_268 = arith.addi %mul3A_176, %add3A_267 : i32
        %get3A_269 = arith.index_cast %add3A_268 : i32 to index
        %get3A_270 = arith.constant 0 : index
        %get3A_271 = tpu.vector_load %arg19[%get3A_269, %get3A_270] {strides = array<i32>} : memref<640x16xf32, #tpu.memory_space<vmem>>, vector<1x16xf32>,
        %get3A_272 = vector.shape_cast %get3A_271 : vector<1x16xf32> to vector<16xf32>
        %add3A_273 = arith.constant 3 : i32
        %add3A_274 = arith.addi %mul3A_176, %add3A_273 : i32
        %get3A_275 = arith.index_cast %add3A_274 : i32 to index
        %get3A_276 = arith.constant 0 : index
        %get3A_277 = tpu.vector_load %arg22[%get3A_275, %get3A_276] {strides = array<i32>} : memref<640x16xf32, #tpu.memory_space<vmem>>, vector<1x16xf32>,
        %get3A_278 = vector.shape_cast %get3A_277 : vector<1x16xf32> to vector<16xf32>
        %add3A_279 = arith.constant 3 : i32
        %add3A_280 = arith.addi %mul3A_176, %add3A_279 : i32
        %get3A_281 = arith.index_cast %add3A_280 : i32 to index
        %get3A_282 = arith.constant 0 : index
        %get3A_283 = tpu.vector_load %arg21[%get3A_281, %get3A_282] {strides = array<i32>} : memref<640x16xf32, #tpu.memory_space<vmem>>, vector<1x16xf32>,
        %get3A_284 = vector.shape_cast %get3A_283 : vector<1x16xf32> to vector<16xf32>
        %add3A_285 = arith.addf %get3A_278, %get3A_284 : vector<16xf32>
        %mul3A_286 = arith.mulf %get3A_272, %add3A_285 : vector<16xf32>
        %add3A_287 = arith.constant 3 : i32
        %add3A_288 = arith.addi %mul3A_176, %add3A_287 : i32
        %get3A_289 = arith.index_cast %add3A_288 : i32 to index
        %get3A_290 = arith.constant 0 : index
        %get3A_291 = tpu.vector_load %arg20[%get3A_289, %get3A_290] {strides = array<i32>} : memref<640x16xf32, #tpu.memory_space<vmem>>, vector<1x16xf32>,
        %get3A_292 = vector.shape_cast %get3A_291 : vector<1x16xf32> to vector<16xf32>
        %add3A_293 = arith.addf %mul3A_286, %get3A_292 : vector<16xf32>
        %add3A_294 = arith.constant 3 : i32
        %add3A_295 = arith.addi %mul3A_176, %add3A_294 : i32
        %swap3A_296 = arith.index_cast %add3A_295 : i32 to index
        %swap3A_297 = arith.constant 0 : index
        %swap3A_298 = tpu.vector_load %arg21[%swap3A_296, %swap3A_297] {strides = array<i32>} : memref<640x16xf32, #tpu.memory_space<vmem>>, vector<1x16xf32>,
        %swap3A_299 = vector.shape_cast %swap3A_298 : vector<1x16xf32> to vector<16xf32>
        %swap3A_300 = vector.shape_cast %add3A_293 : vector<16xf32> to vector<1x16xf32>
        tpu.vector_store %arg21[%swap3A_296, %swap3A_297], %swap3A_300 {strides = array<i32>} : memref<640x16xf32, #tpu.memory_space<vmem>>, vector<1x16xf32>,
        %scan3A_301 = arith.constant 0 : i32
        scf.yield %scan3A_301 : i32
      }
      %scan3A_162 = arith.constant 160 : i32
      %add3A_163 = arith.constant 0 : i32
      %add3A_164 = arith.addi %mul3A_0, %add3A_163 : i32
      "tpu.region"() ({
        %run_scoped3A = tpu.sem_alloc : memref<!tpu.dma_semaphore, #tpu.memory_space<semaphore_mem>>
        %dma_start3A_173 = arith.constant 0 : i32
        %dma_start3A_174 = tpu.memref_slice %arg7[%add3A_164, %dma_start3A_173] : memref<10240x16xf32, #tpu.memory_space<vmem_shared>> -> memref<160x16xf32, #tpu.memory_space<vmem_shared>>
        %dma_start3A_175 = arith.constant 0 : i32
        %dma_start3A_176 = tpu.memref_slice %arg7[%add3A_164, %dma_start3A_175] : memref<10240x16xf32, #tpu.memory_space<vmem_shared>> -> memref<160x16xf32, #tpu.memory_space<vmem_shared>>
        tpu.enqueue_dma source(%arg23 : memref<160x16xf32, #tpu.memory_space<vmem>>) target(%dma_start3A_176 : memref<160x16xf32, #tpu.memory_space<vmem_shared>>) target_semaphore(%run_scoped3A : memref<!tpu.dma_semaphore, #tpu.memory_space<semaphore_mem>>)
        %dma_wait3A_177 = arith.constant 0 : i32
        %dma_wait3A_178 = tpu.memref_slice %arg7[%add3A_164, %dma_wait3A_177] : memref<10240x16xf32, #tpu.memory_space<vmem_shared>> -> memref<160x16xf32, #tpu.memory_space<vmem_shared>>
        %dma_wait3A_179 = arith.constant 0 : i32
        %dma_wait3A_180 = tpu.memref_slice %arg7[%add3A_164, %dma_wait3A_179] : memref<10240x16xf32, #tpu.memory_space<vmem_shared>> -> memref<160x16xf32, #tpu.memory_space<vmem_shared>>
        tpu.wait_dma2 semaphore(%run_scoped3A : memref<!tpu.dma_semaphore, #tpu.memory_space<semaphore_mem>>) src(%arg23 : memref<160x16xf32, #tpu.memory_space<vmem>>) dst(%dma_wait3A_180 : memref<160x16xf32, #tpu.memory_space<vmem_shared>>)
        tpu.yield
      }) : () -> ()
      %add3A_165 = arith.constant 160 : i32
      %add3A_166 = arith.addi %mul3A_0, %add3A_165 : i32
      "tpu.region"() ({
        %run_scoped3A = tpu.sem_alloc : memref<!tpu.dma_semaphore, #tpu.memory_space<semaphore_mem>>
        %dma_start3A_173 = arith.constant 0 : i32
        %dma_start3A_174 = tpu.memref_slice %arg7[%add3A_166, %dma_start3A_173] : memref<10240x16xf32, #tpu.memory_space<vmem_shared>> -> memref<160x16xf32, #tpu.memory_space<vmem_shared>>
        %dma_start3A_175 = arith.constant 0 : i32
        %dma_start3A_176 = tpu.memref_slice %arg7[%add3A_166, %dma_start3A_175] : memref<10240x16xf32, #tpu.memory_space<vmem_shared>> -> memref<160x16xf32, #tpu.memory_space<vmem_shared>>
        tpu.enqueue_dma source(%arg23 : memref<160x16xf32, #tpu.memory_space<vmem>>) target(%dma_start3A_176 : memref<160x16xf32, #tpu.memory_space<vmem_shared>>) target_semaphore(%run_scoped3A : memref<!tpu.dma_semaphore, #tpu.memory_space<semaphore_mem>>)
        %dma_wait3A_177 = arith.constant 0 : i32
        %dma_wait3A_178 = tpu.memref_slice %arg7[%add3A_166, %dma_wait3A_177] : memref<10240x16xf32, #tpu.memory_space<vmem_shared>> -> memref<160x16xf32, #tpu.memory_space<vmem_shared>>
        %dma_wait3A_179 = arith.constant 0 : i32
        %dma_wait3A_180 = tpu.memref_slice %arg7[%add3A_166, %dma_wait3A_179] : memref<10240x16xf32, #tpu.memory_space<vmem_shared>> -> memref<160x16xf32, #tpu.memory_space<vmem_shared>>
        tpu.wait_dma2 semaphore(%run_scoped3A : memref<!tpu.dma_semaphore, #tpu.memory_space<semaphore_mem>>) src(%arg23 : memref<160x16xf32, #tpu.memory_space<vmem>>) dst(%dma_wait3A_180 : memref<160x16xf32, #tpu.memory_space<vmem_shared>>)
        tpu.yield
      }) : () -> ()
      %add3A_167 = arith.constant 320 : i32
      %add3A_168 = arith.addi %mul3A_0, %add3A_167 : i32
      "tpu.region"() ({
        %run_scoped3A = tpu.sem_alloc : memref<!tpu.dma_semaphore, #tpu.memory_space<semaphore_mem>>
        %dma_start3A_173 = arith.constant 0 : i32
        %dma_start3A_174 = tpu.memref_slice %arg7[%add3A_168, %dma_start3A_173] : memref<10240x16xf32, #tpu.memory_space<vmem_shared>> -> memref<160x16xf32, #tpu.memory_space<vmem_shared>>
        %dma_start3A_175 = arith.constant 0 : i32
        %dma_start3A_176 = tpu.memref_slice %arg7[%add3A_168, %dma_start3A_175] : memref<10240x16xf32, #tpu.memory_space<vmem_shared>> -> memref<160x16xf32, #tpu.memory_space<vmem_shared>>
        tpu.enqueue_dma source(%arg23 : memref<160x16xf32, #tpu.memory_space<vmem>>) target(%dma_start3A_176 : memref<160x16xf32, #tpu.memory_space<vmem_shared>>) target_semaphore(%run_scoped3A : memref<!tpu.dma_semaphore, #tpu.memory_space<semaphore_mem>>)
        %dma_wait3A_177 = arith.constant 0 : i32
        %dma_wait3A_178 = tpu.memref_slice %arg7[%add3A_168, %dma_wait3A_177] : memref<10240x16xf32, #tpu.memory_space<vmem_shared>> -> memref<160x16xf32, #tpu.memory_space<vmem_shared>>
        %dma_wait3A_179 = arith.constant 0 : i32
        %dma_wait3A_180 = tpu.memref_slice %arg7[%add3A_168, %dma_wait3A_179] : memref<10240x16xf32, #tpu.memory_space<vmem_shared>> -> memref<160x16xf32, #tpu.memory_space<vmem_shared>>
        tpu.wait_dma2 semaphore(%run_scoped3A : memref<!tpu.dma_semaphore, #tpu.memory_space<semaphore_mem>>) src(%arg23 : memref<160x16xf32, #tpu.memory_space<vmem>>) dst(%dma_wait3A_180 : memref<160x16xf32, #tpu.memory_space<vmem_shared>>)
        tpu.yield
      }) : () -> ()
      %add3A_169 = arith.constant 480 : i32
      %add3A_170 = arith.addi %mul3A_0, %add3A_169 : i32
      "tpu.region"() ({
        %run_scoped3A = tpu.sem_alloc : memref<!tpu.dma_semaphore, #tpu.memory_space<semaphore_mem>>
        %dma_start3A_173 = arith.constant 0 : i32
        %dma_start3A_174 = tpu.memref_slice %arg7[%add3A_170, %dma_start3A_173] : memref<10240x16xf32, #tpu.memory_space<vmem_shared>> -> memref<160x16xf32, #tpu.memory_space<vmem_shared>>
        %dma_start3A_175 = arith.constant 0 : i32
        %dma_start3A_176 = tpu.memref_slice %arg7[%add3A_170, %dma_start3A_175] : memref<10240x16xf32, #tpu.memory_space<vmem_shared>> -> memref<160x16xf32, #tpu.memory_space<vmem_shared>>
        tpu.enqueue_dma source(%arg23 : memref<160x16xf32, #tpu.memory_space<vmem>>) target(%dma_start3A_176 : memref<160x16xf32, #tpu.memory_space<vmem_shared>>) target_semaphore(%run_scoped3A : memref<!tpu.dma_semaphore, #tpu.memory_space<semaphore_mem>>)
        %dma_wait3A_177 = arith.constant 0 : i32
        %dma_wait3A_178 = tpu.memref_slice %arg7[%add3A_170, %dma_wait3A_177] : memref<10240x16xf32, #tpu.memory_space<vmem_shared>> -> memref<160x16xf32, #tpu.memory_space<vmem_shared>>
        %dma_wait3A_179 = arith.constant 0 : i32
        %dma_wait3A_180 = tpu.memref_slice %arg7[%add3A_170, %dma_wait3A_179] : memref<10240x16xf32, #tpu.memory_space<vmem_shared>> -> memref<160x16xf32, #tpu.memory_space<vmem_shared>>
        tpu.wait_dma2 semaphore(%run_scoped3A : memref<!tpu.dma_semaphore, #tpu.memory_space<semaphore_mem>>) src(%arg23 : memref<160x16xf32, #tpu.memory_space<vmem>>) dst(%dma_wait3A_180 : memref<160x16xf32, #tpu.memory_space<vmem_shared>>)
        tpu.yield
      }) : () -> ()
      "tpu.region"() ({
        %run_scoped3A = tpu.sem_alloc : memref<!tpu.dma_semaphore, #tpu.memory_space<semaphore_mem>>
        %dma_start3A_173 = arith.constant 0 : i32
        %dma_start3A_174 = tpu.memref_slice %arg8[%mul3A_0, %dma_start3A_173] : memref<10240x16xf32, #tpu.memory_space<vmem_shared>> -> memref<640x16xf32, #tpu.memory_space<vmem_shared>>
        %dma_start3A_175 = arith.constant 0 : i32
        %dma_start3A_176 = tpu.memref_slice %arg8[%mul3A_0, %dma_start3A_175] : memref<10240x16xf32, #tpu.memory_space<vmem_shared>> -> memref<640x16xf32, #tpu.memory_space<vmem_shared>>
        tpu.enqueue_dma source(%arg21 : memref<640x16xf32, #tpu.memory_space<vmem>>) target(%dma_start3A_176 : memref<640x16xf32, #tpu.memory_space<vmem_shared>>) target_semaphore(%run_scoped3A : memref<!tpu.dma_semaphore, #tpu.memory_space<semaphore_mem>>)
        %dma_wait3A_177 = arith.constant 0 : i32
        %dma_wait3A_178 = tpu.memref_slice %arg8[%mul3A_0, %dma_wait3A_177] : memref<10240x16xf32, #tpu.memory_space<vmem_shared>> -> memref<640x16xf32, #tpu.memory_space<vmem_shared>>
        %dma_wait3A_179 = arith.constant 0 : i32
        %dma_wait3A_180 = tpu.memref_slice %arg8[%mul3A_0, %dma_wait3A_179] : memref<10240x16xf32, #tpu.memory_space<vmem_shared>> -> memref<640x16xf32, #tpu.memory_space<vmem_shared>>
        tpu.wait_dma2 semaphore(%run_scoped3A : memref<!tpu.dma_semaphore, #tpu.memory_space<semaphore_mem>>) src(%arg21 : memref<640x16xf32, #tpu.memory_space<vmem>>) dst(%dma_wait3A_180 : memref<640x16xf32, #tpu.memory_space<vmem_shared>>)
        tpu.yield
      }) : () -> ()
      %barrier3A_171 = arith.constant 0 : index
      tpu.barrier barrier_id(%barrier3A_171)
      %scan3A_172 = arith.constant 0 : i32
      scf.yield %scan3A_172 : i32
    }
    %scan3A_28 = arith.constant 10 : i32
    %scan3A_29 = arith.constant 0 : i32
    %scan3A_30 = arith.constant 0 : i32
    %scan3A_31 = arith.constant 640 : i32
    %scan3A_32 = arith.addi %scan3A_30, %scan3A_31 : i32
    %scan3A_33 = arith.constant 1 : i32
    %scan3A_34 = scf.for %scan3A_36 = %scan3A_30 to %scan3A_32 step %scan3A_33 iter_args(%scan3A_37 = %scan3A_29) -> (i32)  : i32 {
      %get3A = arith.index_cast %scan3A_36 : i32 to index
      %get3A_38 = arith.constant 0 : index
      %get3A_39 = tpu.vector_load %arg19[%get3A, %get3A_38] {strides = array<i32>} : memref<640x16xf32, #tpu.memory_space<vmem>>, vector<1x16xf32>,
      %get3A_40 = vector.shape_cast %get3A_39 : vector<1x16xf32> to vector<16xf32>
      %div3A = arith.constant 0.899999976 : f32
      %div3A_41 = vector.broadcast %div3A : f32 to vector<16xf32>
      %div3A_42 = arith.divf %div3A_41, %get3A_40 : vector<16xf32>
      %bitcast_convert_type3A = tpu.bitcast %div3A_42 : vector<16xf32> -> vector<16xi32>
      %shift_right_logical3A = arith.constant 1 : i32
      %shift_right_logical3A_43 = vector.broadcast %shift_right_logical3A : i32 to vector<16xi32>
      %shift_right_logical3A_44 = arith.shrui %bitcast_convert_type3A, %shift_right_logical3A_43 : vector<16xi32>
      %sub3A = arith.constant 1597463007 : i32
      %sub3A_45 = vector.broadcast %sub3A : i32 to vector<16xi32>
      %sub3A_46 = arith.subi %sub3A_45, %shift_right_logical3A_44 : vector<16xi32>
      %bitcast_convert_type3A_47 = tpu.bitcast %sub3A_46 : vector<16xi32> -> vector<16xf32>
      %mul3A_48 = arith.constant 5.000000e-01 : f32
      %mul3A_49 = vector.broadcast %mul3A_48 : f32 to vector<16xf32>
      %mul3A_50 = arith.mulf %mul3A_49, %div3A_42 : vector<16xf32>
      %mul3A_51 = arith.mulf %mul3A_50, %bitcast_convert_type3A_47 : vector<16xf32>
      %mul3A_52 = arith.mulf %mul3A_51, %bitcast_convert_type3A_47 : vector<16xf32>
      %sub3A_53 = arith.constant 1.500000e+00 : f32
      %sub3A_54 = vector.broadcast %sub3A_53 : f32 to vector<16xf32>
      %sub3A_55 = arith.subf %sub3A_54, %mul3A_52 : vector<16xf32>
      %mul3A_56 = arith.mulf %bitcast_convert_type3A_47, %sub3A_55 : vector<16xf32>
      %mul3A_57 = arith.constant 5.000000e-01 : f32
      %mul3A_58 = vector.broadcast %mul3A_57 : f32 to vector<16xf32>
      %mul3A_59 = arith.mulf %mul3A_58, %div3A_42 : vector<16xf32>
      %mul3A_60 = arith.mulf %mul3A_59, %mul3A_56 : vector<16xf32>
      %mul3A_61 = arith.mulf %mul3A_60, %mul3A_56 : vector<16xf32>
      %sub3A_62 = arith.constant 1.500000e+00 : f32
      %sub3A_63 = vector.broadcast %sub3A_62 : f32 to vector<16xf32>
      %sub3A_64 = arith.subf %sub3A_63, %mul3A_61 : vector<16xf32>
      %mul3A_65 = arith.mulf %mul3A_56, %sub3A_64 : vector<16xf32>
      %mul3A_66 = arith.constant 5.000000e-01 : f32
      %mul3A_67 = vector.broadcast %mul3A_66 : f32 to vector<16xf32>
      %mul3A_68 = arith.mulf %mul3A_67, %div3A_42 : vector<16xf32>
      %mul3A_69 = arith.mulf %mul3A_68, %mul3A_65 : vector<16xf32>
      %mul3A_70 = arith.mulf %mul3A_69, %mul3A_65 : vector<16xf32>
      %sub3A_71 = arith.constant 1.500000e+00 : f32
      %sub3A_72 = vector.broadcast %sub3A_71 : f32 to vector<16xf32>
      %sub3A_73 = arith.subf %sub3A_72, %mul3A_70 : vector<16xf32>
      %mul3A_74 = arith.mulf %mul3A_65, %sub3A_73 : vector<16xf32>
      %get3A_75 = arith.index_cast %scan3A_36 : i32 to index
      %get3A_76 = arith.constant 0 : index
      %get3A_77 = tpu.vector_load %arg21[%get3A_75, %get3A_76] {strides = array<i32>} : memref<640x16xf32, #tpu.memory_space<vmem>>, vector<1x16xf32>,
      %get3A_78 = vector.shape_cast %get3A_77 : vector<1x16xf32> to vector<16xf32>
      %mul3A_79 = arith.mulf %get3A_78, %div3A_42 : vector<16xf32>
      %mul3A_80 = arith.mulf %mul3A_79, %mul3A_74 : vector<16xf32>
      %swap3A = arith.index_cast %scan3A_36 : i32 to index
      %swap3A_81 = arith.constant 0 : index
      %swap3A_82 = tpu.vector_load %arg22[%swap3A, %swap3A_81] {strides = array<i32>} : memref<640x16xf32, #tpu.memory_space<vmem>>, vector<1x16xf32>,
      %swap3A_83 = vector.shape_cast %swap3A_82 : vector<1x16xf32> to vector<16xf32>
      %swap3A_84 = vector.shape_cast %mul3A_80 : vector<16xf32> to vector<1x16xf32>
      tpu.vector_store %arg22[%swap3A, %swap3A_81], %swap3A_84 {strides = array<i32>} : memref<640x16xf32, #tpu.memory_space<vmem>>, vector<1x16xf32>,
      %scan3A_85 = arith.constant 0 : i32
      scf.yield %scan3A_85 : i32
    }
    %scan3A_35 = arith.constant 640 : i32
    "tpu.region"() ({
      %run_scoped3A = tpu.sem_alloc : memref<!tpu.dma_semaphore, #tpu.memory_space<semaphore_mem>>
      %dma_start3A = arith.constant 0 : i32
      %dma_start3A_36 = tpu.memref_slice %arg6[%mul3A_0, %dma_start3A] : memref<10240x16xf32, #tpu.memory_space<hbm>> -> memref<640x16xf32, #tpu.memory_space<hbm>>
      %dma_start3A_37 = arith.constant 0 : i32
      %dma_start3A_38 = tpu.memref_slice %arg6[%mul3A_0, %dma_start3A_37] : memref<10240x16xf32, #tpu.memory_space<hbm>> -> memref<640x16xf32, #tpu.memory_space<hbm>>
      tpu.enqueue_dma source(%arg22 : memref<640x16xf32, #tpu.memory_space<vmem>>) target(%dma_start3A_38 : memref<640x16xf32, #tpu.memory_space<hbm>>) target_semaphore(%run_scoped3A : memref<!tpu.dma_semaphore, #tpu.memory_space<semaphore_mem>>)
      %dma_wait3A = arith.constant 0 : i32
      %dma_wait3A_39 = tpu.memref_slice %arg6[%mul3A_0, %dma_wait3A] : memref<10240x16xf32, #tpu.memory_space<hbm>> -> memref<640x16xf32, #tpu.memory_space<hbm>>
      %dma_wait3A_40 = arith.constant 0 : i32
      %dma_wait3A_41 = tpu.memref_slice %arg6[%mul3A_0, %dma_wait3A_40] : memref<10240x16xf32, #tpu.memory_space<hbm>> -> memref<640x16xf32, #tpu.memory_space<hbm>>
      tpu.wait_dma2 semaphore(%run_scoped3A : memref<!tpu.dma_semaphore, #tpu.memory_space<semaphore_mem>>) src(%arg22 : memref<640x16xf32, #tpu.memory_space<vmem>>) dst(%dma_wait3A_41 : memref<640x16xf32, #tpu.memory_space<hbm>>)
      tpu.yield
    }) : () -> ()
    return
  }
}

module attributes {stable_mosaic.version = 14 : i64} {
  func.func @_mlp_body(%arg0: memref<10000x128xf32, #tpu.memory_space<vmem>>, %arg1: memref<128x128xf32, #tpu.memory_space<vmem>>, %arg2: memref<1x128xf32, #tpu.memory_space<vmem>>, %arg3: memref<128x16xf32, #tpu.memory_space<vmem>>, %arg4: memref<1x16xf32, #tpu.memory_space<vmem>>, %arg5: memref<10000x16xf32, #tpu.memory_space<vmem>>) attributes {dimension_semantics = [], scalar_prefetch = 0 : i64, scratch_operands = 0 : i64, tpu.core_type = #tpu.core_type<tc>} {
    %get3A = arith.constant 0 : index
    %get3A_0 = arith.constant 0 : index
    %get3A_1 = vector.load %arg0[%get3A, %get3A_0] : memref<10000x128xf32, #tpu.memory_space<vmem>>, vector<10000x128xf32>
    %get3A_2 = arith.constant 0 : index
    %get3A_3 = arith.constant 0 : index
    %get3A_4 = vector.load %arg1[%get3A_2, %get3A_3] : memref<128x128xf32, #tpu.memory_space<vmem>>, vector<128x128xf32>
    %dot_general3A = arith.constant dense<0.000000e+00> : vector<10000x128xf32>
    %dot_general3A_5 = tpu.matmul %get3A_1, %get3A_4, %dot_general3A {dimension_numbers = #tpu.dot_dimension_numbers<[1], [0], [0], [1], [0, 0, 1, 1], [], []>, transpose_lhs_hint = false} : vector<10000x128xf32>, vector<128x128xf32>, vector<10000x128xf32> -> vector<10000x128xf32>
    %get3A_6 = arith.constant 0 : index
    %get3A_7 = arith.constant 0 : index
    %get3A_8 = vector.load %arg2[%get3A_6, %get3A_7] : memref<1x128xf32, #tpu.memory_space<vmem>>, vector<1x128xf32>
    %add3A = vector.broadcast %get3A_8 : vector<1x128xf32> to vector<10000x128xf32>
    %add3A_9 = arith.addf %dot_general3A_5, %add3A : vector<10000x128xf32>
    %max3A = arith.constant 0.000000e+00 : f32
    %max3A_10 = vector.broadcast %max3A : f32 to vector<10000x128xf32>
    %max3A_11 = arith.maximumf %add3A_9, %max3A_10 : vector<10000x128xf32>
    %get3A_12 = arith.constant 0 : index
    %get3A_13 = arith.constant 0 : index
    %get3A_14 = vector.load %arg3[%get3A_12, %get3A_13] : memref<128x16xf32, #tpu.memory_space<vmem>>, vector<128x16xf32>
    %dot_general3A_15 = arith.constant dense<0.000000e+00> : vector<10000x16xf32>
    %dot_general3A_16 = tpu.matmul %max3A_11, %get3A_14, %dot_general3A_15 {dimension_numbers = #tpu.dot_dimension_numbers<[1], [0], [0], [1], [0, 0, 1, 1], [], []>, transpose_lhs_hint = false} : vector<10000x128xf32>, vector<128x16xf32>, vector<10000x16xf32> -> vector<10000x16xf32>
    %get3A_17 = arith.constant 0 : index
    %get3A_18 = arith.constant 0 : index
    %get3A_19 = vector.load %arg4[%get3A_17, %get3A_18] : memref<1x16xf32, #tpu.memory_space<vmem>>, vector<1x16xf32>
    %add3A_20 = vector.broadcast %get3A_19 : vector<1x16xf32> to vector<10000x16xf32>
    %add3A_21 = arith.addf %dot_general3A_16, %add3A_20 : vector<10000x16xf32>
    %swap3A = arith.constant 0 : index
    %swap3A_22 = arith.constant 0 : index
    %swap3A_23 = vector.load %arg5[%swap3A, %swap3A_22] : memref<10000x16xf32, #tpu.memory_space<vmem>>, vector<10000x16xf32>
    tpu.vector_store %arg5[%swap3A, %swap3A_22], %add3A_21 {strides = array<i32>} : memref<10000x16xf32, #tpu.memory_space<vmem>>, vector<10000x16xf32>,
    return
  }
}

module attributes {stable_mosaic.version = 14 : i64} {
  func.func @_final_body(%arg0: memref<10000x16xf32, #tpu.memory_space<vmem>>, %arg1: memref<10000x16xf32, #tpu.memory_space<vmem>>, %arg2: memref<10000x16xf32, #tpu.memory_space<vmem>>) attributes {dimension_semantics = [], scalar_prefetch = 0 : i64, scratch_operands = 0 : i64, tpu.core_type = #tpu.core_type<tc>} {
    %get3A = arith.constant 0 : index
    %get3A_0 = arith.constant 0 : index
    %get3A_1 = vector.load %arg0[%get3A, %get3A_0] : memref<10000x16xf32, #tpu.memory_space<vmem>>, vector<10000x16xf32>
    %reduce_max3A = arith.constant dense<0xFF800000> : vector<10000xf32>
    %reduce_max3A_2 = vector.multi_reduction <maximumf>, %get3A_1, %reduce_max3A [1] : vector<10000x16xf32> to vector<10000xf32>
    %broadcast_in_dim3A = vector.shape_cast %reduce_max3A_2 : vector<10000xf32> to vector<10000x1xf32>
    %sub3A = vector.broadcast %broadcast_in_dim3A : vector<10000x1xf32> to vector<10000x16xf32>
    %sub3A_3 = arith.subf %get3A_1, %sub3A : vector<10000x16xf32>
    %exp3A = math.exp %sub3A_3 : vector<10000x16xf32>
    %sub3A_4 = vector.broadcast %broadcast_in_dim3A : vector<10000x1xf32> to vector<10000x16xf32>
    %sub3A_5 = arith.subf %get3A_1, %sub3A_4 : vector<10000x16xf32>
    %reduce_sum3A = arith.constant dense<0.000000e+00> : vector<10000xf32>
    %reduce_sum3A_6 = vector.multi_reduction <add>, %exp3A, %reduce_sum3A [1] : vector<10000x16xf32> to vector<10000xf32>
    %broadcast_in_dim3A_7 = vector.shape_cast %reduce_sum3A_6 : vector<10000xf32> to vector<10000x1xf32>
    %log3A = math.log %broadcast_in_dim3A_7 : vector<10000x1xf32>
    %sub3A_8 = vector.broadcast %log3A : vector<10000x1xf32> to vector<10000x16xf32>
    %sub3A_9 = arith.subf %sub3A_5, %sub3A_8 : vector<10000x16xf32>
    %swap3A = arith.constant 0 : index
    %swap3A_10 = arith.constant 0 : index
    %swap3A_11 = vector.load %arg1[%swap3A, %swap3A_10] : memref<10000x16xf32, #tpu.memory_space<vmem>>, vector<10000x16xf32>
    tpu.vector_store %arg1[%swap3A, %swap3A_10], %sub3A_9 {strides = array<i32>} : memref<10000x16xf32, #tpu.memory_space<vmem>>, vector<10000x16xf32>,
    %reduce_max3A_12 = arith.constant dense<0xFF800000> : vector<16xf32>
    %reduce_max3A_13 = vector.multi_reduction <maximumf>, %get3A_1, %reduce_max3A_12 [0] : vector<10000x16xf32> to vector<16xf32>
    %broadcast_in_dim3A_14 = vector.shape_cast %reduce_max3A_13 : vector<16xf32> to vector<1x16xf32>
    %sub3A_15 = vector.broadcast %broadcast_in_dim3A_14 : vector<1x16xf32> to vector<10000x16xf32>
    %sub3A_16 = arith.subf %get3A_1, %sub3A_15 : vector<10000x16xf32>
    %exp3A_17 = math.exp %sub3A_16 : vector<10000x16xf32>
    %reduce_sum3A_18 = arith.constant dense<0.000000e+00> : vector<16xf32>
    %reduce_sum3A_19 = vector.multi_reduction <add>, %exp3A_17, %reduce_sum3A_18 [0] : vector<10000x16xf32> to vector<16xf32>
    %broadcast_in_dim3A_20 = vector.shape_cast %reduce_sum3A_19 : vector<16xf32> to vector<1x16xf32>
    %div3A = vector.broadcast %broadcast_in_dim3A_20 : vector<1x16xf32> to vector<10000x16xf32>
    %div3A_21 = arith.divf %exp3A_17, %div3A : vector<10000x16xf32>
    %swap3A_22 = arith.constant 0 : index
    %swap3A_23 = arith.constant 0 : index
    %swap3A_24 = vector.load %arg2[%swap3A_22, %swap3A_23] : memref<10000x16xf32, #tpu.memory_space<vmem>>, vector<10000x16xf32>
    tpu.vector_store %arg2[%swap3A_22, %swap3A_23], %div3A_21 {strides = array<i32>} : memref<10000x16xf32, #tpu.memory_space<vmem>>, vector<10000x16xf32>,
    return
  }
}

</mosaic_0001>

<sc_bundles>
// kernel: kernel.6.cloned.1.call-start
scs
__scs_entry_jumppad:
0x0: {  	(pc) =	sbr.rel $0x88, $3  }
0x1: {  	(tag) =	ssettag $0x0;
	lr =	simm.s32 $0x1  }
0x2: {  	[smem:$0x3F9B] =	sst lr;
	_ =	strace $0xD0000000  }
0x3: {  	_ = 	snop  }
0x4: {  	_ = 	snop  }
0x5: {  	_ = 	snop  }
0x6: {  	_ = 	snop  }
0x7: {  	_ = 	snop  }
__scs_overlays_trampoline_lowered:
0x8: {  	[smem:$0x3FAA] =	sst s0  }
0x9: {  	[smem:$0x3FAB] =	sst s1  }
0xa: {  	[smem:$0x3FAC] =	sst s2  }
0xb: {  	[smem:$0x3FAD] =	sst s3  }
0xc: {  	[smem:$0x3FAE] =	sst s4  }
0xd: {  	[smem:$0x3FAF] =	sst s5  }
0xe: {  	[smem:$0x3FB0] =	sst s6  }
0xf: {  	[smem:$0x3FB1] =	sst s7  }
0x10: {  	[smem:$0x3FB2] =	sst s8  }
0x11: {  	[smem:$0x3FB3] =	sst s9;
	s0 =	simm.s32 @!p0 $0x0  }
0x12: {  	s1 =	sld [smem:$0x3F99];
	s0 =	simm.s32 @p0 $0x1  }
0x13: {  	[smem:$0x3FB4] =	sst s0;
	s0 =	simm.s32 @!p1 $0x0  }
0x14: {  	s2 =	sld [smem:$0x3F98];
	s0 =	simm.s32 @p1 $0x1  }
0x15: {  	[smem:$0x3FB5] =	sst s0;
	s0 =	simm.s32 @!p2 $0x0  }
0x16: {  	s3 =	sld [smem:$0x3FDB];
	s0 =	simm.s32 @p2 $0x1  }
0x17: {  	s4 =	simm.s32 $0x1BF5;
	[smem:$0x3FB7] =	sst s0  }
0x18: {  	s0 =	sld [smem:$0x3F9A];
	_ =	swait.ge [sflag:s4], $0x0  }
0x19: {  	s7 =	sld [smem:$0x3F9B]  }
0x1a: {  	s8 =	sadd.s32 $0xFFFFE003, lr  }
0x1b: {  	s9 =	sadd.s32 $0xFFFFFEF7, lr;
	s5 =	simm.s32 $0xFFFFFFFF;
	p2 =	slt.u32 s8, $0xFFFFF086  }
0x1c: {  	p1 =	slt.u32 s9, $0xF7A;
	s5 =	simm.s32 @!p2 $0x0  }
0x1d: {  	s5 =	simm.s32 @p1 $0x1;
	p0 =	seq.s32 s7, s2  }
0x1e: {  	s7 =	smul.u32 @!p0 $0xF7A, s2;
	p2 =	seq.s32 @!p0 s5, $0x0  }
0x1f: {  	s9 =	smul.u32 $0xF7A, s1;
	s8 =	simm.s32 @!p0 $0x1BF5;
	p2 =	por !p2, p0  }
0x20: {  	[sflag:s8] =	ssyncset.s32 @!p0 $0xFFFFF086;
	s6 =	sadd.s32 @!p0 s3, s7;
	s7 =	simm.s32 @!p0 $0x108  }
0x21: {  	s3 =	sadd.s32 s3, s9;
	s6 =	sadd.s32 @!p0 $0x88, s6;
	s7 =	simm.s32 @p2 $0x1082  }
0x22: {  	[simem:s7], [sflag:s8] =	dma.local @!p0 [hbm:s6], $0xF7A  }
0x23: {  	s9 =	sor.u32 $0xD0000000, s2;
	s6 =	simm.s32 $0x108;
	_ =	swait.ge @!p0 [sflag:s8], $0x0  }
0x24: {  	s3 =	sadd.s32 $0x88, s3;
	s6 =	simm.s32 @!p1 $0x1082;
	[sflag:s4] =	ssyncset.s32 $0xFFFFF086  }
0x25: {  	[simem:s6], [sflag:s4] =	dma.local [hbm:s3], $0xF7A  }
0x26: {  	[smem:$0x3F9B] =	sst s1;
	(tag) =	ssettag s2;
	_ =	strace s9  }
0x27: {  	s1 =	sld [smem:$0x3FAB]  }
0x28: {  	s2 =	sld [smem:$0x3FAC]  }
0x29: {  	s4 =	sld [smem:$0x3FAE]  }
0x2a: {  	p0 =	seq.s32 s5, $0x0;
	s5 =	sld [smem:$0x3FAF]  }
0x2b: {  	s6 =	sld [smem:$0x3FB0]  }
0x2c: {  	s7 =	sld [smem:$0x3FB1]  }
0x2d: {  	s3 =	simm.s32 $0x108;
	s8 =	sld [smem:$0x3FB2]  }
0x2e: {  	s3 =	simm.s32 @!p0 $0x1082;
	s9 =	sld [smem:$0x3FB3]  }
0x2f: {  	lr =	sadd.s32 s0, s3;
	s0 =	sld [smem:$0x3FAA]  }
0x30: {  	s3 =	sld [smem:$0x3FAD]  }
0x31: {  	[smem:$0x3FB6] =	sst s10  }
0x32: {  	s10 =	sld [smem:$0x3FB4];
	_ =	sdelay $0x3  }
0x33: {  	p0 =	seq.s32 s10, $0x1;
	s10 =	sld [smem:$0x3FB6];
	_ =	sdelay $0x3  }
0x34: {  	[smem:$0x3FB6] =	sst s10  }
0x35: {  	s10 =	sld [smem:$0x3FB5];
	_ =	sdelay $0x3  }
0x36: {  	p1 =	seq.s32 s10, $0x1;
	s10 =	sld [smem:$0x3FB6];
	_ =	sdelay $0x3  }
0x37: {  	[smem:$0x3FB6] =	sst s10  }
0x38: {  	s10 =	sld [smem:$0x3FB7]  }
0x39: {  	_ = 	snop;
	(pc) =	sbr.ind lr, $3  }
0x3a: {  	_ = 	snop  }
0x3b: {  	_ = 	snop  }
0x3c: {  	p2 =	seq.s32 s10, $0x1;
	s10 =	sld [smem:$0x3FB6]  }
0x3d: {  	_ =	shalt  }
0x3e: {  	_ =	shalt  }
0x3f: {  	_ =	shalt  }
0x40: {  	_ =	shalt  }
0x41: {  	_ =	shalt  }
0x42: {  	_ =	shalt  }
0x43: {  	_ =	shalt  }
0x44: {  	_ =	shalt  }
0x45: {  	_ =	shalt  }
0x46: {  	_ =	shalt  }
0x47: {  	_ =	shalt  }
0x48: {  	_ =	shalt  }
0x49: {  	_ =	shalt  }
0x4a: {  	_ =	shalt  }
0x4b: {  	_ =	shalt  }
0x4c: {  	_ =	shalt  }
0x4d: {  	_ =	shalt  }
0x4e: {  	_ =	shalt  }
0x4f: {  	_ =	shalt  }
0x50: {  	_ =	shalt  }
0x51: {  	_ =	shalt  }
0x52: {  	_ =	shalt  }
0x53: {  	_ =	shalt  }
0x54: {  	_ =	shalt  }
0x55: {  	_ =	shalt  }
0x56: {  	_ =	shalt  }
0x57: {  	_ =	shalt  }
0x58: {  	_ =	shalt  }
0x59: {  	_ =	shalt  }
0x5a: {  	_ =	shalt  }
0x5b: {  	_ =	shalt  }
0x5c: {  	_ =	shalt  }
0x5d: {  	_ =	shalt  }
0x5e: {  	_ =	shalt  }
0x5f: {  	_ =	shalt  }
0x60: {  	_ =	shalt  }
0x61: {  	_ =	shalt  }
0x62: {  	_ =	shalt  }
0x63: {  	_ =	shalt  }
0x64: {  	_ =	shalt  }
0x65: {  	_ =	shalt  }
0x66: {  	_ =	shalt  }
0x67: {  	_ =	shalt  }
0x68: {  	_ =	shalt  }
0x69: {  	_ =	shalt  }
0x6a: {  	_ =	shalt  }
0x6b: {  	_ =	shalt  }
0x6c: {  	_ =	shalt  }
0x6d: {  	_ =	shalt  }
0x6e: {  	_ =	shalt  }
0x6f: {  	_ =	shalt  }
0x70: {  	_ =	shalt  }
0x71: {  	_ =	shalt  }
0x72: {  	_ =	shalt  }
0x73: {  	_ =	shalt  }
0x74: {  	_ =	shalt  }
0x75: {  	_ =	shalt  }
0x76: {  	_ =	shalt  }
0x77: {  	_ =	shalt  }
0x78: {  	_ =	shalt  }
0x79: {  	_ =	shalt  }
0x7a: {  	_ =	shalt  }
0x7b: {  	_ =	shalt  }
0x7c: {  	_ =	shalt  }
0x7d: {  	_ =	shalt  }
0x7e: {  	_ =	shalt  }
0x7f: {  	_ =	shalt  }
0x80: {  	_ =	shalt  }
0x81: {  	_ =	shalt  }
0x82: {  	_ =	shalt  }
0x83: {  	_ =	shalt  }
0x84: {  	_ =	shalt  }
0x85: {  	_ =	shalt  }
0x86: {  	_ =	shalt  }
0x87: {  	_ =	shalt  }
.Lfunc_end0:
.L_simem_size_0:
called_computation_lowered:
.L_overlay_start_0:
0x88: {  	s0 =	sld [smem:$0x3FD9]  }
0x89: {  	s1 =	sld [smem:$0x3FFE];
	_ =	sdelay $0x3  }
0x8a: {  	s0 =	sadd.s32 s1, s0  }
0x8b: {  	[smem:$0x3FC2] =	sst s0  }
0x8c: {  	_ = 	snop  }
0x8d: {  	(tm) =	ssettm $0x1  }
0x8e: {  	s15 =	sld [smem:$0x3FFB];
	_ =	sdelay $0x3  }
0x8f: {  	_ =	strace s15  }
0x90: {  	s0 =	sld [smem:$0x3FFC];
	_ =	sdelay $0x3  }
0x91: {  	_ =	strace s0  }
0x92: {  	s0 =	sld [smem:$0x3FFD];
	_ =	sdelay $0x3  }
0x93: {  	_ =	strace s0  }
0x94: {  	_ =	strace $0x8FFFFFFF  }
0x95: {  	s16 =	sld [smem:$0x3FDB];
	_ =	sdelay $0x1  }
0x96: {  	s17 =	simm.s32 $_scs_section_size  }
0x97: {  	s2 =	simm.s32 $_size__tile_overlayer_lowered;
	s3 =	simm.s32 $_tile_overlayer_lowered  }
0x98: {  	s20 =	simm.s32 $0x1BFF;
	s19 =	sshll.u32 s3, $0x1;
	s0 =	sadd.s32 s17, s16  }
0x99: {  	s4 =	simm.s32 $0x0;
	s18 =	sshll.u32 s2, $0x1;
	s2 =	sadd.s32 s19, s0  }
0x9a: {  	[timem:s4], [sflag:s20] =	dma.local [hbm:s2], s18  }
0x9b: {  	_ =	swait.ge [sflag:s20], s18  }
0x9c: {  	s1 =	ssub.s32 $0x0, s18;
	[sflag:s20] =	ssyncset.done $0x0  }
0x9d: {  	[sflag:s20] =	ssyncadd.s32 s1;
	_ =	sdelay $0x1  }
0x9e: {  	s21 =	simm.s32 $0x1B8B  }
0x9f: {  	_ =	swait.ge [sflag:s21], $0x1  }
0xa0: {  	[sflag:s21] =	ssyncset.done $0x0  }
0xa1: {  	s23 =	simm.s32 $0x1B8E;
	s22 =	sld [smem:$0x3FFE];
	[sflag:s21] =	ssyncadd.s32 $0xFFFFFFFF  }
0xa2: {  	s24 =	simm.s32 $execute0_lowered;
	[smem:$0x3FD2] =	sst s23  }
0xa3: {  	s2 =	sshll.u32 s24, $0x1;
	_ =	strace $0x80000046;
	[dreg:$0x1] =	wrdreg $0xFFFFFFFF  }
0xa4: {  	s25 =	simm.s32 $_size_execute0_lowered;
	s0 =	sadd.s32 s0, s2;
	[dreg:$0x0] =	wrdreg $0x0  }
0xa5: {  	s2 =	sshll.u32 s25, $0x1;
	[dreg:$0x2] =	wrdreg s0  }
0xa6: {  	[dreg:$0x3] =	wrdreg s2  }
0xa7: {  	[dreg:$0x4] =	wrdreg $0xC0  }
0xa8: {  	_ =	task [dreg:s4], $0x5FFFF  }
0xa9: {  	[dreg:$0x1] =	wrdreg $0xFFFFFFFF  }
0xaa: {  	[dreg:$0x0] =	wrdreg $0x60  }
0xab: {  	[dreg:$0x2] =	wrdreg s22  }
0xac: {  	[dreg:$0x3] =	wrdreg $0x0  }
0xad: {  	[dreg:$0x4] =	wrdreg $0x9  }
0xae: {  	_ =	task.clear_ibuf [dreg:s4], $0x5FFFF;
	_ =	strace $0x90000046  }
0xaf: {  	s26 =	simm.s32 $0x9;
	_ =	strace $0x80000048  }
0xb0: {  	_ =	swait.ge [sflag:s26], $0x1  }
0xb1: {  	[sflag:s26] =	ssyncadd.s32 $0xFFFFFFFF  }
0xb2: {  	_ =	strace $0x90000048  }
0xb3: {  	_ =	sfence  }
0xb4: {  	s28 =	sld [smem:$0x0];
	_ =	sdelay $0x1  }
0xb5: {  	s29 =	srdreg.scid  }
0xb6: {  	s30 =	sshll.u32 s29, $0xD;
	s31 =	sshrl.u32 s29, $0x2  }
0xb7: {  	s1 =	sand.u32 $0x1, s29;
	s2 =	sand.u32 $0x4000, s30;
	s0 =	sadd.s32 s31, s28  }
0xb8: {  	s1 =	sor.u32 s2, s1;
	s0 =	sshll.u32 s0, $0x11  }
0xb9: {  	s0 =	sor.u32 s0, s1  }
0xba: {  	s0 =	sadd.s32 $0x8F2B, s0  }
0xbb: {  	[sflag:s0] =	ssyncadd.remote.s32 $0x1  }
0xbc: {  	_ =	sfence.sel $0xFFFF  }
0xbd: {  	[dreg:$0x0] =	wrdreg $0xFFFFFFFF;
	(pc) =	sbr.abs _section_cstart, $3  }
0xbe: {  	[dreg:$0x1] =	wrdreg $0xFFFFFFFF  }
0xbf: {  	_ =	task.clear_ibuf [dreg:s4], $0x2FFFF;
	_ =	strace $0x9FFFFFFF  }
0xc0: {  	(tm) =	ssettm $0x7FFFFFFF  }
0xc1: {  	_ =	shalt  }
tec
execute0_lowered:
.L_overlay_start_1:
0x0: {  	(tag) =	ssettag $0x1  }
0x1: {  	s2 =	rddreg [dreg:$0x0];
	s0 =	stileid.u32  }
0x2: {  	s3 =	rddreg [dreg:$0x1];
	s5 =	smul.u32 $0xA00, s0  }
0x3: {  	s1 =	rddreg [dreg:$0x2];
	s4 =	simm.s32 $0x0  }
0x4: {  	s6 =	simm.s32 $0x2800;
	[smem:$0x7FF] =	sst s4;
	s5 =	sadd.s32 s5, s2  }
0x5: {  	s31 =	simm.s32 $0x9;
	_ =	strace $0x80000047;
	s5 =	sadd.s32 $0x1200, s5  }
0x6: {  	[tilespmem:s6], [sflag:$0x9] =	stream.linear.gather [hbm4b:s5+s4], $0x5000, $0x38;
	[tilespmem:$0x8A00] =	vst v63  }
0x7: {  	_ =	swait.ge [sflag:s31], $0x5000  }
0x8: {  	[sflag:s31] =	ssyncset.done $0x0  }
0x9: {  	v0 =	vimm.f32 $0.0e+00;
	s2 =	sadd.s32 $0xB200, s2;
	[sflag:s31] =	ssyncadd.s32 $0xFFFFB000  }
.LBB2_1:
0xa: {  	p0 =	sne.s32 s4, $0x27C0  }
.Ltmp0:
0xb: {  	_ = 	snop;
	(pc) =	sbr.rel @p0 .LBB2_1-.Ltmp0, $3  }
0xc: {  	_ =	sdelay $0x1  }
0xd: {  	s5 =	sshra.s32 s4, $0x2  }
0xe: {  	s4 =	sadd.s32 $0x40, s4;
	[tilespmem:s5+$0x7800] =	vst v0  }
0xf: {  	v0 =	vimm.f32 $1.000000000e+00;
	s4 =	simm.s32 $0x40;
	s6 =	simm.s32 $0x0  }
.LBB2_3:
0x10: {  	p0 =	sne.s32 s4, $0x1FC0;
	[tilespmem:s6+$0x8200] =	vst v0;
	s5 =	smov.u32 s4;
	s4 =	sadd.s32 $0x40, s4  }
.Ltmp1:
0x11: {  	(pc) =	sbr.rel @p0 .LBB2_3-.Ltmp1, $2  }
0x12: {  	_ =	sdelay $0x2  }
0x13: {  	s6 =	sshra.s32 s5, $0x2  }
0x14: {  	s5 =	smul.u32 $0x2800, s0  }
0x15: {  	s21 =	smul.u32 $0xA000, s0  }
0x16: {  	[tilespmem:s6+$0x8200] =	vst v0;
	s7 =	simm.s32 $0x7800;
	s8 =	simm.s32 $0x9;
	s4 =	sadd.s32 s5, s3  }
0x17: {  	[spmem:s4] =	stream.linear.scatter [tilespmem:s7], [sflag:$0x9], $0xA00, $0x38;
	[tilespmem:$0x8A00] =	vst v63  }
0x18: {  	s6 =	sshrl.u32 s21, $0x2;
	_ =	swait.ge [sflag:s8], $0xA00  }
0x19: {  	s6 =	sadd.s32 s6, s3;
	[sflag:s8] =	ssyncset.done $0x0  }
0x1a: {  	s9 =	sadd.s32 $0xA00, s6;
	[sflag:s8] =	ssyncadd.s32 $0xFFFFF600  }
0x1b: {  	[spmem:s9] =	stream.linear.scatter [tilespmem:s7], [sflag:$0x9], $0xA00, $0x38;
	[tilespmem:$0x8A00] =	vst v63  }
0x1c: {  	_ =	swait.ge [sflag:s8], $0xA00  }
0x1d: {  	[sflag:s8] =	ssyncset.done $0x0  }
0x1e: {  	s22 =	sadd.s32 $0x1400, s6;
	[sflag:s8] =	ssyncadd.s32 $0xFFFFF600  }
0x1f: {  	[spmem:s22] =	stream.linear.scatter [tilespmem:s7], [sflag:$0x9], $0xA00, $0x38;
	[tilespmem:$0x8A00] =	vst v63  }
0x20: {  	_ =	swait.ge [sflag:s8], $0xA00  }
0x21: {  	[sflag:s8] =	ssyncset.done $0x0  }
0x22: {  	s6 =	sadd.s32 $0x1E00, s6;
	[sflag:s8] =	ssyncadd.s32 $0xFFFFF600  }
0x23: {  	[spmem:s6] =	stream.linear.scatter [tilespmem:s7], [sflag:$0x9], $0xA00, $0x38;
	[tilespmem:$0x8A00] =	vst v63  }
0x24: {  	_ =	swait.ge [sflag:s8], $0xA00  }
0x25: {  	[sflag:s8] =	ssyncset.done $0x0  }
0x26: {  	s23 =	simm.s32 $0x2800;
	[sflag:s8] =	ssyncadd.s32 $0xFFFFF600  }
0x27: {  	s6 =	simm.s32 $0x80;
	s7 =	simm.s32 $0x8200;
	[bflag:$0x0] =	sbarrier.arrive $0xFFFF  }
0x28: {  	[spmem:s3] =	stream.indirect.scatter.add.f32 [tilespmem:s7], [sflag:$0x1], $0x10, s23, s6, $0xb8;
	[tilespmem:$0x8A00] =	vst v63  }
0x29: {  	s24 =	simm.s32 $0x2880  }
0x2a: {  	[spmem:s3] =	stream.indirect.scatter.add.f32 [tilespmem:s7], [sflag:$0x2], $0x10, s24, s6, $0xb8;
	[tilespmem:$0x8A00] =	vst v63  }
0x2b: {  	s25 =	simm.s32 $0x2900  }
0x2c: {  	[spmem:s3] =	stream.indirect.scatter.add.f32 [tilespmem:s7], [sflag:$0x3], $0x10, s25, s6, $0xb8;
	[tilespmem:$0x8A00] =	vst v63  }
0x2d: {  	s26 =	simm.s32 $0x2980  }
0x2e: {  	[spmem:s3] =	stream.indirect.scatter.add.f32 [tilespmem:s7], [sflag:$0x4], $0x10, s26, s6, $0xb8;
	[tilespmem:$0x8A00] =	vst v63  }
0x2f: {  	s28 =	simm.s32 $0x2A00  }
0x30: {  	[spmem:s3] =	stream.indirect.scatter.add.f32 [tilespmem:s7], [sflag:$0x5], $0x10, s28, s6, $0xb8;
	[tilespmem:$0x8A00] =	vst v63  }
0x31: {  	s29 =	simm.s32 $0x2A80  }
0x32: {  	[spmem:s3] =	stream.indirect.scatter.add.f32 [tilespmem:s7], [sflag:$0x6], $0x10, s29, s6, $0xb8;
	[tilespmem:$0x8A00] =	vst v63  }
0x33: {  	s30 =	simm.s32 $0x2B00  }
0x34: {  	[spmem:s3] =	stream.indirect.scatter.add.f32 [tilespmem:s7], [sflag:$0x7], $0x10, s30, s6, $0xb8;
	[tilespmem:$0x8A00] =	vst v63  }
0x35: {  	s31 =	simm.s32 $0x2B80;
	s8 =	simm.s32 $0x1  }
0x36: {  	[spmem:s3] =	stream.indirect.scatter.add.f32 [tilespmem:s7], [sflag:$0x8], $0x10, s31, s6, $0xb8;
	[tilespmem:$0x8A00] =	vst v63  }
0x37: {  	_ =	swait.ge [sflag:s8], $0x800  }
0x38: {  	[sflag:s8] =	ssyncset.done $0x0  }
0x39: {  	s10 =	simm.s32 $0x2C00;
	s9 =	simm.s32 $0x2;
	[sflag:s8] =	ssyncadd.s32 $0xFFFFF800  }
0x3a: {  	[spmem:s3] =	stream.indirect.scatter.add.f32 [tilespmem:s7], [sflag:$0x1], $0x10, s10, s6, $0xb8;
	[tilespmem:$0x8A00] =	vst v63  }
0x3b: {  	_ =	swait.ge [sflag:s9], $0x800  }
0x3c: {  	[sflag:s9] =	ssyncset.done $0x0  }
0x3d: {  	s11 =	simm.s32 $0x2C80;
	s10 =	simm.s32 $0x3;
	[sflag:s9] =	ssyncadd.s32 $0xFFFFF800  }
0x3e: {  	[spmem:s3] =	stream.indirect.scatter.add.f32 [tilespmem:s7], [sflag:$0x2], $0x10, s11, s6, $0xb8;
	[tilespmem:$0x8A00] =	vst v63  }
0x3f: {  	_ =	swait.ge [sflag:s10], $0x800  }
0x40: {  	[sflag:s10] =	ssyncset.done $0x0  }
0x41: {  	s12 =	simm.s32 $0x2D00;
	s11 =	simm.s32 $0x4;
	[sflag:s10] =	ssyncadd.s32 $0xFFFFF800  }
0x42: {  	[spmem:s3] =	stream.indirect.scatter.add.f32 [tilespmem:s7], [sflag:$0x3], $0x10, s12, s6, $0xb8;
	[tilespmem:$0x8A00] =	vst v63  }
0x43: {  	_ =	swait.ge [sflag:s11], $0x800  }
0x44: {  	[sflag:s11] =	ssyncset.done $0x0  }
0x45: {  	s13 =	simm.s32 $0x2D80;
	s12 =	simm.s32 $0x5;
	[sflag:s11] =	ssyncadd.s32 $0xFFFFF800  }
0x46: {  	[spmem:s3] =	stream.indirect.scatter.add.f32 [tilespmem:s7], [sflag:$0x4], $0x10, s13, s6, $0xb8;
	[tilespmem:$0x8A00] =	vst v63  }
0x47: {  	_ =	swait.ge [sflag:s12], $0x800  }
0x48: {  	[sflag:s12] =	ssyncset.done $0x0  }
0x49: {  	s14 =	simm.s32 $0x2E00;
	s13 =	simm.s32 $0x6;
	[sflag:s12] =	ssyncadd.s32 $0xFFFFF800  }
0x4a: {  	[spmem:s3] =	stream.indirect.scatter.add.f32 [tilespmem:s7], [sflag:$0x5], $0x10, s14, s6, $0xb8;
	[tilespmem:$0x8A00] =	vst v63  }
0x4b: {  	_ =	swait.ge [sflag:s13], $0x800  }
0x4c: {  	[sflag:s13] =	ssyncset.done $0x0  }
0x4d: {  	s15 =	simm.s32 $0x2E80;
	s14 =	simm.s32 $0x7;
	[sflag:s13] =	ssyncadd.s32 $0xFFFFF800  }
0x4e: {  	[spmem:s3] =	stream.indirect.scatter.add.f32 [tilespmem:s7], [sflag:$0x6], $0x10, s15, s6, $0xb8;
	[tilespmem:$0x8A00] =	vst v63  }
0x4f: {  	_ =	swait.ge [sflag:s14], $0x800  }
0x50: {  	[sflag:s14] =	ssyncset.done $0x0  }
0x51: {  	s16 =	simm.s32 $0x2F00;
	s15 =	simm.s32 $0x8;
	[sflag:s14] =	ssyncadd.s32 $0xFFFFF800  }
0x52: {  	[spmem:s3] =	stream.indirect.scatter.add.f32 [tilespmem:s7], [sflag:$0x7], $0x10, s16, s6, $0xb8;
	[tilespmem:$0x8A00] =	vst v63  }
0x53: {  	_ =	swait.ge [sflag:s15], $0x800  }
0x54: {  	[sflag:s15] =	ssyncset.done $0x0  }
0x55: {  	s17 =	simm.s32 $0x2F80;
	s16 =	simm.s32 $0x1000;
	[sflag:s15] =	ssyncadd.s32 $0xFFFFF800  }
.LBB2_5:
0x56: {  	[spmem:s3] =	stream.indirect.scatter.add.f32 [tilespmem:s7], [sflag:$0x8], $0x10, s17, s6, $0xb8;
	[tilespmem:$0x8A00] =	vst v63  }
0x57: {  	s17 =	smov.u32 s16  }
0x58: {  	p0 =	sne.s32 s16, $0x12000;
	s16 =	sadd.s32 $0x1000, s16;
	_ =	swait.ge [sflag:s8], $0x800  }
0x59: {  	s17 =	sshra.s32 s17, $0x2;
	[sflag:s8] =	ssyncset.done $0x0  }
0x5a: {  	s18 =	sadd.s32 $0x2C00, s17;
	[sflag:s8] =	ssyncadd.s32 $0xFFFFF800  }
0x5b: {  	[spmem:s3] =	stream.indirect.scatter.add.f32 [tilespmem:s7], [sflag:$0x1], $0x10, s18, s6, $0xb8;
	[tilespmem:$0x8A00] =	vst v63  }
0x5c: {  	_ =	swait.ge [sflag:s9], $0x800  }
0x5d: {  	[sflag:s9] =	ssyncset.done $0x0  }
0x5e: {  	s18 =	sadd.s32 $0x2C80, s17;
	[sflag:s9] =	ssyncadd.s32 $0xFFFFF800  }
0x5f: {  	[spmem:s3] =	stream.indirect.scatter.add.f32 [tilespmem:s7], [sflag:$0x2], $0x10, s18, s6, $0xb8;
	[tilespmem:$0x8A00] =	vst v63  }
0x60: {  	_ =	swait.ge [sflag:s10], $0x800  }
0x61: {  	[sflag:s10] =	ssyncset.done $0x0  }
0x62: {  	s18 =	sadd.s32 $0x2D00, s17;
	[sflag:s10] =	ssyncadd.s32 $0xFFFFF800  }
0x63: {  	[spmem:s3] =	stream.indirect.scatter.add.f32 [tilespmem:s7], [sflag:$0x3], $0x10, s18, s6, $0xb8;
	[tilespmem:$0x8A00] =	vst v63  }
0x64: {  	_ =	swait.ge [sflag:s11], $0x800  }
0x65: {  	[sflag:s11] =	ssyncset.done $0x0  }
0x66: {  	s18 =	sadd.s32 $0x2D80, s17;
	[sflag:s11] =	ssyncadd.s32 $0xFFFFF800  }
0x67: {  	[spmem:s3] =	stream.indirect.scatter.add.f32 [tilespmem:s7], [sflag:$0x4], $0x10, s18, s6, $0xb8;
	[tilespmem:$0x8A00] =	vst v63  }
0x68: {  	_ =	swait.ge [sflag:s12], $0x800  }
0x69: {  	[sflag:s12] =	ssyncset.done $0x0  }
0x6a: {  	s18 =	sadd.s32 $0x2E00, s17;
	[sflag:s12] =	ssyncadd.s32 $0xFFFFF800  }
0x6b: {  	[spmem:s3] =	stream.indirect.scatter.add.f32 [tilespmem:s7], [sflag:$0x5], $0x10, s18, s6, $0xb8;
	[tilespmem:$0x8A00] =	vst v63  }
0x6c: {  	_ =	swait.ge [sflag:s13], $0x800  }
0x6d: {  	[sflag:s13] =	ssyncset.done $0x0  }
0x6e: {  	s18 =	sadd.s32 $0x2E80, s17;
	[sflag:s13] =	ssyncadd.s32 $0xFFFFF800  }
0x6f: {  	[spmem:s3] =	stream.indirect.scatter.add.f32 [tilespmem:s7], [sflag:$0x6], $0x10, s18, s6, $0xb8;
	[tilespmem:$0x8A00] =	vst v63  }
0x70: {  	_ =	swait.ge [sflag:s14], $0x800  }
0x71: {  	[sflag:s14] =	ssyncset.done $0x0  }
.Ltmp2:
0x72: {  	s18 =	sadd.s32 $0x2F00, s17;
	[sflag:s14] =	ssyncadd.s32 $0xFFFFF800;
	(pc) =	sbr.rel @p0 .LBB2_5-.Ltmp2, $4  }
0x73: {  	[spmem:s3] =	stream.indirect.scatter.add.f32 [tilespmem:s7], [sflag:$0x7], $0x10, s18, s6, $0xb8;
	[tilespmem:$0x8A00] =	vst v63  }
0x74: {  	_ =	swait.ge [sflag:s15], $0x800  }
0x75: {  	[sflag:s15] =	ssyncset.done $0x0  }
0x76: {  	s17 =	sadd.s32 $0x2F80, s17;
	[sflag:s15] =	ssyncadd.s32 $0xFFFFF800  }
0x77: {  	[spmem:s3] =	stream.indirect.scatter.add.f32 [tilespmem:s7], [sflag:$0x8], $0x10, s17, s6, $0xb8;
	[tilespmem:$0x8A00] =	vst v63  }
0x78: {  	s21 =	simm.s32 $0x1  }
0x79: {  	_ =	swait.ge [sflag:s21], $0x800  }
0x7a: {  	[sflag:s21] =	ssyncset.done $0x0  }
0x7b: {  	s22 =	simm.s32 $0x2;
	[sflag:s21] =	ssyncadd.s32 $0xFFFFF800  }
0x7c: {  	_ =	swait.ge [sflag:s22], $0x800  }
0x7d: {  	[sflag:s22] =	ssyncset.done $0x0  }
0x7e: {  	s23 =	simm.s32 $0x3;
	[sflag:s22] =	ssyncadd.s32 $0xFFFFF800  }
0x7f: {  	_ =	swait.ge [sflag:s23], $0x800  }
0x80: {  	[sflag:s23] =	ssyncset.done $0x0  }
0x81: {  	s24 =	simm.s32 $0x4;
	[sflag:s23] =	ssyncadd.s32 $0xFFFFF800  }
0x82: {  	_ =	swait.ge [sflag:s24], $0x800  }
0x83: {  	[sflag:s24] =	ssyncset.done $0x0  }
0x84: {  	s25 =	simm.s32 $0x5;
	[sflag:s24] =	ssyncadd.s32 $0xFFFFF800  }
0x85: {  	_ =	swait.ge [sflag:s25], $0x800  }
0x86: {  	[sflag:s25] =	ssyncset.done $0x0  }
0x87: {  	s26 =	simm.s32 $0x6;
	[sflag:s25] =	ssyncadd.s32 $0xFFFFF800  }
0x88: {  	_ =	swait.ge [sflag:s26], $0x800  }
0x89: {  	[sflag:s26] =	ssyncset.done $0x0  }
0x8a: {  	s28 =	simm.s32 $0x7;
	[sflag:s26] =	ssyncadd.s32 $0xFFFFF800  }
0x8b: {  	_ =	swait.ge [sflag:s28], $0x800  }
0x8c: {  	[sflag:s28] =	ssyncset.done $0x0  }
0x8d: {  	s29 =	simm.s32 $0x8;
	[sflag:s28] =	ssyncadd.s32 $0xFFFFF800  }
0x8e: {  	_ =	swait.ge [sflag:s29], $0x800  }
0x8f: {  	s5 =	sshrl.u32 s5, $0x3;
	s30 =	sshll.u32 s0, $0x6;
	[sflag:s29] =	ssyncset.done $0x0  }
0x90: {  	s4 =	sshrl.u32 s4, $0x3;
	s31 =	simm.s32 $0x9;
	[sflag:s29] =	ssyncadd.s32 $0xFFFFF800  }
0x91: {  	s2 =	sadd.s32 s2, s5;
	s3 =	sor.u32 $0x1C09, s30;
	[bflag:$0x0] =	sbarrier.arrive $0xFFFF  }
0x92: {  	[hbm:s2], [sflag:s3] =	dma.local [spmem:s4], $0x500  }
0x93: {  	_ =	swait.ge [sflag:s31], $0x500  }
0x94: {  	[sflag:s31] =	ssyncset.done $0x0  }
0x95: {  	[sflag:s31] =	ssyncadd.s32 $0xFFFFFB00  }
0x96: {  	_ =	sfence.sel $0x180000  }
0x97: {  	[bflag:$0x0] =	sbarrier.arrive $0xFFFF  }
0x98: {  	p0 =	sne.s32 s0, $0x0;
	_ =	strace $0x90000047  }
0x99: {  	s0 =	sadd.s32 @!p0 $0x100000, s1;
	[bflag:$0x2] =	sbarrier.arrive $0xFFFF  }
0x9a: {  	[sflag:s0] =	ssyncadd.tile.s32 @!p0 $0x1;
	_ =	shalt  }
.Lfunc_end2:
_tile_overlayer_lowered:
.L_overlay_start_2:
0x9b: {  	(tag) =	ssettag $0x2  }
0x9c: {  	s0 =	rddreg [dreg:$0x0];
	s2 =	stileid.u32  }
0x9d: {  	s1 =	rddreg [dreg:$0x1];
	p0 =	sne.s32 s2, $0x0  }
0x9e: {  	s3 =	rddreg [dreg:$0x2];
	[bflag:$0x3] =	sbarrier.arrive $0xFFFF;
	s2 =	simm.s32 @!p0 $0x1C09  }
0x9f: {  	[timem:s3], [sflag:s2] =	dma.local @!p0 [hbm:s0], s1  }
0xa0: {  	s0 =	simm.s32 @!p0 $0x9  }
0xa1: {  	_ =	swait.ge @!p0 [sflag:s0], s1  }
0xa2: {  	s1 =	ssub.s32 @!p0 $0x0, s1;
	[sflag:s0] =	ssyncset.done @!p0 $0x0  }
0xa3: {  	[sflag:s0] =	ssyncadd.s32 @!p0 s1  }
0xa4: {  	[bflag:$0x3] =	sbarrier.arrive $0xFFFF  }
0xa5: {  	_ =	shalt  }

// kernel: kernel.9.cloned.1.call-start
scs
__scs_entry_jumppad:
0x0: {  	(pc) =	sbr.rel $0x88, $3  }
0x1: {  	(tag) =	ssettag $0x0;
	lr =	simm.s32 $0x1  }
0x2: {  	[smem:$0x3F9B] =	sst lr;
	_ =	strace $0xD0000000  }
0x3: {  	_ = 	snop  }
0x4: {  	_ = 	snop  }
0x5: {  	_ = 	snop  }
0x6: {  	_ = 	snop  }
0x7: {  	_ = 	snop  }
__scs_overlays_trampoline_lowered:
0x8: {  	[smem:$0x3FAA] =	sst s0  }
0x9: {  	[smem:$0x3FAB] =	sst s1  }
0xa: {  	[smem:$0x3FAC] =	sst s2  }
0xb: {  	[smem:$0x3FAD] =	sst s3  }
0xc: {  	[smem:$0x3FAE] =	sst s4  }
0xd: {  	[smem:$0x3FAF] =	sst s5  }
0xe: {  	[smem:$0x3FB0] =	sst s6  }
0xf: {  	[smem:$0x3FB1] =	sst s7  }
0x10: {  	[smem:$0x3FB2] =	sst s8  }
0x11: {  	[smem:$0x3FB3] =	sst s9;
	s0 =	simm.s32 @!p0 $0x0  }
0x12: {  	s1 =	sld [smem:$0x3F99];
	s0 =	simm.s32 @p0 $0x1  }
0x13: {  	[smem:$0x3FB4] =	sst s0;
	s0 =	simm.s32 @!p1 $0x0  }
0x14: {  	s2 =	sld [smem:$0x3F98];
	s0 =	simm.s32 @p1 $0x1  }
0x15: {  	[smem:$0x3FB5] =	sst s0;
	s0 =	simm.s32 @!p2 $0x0  }
0x16: {  	s3 =	sld [smem:$0x3FDB];
	s0 =	simm.s32 @p2 $0x1  }
0x17: {  	s4 =	simm.s32 $0x1BF5;
	[smem:$0x3FB7] =	sst s0  }
0x18: {  	s0 =	sld [smem:$0x3F9A];
	_ =	swait.ge [sflag:s4], $0x0  }
0x19: {  	s7 =	sld [smem:$0x3F9B]  }
0x1a: {  	s8 =	sadd.s32 $0xFFFFE003, lr  }
0x1b: {  	s9 =	sadd.s32 $0xFFFFFEF7, lr;
	s5 =	simm.s32 $0xFFFFFFFF;
	p2 =	slt.u32 s8, $0xFFFFF086  }
0x1c: {  	p1 =	slt.u32 s9, $0xF7A;
	s5 =	simm.s32 @!p2 $0x0  }
0x1d: {  	s5 =	simm.s32 @p1 $0x1;
	p0 =	seq.s32 s7, s2  }
0x1e: {  	s7 =	smul.u32 @!p0 $0xF7A, s2;
	p2 =	seq.s32 @!p0 s5, $0x0  }
0x1f: {  	s9 =	smul.u32 $0xF7A, s1;
	s8 =	simm.s32 @!p0 $0x1BF5;
	p2 =	por !p2, p0  }
0x20: {  	[sflag:s8] =	ssyncset.s32 @!p0 $0xFFFFF086;
	s6 =	sadd.s32 @!p0 s3, s7;
	s7 =	simm.s32 @!p0 $0x108  }
0x21: {  	s3 =	sadd.s32 s3, s9;
	s6 =	sadd.s32 @!p0 $0x88, s6;
	s7 =	simm.s32 @p2 $0x1082  }
0x22: {  	[simem:s7], [sflag:s8] =	dma.local @!p0 [hbm:s6], $0xF7A  }
0x23: {  	s9 =	sor.u32 $0xD0000000, s2;
	s6 =	simm.s32 $0x108;
	_ =	swait.ge @!p0 [sflag:s8], $0x0  }
0x24: {  	s3 =	sadd.s32 $0x88, s3;
	s6 =	simm.s32 @!p1 $0x1082;
	[sflag:s4] =	ssyncset.s32 $0xFFFFF086  }
0x25: {  	[simem:s6], [sflag:s4] =	dma.local [hbm:s3], $0xF7A  }
0x26: {  	[smem:$0x3F9B] =	sst s1;
	(tag) =	ssettag s2;
	_ =	strace s9  }
0x27: {  	s1 =	sld [smem:$0x3FAB]  }
0x28: {  	s2 =	sld [smem:$0x3FAC]  }
0x29: {  	s4 =	sld [smem:$0x3FAE]  }
0x2a: {  	p0 =	seq.s32 s5, $0x0;
	s5 =	sld [smem:$0x3FAF]  }
0x2b: {  	s6 =	sld [smem:$0x3FB0]  }
0x2c: {  	s7 =	sld [smem:$0x3FB1]  }
0x2d: {  	s3 =	simm.s32 $0x108;
	s8 =	sld [smem:$0x3FB2]  }
0x2e: {  	s3 =	simm.s32 @!p0 $0x1082;
	s9 =	sld [smem:$0x3FB3]  }
0x2f: {  	lr =	sadd.s32 s0, s3;
	s0 =	sld [smem:$0x3FAA]  }
0x30: {  	s3 =	sld [smem:$0x3FAD]  }
0x31: {  	[smem:$0x3FB6] =	sst s10  }
0x32: {  	s10 =	sld [smem:$0x3FB4];
	_ =	sdelay $0x3  }
0x33: {  	p0 =	seq.s32 s10, $0x1;
	s10 =	sld [smem:$0x3FB6];
	_ =	sdelay $0x3  }
0x34: {  	[smem:$0x3FB6] =	sst s10  }
0x35: {  	s10 =	sld [smem:$0x3FB5];
	_ =	sdelay $0x3  }
0x36: {  	p1 =	seq.s32 s10, $0x1;
	s10 =	sld [smem:$0x3FB6];
	_ =	sdelay $0x3  }
0x37: {  	[smem:$0x3FB6] =	sst s10  }
0x38: {  	s10 =	sld [smem:$0x3FB7]  }
0x39: {  	_ = 	snop;
	(pc) =	sbr.ind lr, $3  }
0x3a: {  	_ = 	snop  }
0x3b: {  	_ = 	snop  }
0x3c: {  	p2 =	seq.s32 s10, $0x1;
	s10 =	sld [smem:$0x3FB6]  }
0x3d: {  	_ =	shalt  }
0x3e: {  	_ =	shalt  }
0x3f: {  	_ =	shalt  }
0x40: {  	_ =	shalt  }
0x41: {  	_ =	shalt  }
0x42: {  	_ =	shalt  }
0x43: {  	_ =	shalt  }
0x44: {  	_ =	shalt  }
0x45: {  	_ =	shalt  }
0x46: {  	_ =	shalt  }
0x47: {  	_ =	shalt  }
0x48: {  	_ =	shalt  }
0x49: {  	_ =	shalt  }
0x4a: {  	_ =	shalt  }
0x4b: {  	_ =	shalt  }
0x4c: {  	_ =	shalt  }
0x4d: {  	_ =	shalt  }
0x4e: {  	_ =	shalt  }
0x4f: {  	_ =	shalt  }
0x50: {  	_ =	shalt  }
0x51: {  	_ =	shalt  }
0x52: {  	_ =	shalt  }
0x53: {  	_ =	shalt  }
0x54: {  	_ =	shalt  }
0x55: {  	_ =	shalt  }
0x56: {  	_ =	shalt  }
0x57: {  	_ =	shalt  }
0x58: {  	_ =	shalt  }
0x59: {  	_ =	shalt  }
0x5a: {  	_ =	shalt  }
0x5b: {  	_ =	shalt  }
0x5c: {  	_ =	shalt  }
0x5d: {  	_ =	shalt  }
0x5e: {  	_ =	shalt  }
0x5f: {  	_ =	shalt  }
0x60: {  	_ =	shalt  }
0x61: {  	_ =	shalt  }
0x62: {  	_ =	shalt  }
0x63: {  	_ =	shalt  }
0x64: {  	_ =	shalt  }
0x65: {  	_ =	shalt  }
0x66: {  	_ =	shalt  }
0x67: {  	_ =	shalt  }
0x68: {  	_ =	shalt  }
0x69: {  	_ =	shalt  }
0x6a: {  	_ =	shalt  }
0x6b: {  	_ =	shalt  }
0x6c: {  	_ =	shalt  }
0x6d: {  	_ =	shalt  }
0x6e: {  	_ =	shalt  }
0x6f: {  	_ =	shalt  }
0x70: {  	_ =	shalt  }
0x71: {  	_ =	shalt  }
0x72: {  	_ =	shalt  }
0x73: {  	_ =	shalt  }
0x74: {  	_ =	shalt  }
0x75: {  	_ =	shalt  }
0x76: {  	_ =	shalt  }
0x77: {  	_ =	shalt  }
0x78: {  	_ =	shalt  }
0x79: {  	_ =	shalt  }
0x7a: {  	_ =	shalt  }
0x7b: {  	_ =	shalt  }
0x7c: {  	_ =	shalt  }
0x7d: {  	_ =	shalt  }
0x7e: {  	_ =	shalt  }
0x7f: {  	_ =	shalt  }
0x80: {  	_ =	shalt  }
0x81: {  	_ =	shalt  }
0x82: {  	_ =	shalt  }
0x83: {  	_ =	shalt  }
0x84: {  	_ =	shalt  }
0x85: {  	_ =	shalt  }
0x86: {  	_ =	shalt  }
0x87: {  	_ =	shalt  }
.Lfunc_end0:
.L_simem_size_0:
called_computation.1_lowered:
.L_overlay_start_0:
0x88: {  	s0 =	sld [smem:$0x3FD9]  }
0x89: {  	s1 =	sld [smem:$0x3FFE];
	_ =	sdelay $0x3  }
0x8a: {  	s0 =	sadd.s32 s1, s0  }
0x8b: {  	[smem:$0x3FC2] =	sst s0  }
0x8c: {  	_ = 	snop  }
0x8d: {  	(tm) =	ssettm $0x1  }
0x8e: {  	s15 =	sld [smem:$0x3FFB];
	_ =	sdelay $0x3  }
0x8f: {  	_ =	strace s15  }
0x90: {  	s0 =	sld [smem:$0x3FFC];
	_ =	sdelay $0x3  }
0x91: {  	_ =	strace s0  }
0x92: {  	s0 =	sld [smem:$0x3FFD];
	_ =	sdelay $0x3  }
0x93: {  	_ =	strace s0  }
0x94: {  	_ =	strace $0x8FFFFFFF  }
0x95: {  	s16 =	sld [smem:$0x3FDB];
	_ =	sdelay $0x1  }
0x96: {  	s17 =	simm.s32 $_scs_section_size  }
0x97: {  	s2 =	simm.s32 $_size__tile_overlayer_lowered;
	s3 =	simm.s32 $_tile_overlayer_lowered  }
0x98: {  	s20 =	simm.s32 $0x1BFF;
	s19 =	sshll.u32 s3, $0x1;
	s0 =	sadd.s32 s17, s16  }
0x99: {  	s4 =	simm.s32 $0x0;
	s18 =	sshll.u32 s2, $0x1;
	s2 =	sadd.s32 s19, s0  }
0x9a: {  	[timem:s4], [sflag:s20] =	dma.local [hbm:s2], s18  }
0x9b: {  	_ =	swait.ge [sflag:s20], s18  }
0x9c: {  	s1 =	ssub.s32 $0x0, s18;
	[sflag:s20] =	ssyncset.done $0x0  }
0x9d: {  	[sflag:s20] =	ssyncadd.s32 s1;
	_ =	sdelay $0x1  }
0x9e: {  	s21 =	simm.s32 $0x1B8B  }
0x9f: {  	_ =	swait.ge [sflag:s21], $0x1  }
0xa0: {  	[sflag:s21] =	ssyncset.done $0x0  }
0xa1: {  	s23 =	simm.s32 $0x1B8E;
	s22 =	sld [smem:$0x3FFE];
	[sflag:s21] =	ssyncadd.s32 $0xFFFFFFFF  }
0xa2: {  	s24 =	simm.s32 $execute0_lowered;
	[smem:$0x3FD2] =	sst s23  }
0xa3: {  	s2 =	sshll.u32 s24, $0x1;
	_ =	strace $0x80000049;
	[dreg:$0x1] =	wrdreg $0xFFFFFFFF  }
0xa4: {  	s25 =	simm.s32 $_size_execute0_lowered;
	s0 =	sadd.s32 s0, s2;
	[dreg:$0x0] =	wrdreg $0x0  }
0xa5: {  	s2 =	sshll.u32 s25, $0x1;
	[dreg:$0x2] =	wrdreg s0  }
0xa6: {  	[dreg:$0x3] =	wrdreg s2  }
0xa7: {  	[dreg:$0x4] =	wrdreg $0xC0  }
0xa8: {  	_ =	task [dreg:s4], $0x5FFFF  }
0xa9: {  	[dreg:$0x1] =	wrdreg $0xFFFFFFFF  }
0xaa: {  	[dreg:$0x0] =	wrdreg $0x60  }
0xab: {  	[dreg:$0x2] =	wrdreg s22  }
0xac: {  	[dreg:$0x3] =	wrdreg $0x0  }
0xad: {  	[dreg:$0x4] =	wrdreg $0x28000  }
0xae: {  	[dreg:$0x5] =	wrdreg $0x9  }
0xaf: {  	_ =	task.clear_ibuf [dreg:s4], $0x6FFFF;
	_ =	strace $0x90000049  }
0xb0: {  	s26 =	simm.s32 $0x9;
	_ =	strace $0x8000004B  }
0xb1: {  	_ =	swait.ge [sflag:s26], $0x1  }
0xb2: {  	[sflag:s26] =	ssyncadd.s32 $0xFFFFFFFF  }
0xb3: {  	_ =	strace $0x9000004B  }
0xb4: {  	_ =	sfence  }
0xb5: {  	s28 =	sld [smem:$0x0];
	_ =	sdelay $0x1  }
0xb6: {  	s29 =	srdreg.scid  }
0xb7: {  	s30 =	sshll.u32 s29, $0xD;
	s31 =	sshrl.u32 s29, $0x2  }
0xb8: {  	s1 =	sand.u32 $0x1, s29;
	s2 =	sand.u32 $0x4000, s30;
	s0 =	sadd.s32 s31, s28  }
0xb9: {  	s1 =	sor.u32 s2, s1;
	s0 =	sshll.u32 s0, $0x11  }
0xba: {  	s0 =	sor.u32 s0, s1  }
0xbb: {  	s0 =	sadd.s32 $0x8F2B, s0  }
0xbc: {  	[sflag:s0] =	ssyncadd.remote.s32 $0x1  }
0xbd: {  	_ =	sfence.sel $0xFFFF  }
0xbe: {  	[dreg:$0x0] =	wrdreg $0xFFFFFFFF;
	(pc) =	sbr.abs _section_cstart, $3  }
0xbf: {  	[dreg:$0x1] =	wrdreg $0xFFFFFFFF  }
0xc0: {  	_ =	task.clear_ibuf [dreg:s4], $0x2FFFF;
	_ =	strace $0x9FFFFFFF  }
0xc1: {  	(tm) =	ssettm $0x7FFFFFFF  }
tec
execute0_lowered:
.L_overlay_start_1:
0x0: {  	(tag) =	ssettag $0x1  }
0x1: {  	s2 =	rddreg [dreg:$0x0];
	s8 =	stileid.u32  }
0x2: {  	s4 =	rddreg [dreg:$0x1];
	s0 =	smul.u32 $0xA00, s8  }
0x3: {  	s5 =	rddreg [dreg:$0x2];
	s1 =	simm.s32 $0x0  }
0x4: {  	s6 =	simm.s32 $0x5000;
	[smem:$0x7FF] =	sst s1;
	s3 =	sadd.s32 s0, s2  }
0x5: {  	s29 =	simm.s32 $0x11;
	_ =	strace $0x8000004A;
	s0 =	sadd.s32 $0x10200, s3  }
0x6: {  	[tilespmem:s6], [sflag:$0x11] =	stream.linear.gather [hbm4b:s0+s1], $0x5000, $0x38;
	[tilespmem:$0x1DA00] =	vst v63  }
0x7: {  	_ =	swait.ge [sflag:s29], $0x5000  }
0x8: {  	s7 =	simm.s32 $0xA000;
	[sflag:s29] =	ssyncset.done $0x0  }
0x9: {  	s3 =	sadd.s32 $0x1200, s3;
	s0 =	smul.u32 $0x2800, s8;
	[sflag:s29] =	ssyncadd.s32 $0xFFFFB000  }
0xa: {  	[tilespmem:s7], [sflag:$0x11] =	stream.linear.gather [hbm4b:s3+s1], $0x5000, $0x38;
	[tilespmem:$0x1DA00] =	vst v63  }
0xb: {  	s9 =	sshrl.u32 s0, $0x3;
	_ =	swait.ge [sflag:s29], $0x5000  }
0xc: {  	s30 =	sadd.s32 s9, s2;
	[sflag:s29] =	ssyncset.done $0x0  }
0xd: {  	s31 =	simm.s32 $0x18000;
	s3 =	sadd.s32 $0x1A200, s30;
	[sflag:s29] =	ssyncadd.s32 $0xFFFFB000  }
0xe: {  	[tilespmem:s31], [sflag:$0x11] =	stream.linear.gather [hbm4b:s3+s1], $0x2800, $0x38;
	[tilespmem:$0x1DA00] =	vst v63  }
0xf: {  	s1 =	sadd.s32 $0xB200, s2;
	_ =	swait.ge [sflag:s29], $0x2800  }
0x10: {  	s2 =	sadd.s32 $0x1F200, s2;
	s3 =	simm.s32 $0x0;
	[sflag:s29] =	ssyncset.done $0x0  }
0x11: {  	v0 =	vimm.f32 $0.0e+00;
	[dreg:$0x5] =	wrdreg s2;
	s2 =	simm.s32 $0x40;
	[sflag:s29] =	ssyncadd.s32 $0xFFFFD800  }
.LBB2_1:
0x12: {  	p0 =	sne.s32 s2, $0x27C0;
	[tilespmem:s3+$0x1D000] =	vst v0;
	s3 =	smov.u32 s2;
	s2 =	sadd.s32 $0x40, s2  }
.Ltmp0:
0x13: {  	(pc) =	sbr.rel @p0 .LBB2_1-.Ltmp0, $2  }
0x14: {  	_ =	sdelay $0x2  }
0x15: {  	s3 =	sshra.s32 s3, $0x2  }
0x16: {  	[tilespmem:s3+$0x1D000] =	vst v0;
	s20 =	sadd.s32 s0, s4;
	s2 =	smul.u32 $0xA000, s8;
	s28 =	simm.s32 $0x1D000  }
0x17: {  	[spmem:s20] =	stream.linear.scatter [tilespmem:s28], [sflag:$0x11], $0xA00, $0x38;
	[tilespmem:$0x1DA00] =	vst v63  }
0x18: {  	s6 =	simm.s32 $0x11;
	s2 =	sshrl.u32 s2, $0x2  }
0x19: {  	_ =	swait.ge [sflag:s6], $0xA00;
	s2 =	sadd.s32 s2, s4  }
0x1a: {  	[sflag:s6] =	ssyncset.done $0x0;
	s7 =	sadd.s32 $0xA00, s2  }
0x1b: {  	[sflag:s6] =	ssyncadd.s32 $0xFFFFF600;
	[dreg:$0x6] =	wrdreg s7  }
0x1c: {  	[spmem:s7] =	stream.linear.scatter [tilespmem:s28], [sflag:$0x11], $0xA00, $0x38;
	[tilespmem:$0x1DA00] =	vst v63  }
0x1d: {  	_ =	swait.ge [sflag:s6], $0xA00  }
0x1e: {  	s29 =	sadd.s32 $0x1400, s2;
	[sflag:s6] =	ssyncset.done $0x0  }
0x1f: {  	[dreg:$0x7] =	wrdreg s29;
	[sflag:s6] =	ssyncadd.s32 $0xFFFFF600  }
0x20: {  	[spmem:s29] =	stream.linear.scatter [tilespmem:s28], [sflag:$0x11], $0xA00, $0x38;
	[tilespmem:$0x1DA00] =	vst v63  }
0x21: {  	_ =	swait.ge [sflag:s6], $0xA00  }
0x22: {  	s2 =	sadd.s32 $0x1E00, s2;
	[sflag:s6] =	ssyncset.done $0x0  }
0x23: {  	[dreg:$0x8] =	wrdreg s2;
	[sflag:s6] =	ssyncadd.s32 $0xFFFFF600  }
0x24: {  	[spmem:s2] =	stream.linear.scatter [tilespmem:s28], [sflag:$0x11], $0xA00, $0x38;
	[tilespmem:$0x1DA00] =	vst v63  }
0x25: {  	_ =	swait.ge [sflag:s6], $0xA00  }
0x26: {  	s1 =	sadd.s32 s1, s9;
	[sflag:s6] =	ssyncset.done $0x0  }
0x27: {  	s30 =	simm.s32 $0x0;
	s31 =	simm.s32 $0x1A800;
	[sflag:s6] =	ssyncadd.s32 $0xFFFFF600  }
0x28: {  	[tilespmem:s31], [sflag:$0x11] =	stream.linear.gather [hbm4b:s1+s30], $0x2800, $0x38;
	[tilespmem:$0x1DA00] =	vst v63  }
0x29: {  	_ =	swait.ge [sflag:s6], $0x2800  }
0x2a: {  	[sflag:s6] =	ssyncset.done $0x0  }
0x2b: {  	s12 =	simm.s32 $0x0;
	[sflag:s6] =	ssyncadd.s32 $0xFFFFD800  }
0x2c: {  	v0 =	vld [tilespmem:s12+$0x1A800];
	_ =	sdelay $0x1  }
0x2d: {  	s10 =	simm.s32 $0x10  }
0x2e: {  	v1 =	vld [tilespmem:s10+$0x1A800];
	_ =	sdelay $0x1  }
0x2f: {  	v0 =	vadd.f32 $1.000000000e+00, v0;
	_ =	sdelay $0x1  }
0x30: {  	s3 =	simm.s32 $0x20;
	v2 =	vshrl.u32 v0, $0x1;
	v3 =	vmul.f32 $5.000000000e-01, v0  }
0x31: {  	v1 =	vadd.f32 $1.000000000e+00, v1;
	v0 =	vsub.s32 $0x5F3759DF, v2;
	v2 =	vld [tilespmem:s3+$0x1A800]  }
0x32: {  	v4 =	vmul.f32 v0, v3  }
0x33: {  	v5 =	vshrl.u32 v1, $0x1;
	v6 =	vmul.f32 $5.000000000e-01, v1  }
0x34: {  	v1 =	vmul.f32 v0, v4;
	v4 =	vsub.s32 $0x5F3759DF, v5  }
0x35: {  	v5 =	vmul.f32 v4, v6  }
0x36: {  	v1 =	vsub.f32 $1.500000000e+00, v1;
	v2 =	vadd.f32 $1.000000000e+00, v2  }
0x37: {  	s1 =	simm.s32 $0x30;
	v5 =	vmul.f32 v4, v5  }
0x38: {  	v7 =	vmul.f32 v0, v1;
	v0 =	vld [tilespmem:s1+$0x1A800];
	v8 =	vshrl.u32 v2, $0x1;
	v1 =	vmul.f32 $5.000000000e-01, v2  }
0x39: {  	v2 =	vsub.f32 $1.500000000e+00, v5;
	v5 =	vsub.s32 $0x5F3759DF, v8  }
0x3a: {  	v8 =	vmul.f32 v7, v3;
	v9 =	vmul.f32 v5, v1  }
0x3b: {  	v2 =	vmul.f32 v4, v2  }
0x3c: {  	v4 =	vmul.f32 v8, v7;
	v8 =	vmul.f32 v5, v9  }
0x3d: {  	v9 =	vmul.f32 v2, v6;
	v0 =	vadd.f32 $1.000000000e+00, v0  }
0x3e: {  	v4 =	vsub.f32 $1.500000000e+00, v4;
	v8 =	vsub.f32 $1.500000000e+00, v8  }
0x3f: {  	s2 =	simm.s32 $0x40;
	v9 =	vmul.f32 v9, v2;
	v10 =	vshrl.u32 v0, $0x1;
	v0 =	vmul.f32 $5.000000000e-01, v0  }
0x40: {  	v4 =	vmul.f32 v4, v7;
	v7 =	vld [tilespmem:s2+$0x1A800];
	v10 =	vsub.s32 $0x5F3759DF, v10;
	v11 =	vmul.f32 v5, v8  }
0x41: {  	v5 =	vsub.f32 $1.500000000e+00, v9;
	v8 =	vmul.f32 v10, v0  }
0x42: {  	v9 =	vmul.f32 v4, v3;
	v12 =	vmul.f32 v11, v1  }
0x43: {  	v3 =	vmul.f32 v5, v2;
	v2 =	vmul.f32 v10, v8  }
0x44: {  	v5 =	vmul.f32 v9, v4;
	v9 =	vmul.f32 v12, v11  }
0x45: {  	v8 =	vld [tilespmem:s12+$0x18000];
	v7 =	vadd.f32 $1.000000000e+00, v7;
	v12 =	vsub.f32 $1.500000000e+00, v2;
	v6 =	vmul.f32 v3, v6  }
0x46: {  	s11 =	simm.s32 $0x50;
	v13 =	vsub.f32 $1.500000000e+00, v9;
	v9 =	vsub.f32 $1.500000000e+00, v5  }
0x47: {  	v15 =	vld [tilespmem:s11+$0x1A800];
	v5 =	vshrl.u32 v7, $0x1;
	v2 =	vmul.f32 $5.000000000e-01, v7;
	v7 =	vmul.f32 v6, v3  }
0x48: {  	v6 =	vmul.f32 v10, v12;
	v5 =	vsub.s32 $0x5F3759DF, v5;
	v9 =	vmul.f32 v9, v4  }
0x49: {  	v4 =	vmul.f32 v13, v11;
	v10 =	vmul.f32 v5, v2  }
0x4a: {  	v11 =	vmul.f32 v6, v0;
	v16 =	vmul.f32 v9, v8  }
0x4b: {  	v14 =	vmul.f32 $8.999999760e-01, v9;
	v12 =	vmul.f32 v5, v10  }
0x4c: {  	s6 =	simm.s32 $0x180;
	v13 =	vmul.f32 $1.000000010e-01, v9;
	v10 =	vadd.f32 $1.000000000e+00, v15;
	v11 =	vmul.f32 v11, v6;
	[tilespmem:s12+$0x18000] =	vst v16  }
.LBB2_3:
0x4d: {  	s7 =	sshra.s32 s6, $0x2;
	p0 =	sne.s32 s6, $0x9FC0;
	s6 =	sadd.s32 $0x40, s6;
	v12 =	vsub.f32 $1.500000000e+00, v12;
	v15 =	vmul.f32 v4, v1;
	v16 =	vld [tilespmem:s10+$0x18000];
	v9 =	vmul.f32 v14, v9;
	v1 =	vmovc v0;
	v0 =	vmovc v2  }
0x4e: {  	v17 =	vsub.f32 $1.500000000e+00, v7;
	v14 =	vld [tilespmem:s7+$0x1A800];
	v11 =	vsub.f32 $1.500000000e+00, v11;
	v8 =	vmul.f32 v13, v8  }
0x4f: {  	v2 =	vmul.f32 $5.000000000e-01, v10;
	v13 =	vshrl.u32 v10, $0x1;
	v7 =	vmul.f32 v15, v4;
	[tilespmem:s12+$0x13000] =	vst v9  }
.Ltmp1:
0x50: {  	v10 =	vmul.f32 v5, v12;
	v5 =	vsub.s32 $0x5F3759DF, v13;
	v9 =	vmul.f32 v17, v3;
	v3 =	vmovc v4;
	[tilespmem:s12+$0x15800] =	vst v8;
	s12 =	smov.u32 s10;
	s10 =	smov.u32 s3;
	(pc) =	sbr.rel @p0 .LBB2_3-.Ltmp1, $4  }
0x51: {  	v12 =	vmul.f32 v5, v2;
	v4 =	vmul.f32 v11, v6;
	s3 =	smov.u32 s1;
	s1 =	smov.u32 s2;
	s2 =	smov.u32 s11  }
0x52: {  	s11 =	smov.u32 s7;
	v11 =	vmul.f32 v10, v0;
	v6 =	vmovc v10;
	v15 =	vmul.f32 v9, v16;
	v8 =	vmov v16  }
0x53: {  	v12 =	vmul.f32 v5, v12;
	v10 =	vadd.f32 $1.000000000e+00, v14;
	v14 =	vmul.f32 $8.999999760e-01, v9  }
0x54: {  	v13 =	vmul.f32 $1.000000010e-01, v9;
	v11 =	vmul.f32 v11, v6;
	[tilespmem:s12+$0x18000] =	vst v15  }
0x55: {  	v15 =	vld [tilespmem:s10+$0x18000]  }
0x56: {  	v7 =	vsub.f32 $1.500000000e+00, v7;
	_ =	sdelay $0x1  }
0x57: {  	v9 =	vmul.f32 v14, v9;
	v3 =	vmul.f32 v7, v3  }
0x58: {  	v31 =	vmul.f32 v13, v8  }
0x59: {  	v1 =	vmul.f32 v4, v1;
	[tilespmem:s12+$0x13000] =	vst v9;
	v32 =	vmul.f32 v3, v15  }
0x5a: {  	v33 =	vsub.f32 $1.500000000e+00, v12;
	v34 =	vshrl.u32 v10, $0x1;
	v35 =	vmul.f32 $5.000000000e-01, v10;
	[tilespmem:s12+$0x15800] =	vst v31  }
0x5b: {  	v36 =	vsub.f32 $1.500000000e+00, v11;
	v37 =	vsub.s32 $0x5F3759DF, v34;
	v1 =	vmul.f32 v1, v4;
	[tilespmem:s10+$0x18000] =	vst v32  }
0x5c: {  	v5 =	vmul.f32 v5, v33;
	v38 =	vmul.f32 v37, v35;
	v39 =	vld [tilespmem:s3+$0x18000]  }
0x5d: {  	v6 =	vmul.f32 v36, v6;
	v40 =	vmul.f32 $8.999999760e-01, v3;
	v1 =	vsub.f32 $1.500000000e+00, v1  }
0x5e: {  	v41 =	vmul.f32 v5, v2;
	v42 =	vmul.f32 $1.000000010e-01, v3  }
0x5f: {  	v3 =	vmul.f32 v40, v3;
	v1 =	vmul.f32 v1, v4  }
0x60: {  	v43 =	vmul.f32 v37, v38;
	v44 =	vmul.f32 v42, v15  }
0x61: {  	v0 =	vmul.f32 v6, v0;
	[tilespmem:s10+$0x13000] =	vst v3;
	v45 =	vmul.f32 v1, v39  }
0x62: {  	v46 =	vmul.f32 v41, v5;
	[tilespmem:s10+$0x15800] =	vst v44  }
0x63: {  	v4 =	vsub.f32 $1.500000000e+00, v43;
	v0 =	vmul.f32 v0, v6;
	[tilespmem:s3+$0x18000] =	vst v45  }
0x64: {  	v47 =	vsub.f32 $1.500000000e+00, v46;
	v7 =	vld [tilespmem:s1+$0x18000]  }
0x65: {  	v4 =	vmul.f32 v37, v4;
	v48 =	vmul.f32 $8.999999760e-01, v1;
	v0 =	vsub.f32 $1.500000000e+00, v0  }
0x66: {  	v49 =	vmul.f32 $1.000000010e-01, v1;
	v3 =	vmul.f32 v47, v5  }
0x67: {  	v0 =	vmul.f32 v0, v6;
	v1 =	vmul.f32 v48, v1  }
0x68: {  	v50 =	vmul.f32 v4, v35;
	v5 =	vmul.f32 v49, v39  }
0x69: {  	v51 =	vmul.f32 v3, v2;
	[tilespmem:s3+$0x13000] =	vst v1;
	v52 =	vmul.f32 v0, v7  }
0x6a: {  	v6 =	vmul.f32 v50, v4;
	[tilespmem:s3+$0x15800] =	vst v5  }
0x6b: {  	v2 =	vmul.f32 v51, v3;
	[tilespmem:s1+$0x18000] =	vst v52  }
0x6c: {  	v53 =	vsub.f32 $1.500000000e+00, v6;
	v5 =	vld [tilespmem:s2+$0x18000]  }
0x6d: {  	v54 =	vmul.f32 $8.999999760e-01, v0;
	v2 =	vsub.f32 $1.500000000e+00, v2  }
0x6e: {  	v55 =	vmul.f32 $1.000000010e-01, v0;
	v1 =	vmul.f32 v53, v4  }
0x6f: {  	v2 =	vmul.f32 v2, v3;
	v0 =	vmul.f32 v54, v0  }
0x70: {  	v56 =	vmul.f32 v1, v35;
	v4 =	vmul.f32 v55, v7  }
0x71: {  	[tilespmem:s1+$0x13000] =	vst v0;
	v57 =	vmul.f32 v2, v5  }
0x72: {  	v3 =	vmul.f32 v56, v1;
	[tilespmem:s1+$0x15800] =	vst v4  }
0x73: {  	[tilespmem:s2+$0x18000] =	vst v57  }
0x74: {  	v3 =	vsub.f32 $1.500000000e+00, v3;
	v0 =	vld [tilespmem:s11+$0x18000]  }
0x75: {  	v58 =	vmul.f32 $8.999999760e-01, v2  }
0x76: {  	v59 =	vmul.f32 $1.000000010e-01, v2;
	v1 =	vmul.f32 v3, v1  }
0x77: {  	v2 =	vmul.f32 v58, v2  }
0x78: {  	v61 =	vmul.f32 $8.999999760e-01, v1;
	v60 =	vmul.f32 v59, v5  }
0x79: {  	[dreg:$0x4] =	wrdreg s9;
	s0 =	sadd.s32 s0, s5;
	s28 =	simm.s32 $0x18000;
	v63 =	vmul.f32 $1.000000010e-01, v1;
	[tilespmem:s2+$0x13000] =	vst v2;
	v62 =	vmul.f32 v1, v0  }
0x7a: {  	s13 =	simm.s32 $0x0;
	s14 =	simm.s32 $0x80;
	s16 =	simm.s32 $0xF000;
	[tilespmem:s2+$0x15800] =	vst v60;
	v1 =	vmul.f32 v61, v1  }
0x7b: {  	s18 =	simm.s32 $0xF800;
	s22 =	simm.s32 $0x10800;
	s26 =	simm.s32 $0x11800;
	v0 =	vmul.f32 v63, v0;
	[tilespmem:s11+$0x18000] =	vst v62  }
0x7c: {  	s29 =	simm.s32 $0x12000;
	s31 =	simm.s32 $0x12800;
	s15 =	simm.s32 $0x8;
	[tilespmem:s11+$0x13000] =	vst v1  }
0x7d: {  	s21 =	simm.s32 $0xD;
	[dreg:$0x9] =	wrdreg s0;
	s12 =	simm.s32 $0x11;
	[tilespmem:s11+$0x15800] =	vst v0  }
0x7e: {  	[spmem:s0] =	stream.linear.scatter [tilespmem:s28], [sflag:$0x11], $0x2800, $0x38;
	[tilespmem:$0x1DA00] =	vst v63  }
0x7f: {  	s23 =	simm.s32 $0xE;
	s24 =	simm.s32 $0xF;
	_ =	swait.ge [sflag:s12], $0x2800  }
0x80: {  	s25 =	simm.s32 $0x10;
	s30 =	simm.s32 $0x1D000;
	[sflag:s12] =	ssyncset.done $0x0  }
0x81: {  	s3 =	simm.s32 $0x2;
	s1 =	simm.s32 $0x1;
	[sflag:s12] =	ssyncadd.s32 $0xFFFFD800  }
0x82: {  	s2 =	simm.s32 $0x6;
	s0 =	simm.s32 $0x4;
	[bflag:$0x0] =	sbarrier.arrive $0xFFFF  }
.LBB2_5:
0x83: {  	s6 =	simm.s32 $0x5000  }
0x84: {  	[tilespmem:s16], [sflag:$0x1] =	stream.indirect.gather [spmem:s5], $0x10, s6, s14, $0xb8;
	[tilespmem:$0x1DA00] =	vst v63  }
0x85: {  	s17 =	simm.s32 $0x5080  }
0x86: {  	[tilespmem:s18], [sflag:$0x2] =	stream.indirect.gather [spmem:s5], $0x10, s17, s14, $0xb8;
	[tilespmem:$0x1DA00] =	vst v63  }
0x87: {  	s19 =	simm.s32 $0x5100;
	s7 =	simm.s32 $0x10000  }
0x88: {  	[tilespmem:s7], [sflag:$0x3] =	stream.indirect.gather [spmem:s5], $0x10, s19, s14, $0xb8;
	[tilespmem:$0x1DA00] =	vst v63  }
0x89: {  	s8 =	simm.s32 $0x5180  }
0x8a: {  	[tilespmem:s22], [sflag:$0x4] =	stream.indirect.gather [spmem:s5], $0x10, s8, s14, $0xb8;
	[tilespmem:$0x1DA00] =	vst v63  }
0x8b: {  	s9 =	simm.s32 $0x5200;
	s10 =	simm.s32 $0x11000  }
0x8c: {  	[tilespmem:s10], [sflag:$0x5] =	stream.indirect.gather [spmem:s5], $0x10, s9, s14, $0xb8;
	[tilespmem:$0x1DA00] =	vst v63  }
0x8d: {  	s11 =	simm.s32 $0x5280  }
0x8e: {  	[tilespmem:s26], [sflag:$0x6] =	stream.indirect.gather [spmem:s5], $0x10, s11, s14, $0xb8;
	[tilespmem:$0x1DA00] =	vst v63  }
0x8f: {  	s17 =	simm.s32 $0x5300  }
0x90: {  	[tilespmem:s29], [sflag:$0x7] =	stream.indirect.gather [spmem:s5], $0x10, s17, s14, $0xb8;
	[tilespmem:$0x1DA00] =	vst v63  }
0x91: {  	s28 =	simm.s32 $0x0;
	s19 =	simm.s32 $0x5380  }
0x92: {  	[tilespmem:s31], [sflag:$0x8] =	stream.indirect.gather [spmem:s5], $0x10, s19, s14, $0xb8;
	[tilespmem:$0x1DA00] =	vst v63  }
.LBB2_6:
0x93: {  	_ =	swait.ge [sflag:s1], $0x800  }
0x94: {  	s7 =	sshra.s32 s28, $0x2;
	[sflag:s1] =	ssyncset.done $0x0  }
0x95: {  	p0 =	seq.s32 s28, $0x0;
	s6 =	sadd.s32 $0xA000, s7;
	[sflag:s1] =	ssyncadd.s32 $0xFFFFF800  }
0x96: {  	[spmem:s4] =	stream.indirect.scatter.add.f32 [tilespmem:s16], [sflag:$0x9], $0x10, s6, s14, $0xb8;
	[tilespmem:$0x1DA00] =	vst v63  }
0x97: {  	s6 =	simm.s32 @!p0 $0x10  }
0x98: {  	_ =	swait.ge @!p0 [sflag:s6], $0x800  }
0x99: {  	[sflag:s6] =	ssyncset.done @!p0 $0x0  }
0x9a: {  	[sflag:s6] =	ssyncadd.s32 @!p0 $0xFFFFF800;
	s6 =	sshra.s32 @!p0 s28, $0x2  }
0x9b: {  	s8 =	simm.s32 @!p0 $0x80;
	s9 =	simm.s32 @!p0 $0x12800;
	s6 =	sadd.s32 @!p0 $0x5380, s6  }
0x9c: {  	[tilespmem:s9], [sflag:$0x8] =	stream.indirect.gather @!p0 [spmem:s5], $0x10, s6, s8, $0xb8;
	[tilespmem:$0x1DA00] =	vst v63  }
0x9d: {  	_ =	swait.ge [sflag:s3], $0x800  }
0x9e: {  	p0 =	seq.s32 s28, $0x13000;
	[sflag:s3] =	ssyncset.done $0x0  }
0x9f: {  	s17 =	sadd.s32 $0xA080, s7;
	s6 =	simm.s32 @p0 $0x3;
	[sflag:s3] =	ssyncadd.s32 $0xFFFFF800  }
0xa0: {  	[spmem:s4] =	stream.indirect.scatter.add.f32 [tilespmem:s18], [sflag:$0xA], $0x10, s17, s14, $0xb8;
	[tilespmem:$0x1DA00] =	vst v63  }
0xa1: {  	_ =	swait.ge @p0 [sflag:s6], $0x800  }
0xa2: {  	s10 =	sshra.s32 @p0 s28, $0x2;
	s9 =	simm.s32 @p0 $0x10000;
	[sflag:s6] =	ssyncset.done @p0 $0x0  }
0xa3: {  	s8 =	sadd.s32 @p0 $0xA100, s10;
	[sflag:s6] =	ssyncadd.s32 @p0 $0xFFFFF800;
	s6 =	simm.s32 @p0 $0x80  }
0xa4: {  	[spmem:s4] =	stream.indirect.scatter.add.f32 @p0 [tilespmem:s9], [sflag:$0xB], $0x10, s8, s6, $0xb8;
	[tilespmem:$0x1DA00] =	vst v63  }
0xa5: {  	s8 =	simm.s32 @!p0 $0x9  }
0xa6: {  	_ =	swait.ge @!p0 [sflag:s8], $0x800  }
0xa7: {  	[sflag:s8] =	ssyncset.done @!p0 $0x0  }
0xa8: {  	[sflag:s8] =	ssyncadd.s32 @!p0 $0xFFFFF800;
	s8 =	sshra.s32 @!p0 s28, $0x2  }
0xa9: {  	s17 =	simm.s32 @!p0 $0xF000;
	s9 =	simm.s32 @!p0 $0x80;
	s11 =	sadd.s32 @!p0 $0x5400, s8  }
0xaa: {  	[tilespmem:s17], [sflag:$0x1] =	stream.indirect.gather @!p0 [spmem:s5], $0x10, s11, s9, $0xb8;
	[tilespmem:$0x1DA00] =	vst v63  }
0xab: {  	s11 =	simm.s32 @!p0 $0x3  }
0xac: {  	_ =	swait.ge @!p0 [sflag:s11], $0x800  }
0xad: {  	[sflag:s11] =	ssyncset.done @!p0 $0x0  }
0xae: {  	s17 =	simm.s32 @!p0 $0x10000;
	[sflag:s11] =	ssyncadd.s32 @!p0 $0xFFFFF800;
	s11 =	sadd.s32 @!p0 $0xA100, s8  }
0xaf: {  	[spmem:s4] =	stream.indirect.scatter.add.f32 @!p0 [tilespmem:s17], [sflag:$0xB], $0x10, s11, s9, $0xb8;
	[tilespmem:$0x1DA00] =	vst v63  }
0xb0: {  	s11 =	simm.s32 @!p0 $0xA  }
0xb1: {  	_ =	swait.ge @!p0 [sflag:s11], $0x800  }
0xb2: {  	[sflag:s11] =	ssyncset.done @!p0 $0x0  }
0xb3: {  	s19 =	simm.s32 @!p0 $0xF800;
	[sflag:s11] =	ssyncadd.s32 @!p0 $0xFFFFF800;
	s11 =	sadd.s32 @!p0 $0x5480, s8  }
0xb4: {  	[tilespmem:s19], [sflag:$0x2] =	stream.indirect.gather @!p0 [spmem:s5], $0x10, s11, s9, $0xb8;
	[tilespmem:$0x1DA00] =	vst v63  }
0xb5: {  	_ =	swait.ge [sflag:s0], $0x800  }
0xb6: {  	[sflag:s0] =	ssyncset.done $0x0  }
0xb7: {  	s19 =	sadd.s32 $0xA180, s7;
	s11 =	simm.s32 @p0 $0x5;
	[sflag:s0] =	ssyncadd.s32 $0xFFFFF800  }
0xb8: {  	[spmem:s4] =	stream.indirect.scatter.add.f32 [tilespmem:s22], [sflag:$0xC], $0x10, s19, s14, $0xb8;
	[tilespmem:$0x1DA00] =	vst v63  }
0xb9: {  	_ =	swait.ge @p0 [sflag:s11], $0x800  }
0xba: {  	[sflag:s11] =	ssyncset.done @p0 $0x0  }
0xbb: {  	s19 =	simm.s32 @p0 $0x11000;
	[sflag:s11] =	ssyncadd.s32 @p0 $0xFFFFF800;
	s11 =	sadd.s32 @p0 $0xA200, s10  }
0xbc: {  	[spmem:s4] =	stream.indirect.scatter.add.f32 @p0 [tilespmem:s19], [sflag:$0xD], $0x10, s11, s6, $0xb8;
	[tilespmem:$0x1DA00] =	vst v63  }
0xbd: {  	s11 =	simm.s32 @!p0 $0xB  }
0xbe: {  	_ =	swait.ge @!p0 [sflag:s11], $0x800  }
0xbf: {  	[sflag:s11] =	ssyncset.done @!p0 $0x0  }
0xc0: {  	[sflag:s11] =	ssyncadd.s32 @!p0 $0xFFFFF800;
	s11 =	sadd.s32 @!p0 $0x5500, s8  }
0xc1: {  	[tilespmem:s17], [sflag:$0x3] =	stream.indirect.gather @!p0 [spmem:s5], $0x10, s11, s9, $0xb8;
	[tilespmem:$0x1DA00] =	vst v63  }
0xc2: {  	s11 =	simm.s32 @!p0 $0x5  }
0xc3: {  	_ =	swait.ge @!p0 [sflag:s11], $0x800  }
0xc4: {  	[sflag:s11] =	ssyncset.done @!p0 $0x0  }
0xc5: {  	s17 =	simm.s32 @!p0 $0x11000;
	[sflag:s11] =	ssyncadd.s32 @!p0 $0xFFFFF800;
	s11 =	sadd.s32 @!p0 $0xA200, s8  }
0xc6: {  	[spmem:s4] =	stream.indirect.scatter.add.f32 @!p0 [tilespmem:s17], [sflag:$0xD], $0x10, s11, s9, $0xb8;
	[tilespmem:$0x1DA00] =	vst v63  }
0xc7: {  	s11 =	simm.s32 @!p0 $0xC  }
0xc8: {  	_ =	swait.ge @!p0 [sflag:s11], $0x800  }
0xc9: {  	[sflag:s11] =	ssyncset.done @!p0 $0x0  }
0xca: {  	s19 =	simm.s32 @!p0 $0x10800;
	[sflag:s11] =	ssyncadd.s32 @!p0 $0xFFFFF800;
	s11 =	sadd.s32 @!p0 $0x5580, s8  }
0xcb: {  	[tilespmem:s19], [sflag:$0x4] =	stream.indirect.gather @!p0 [spmem:s5], $0x10, s11, s9, $0xb8;
	[tilespmem:$0x1DA00] =	vst v63  }
0xcc: {  	_ =	swait.ge [sflag:s2], $0x800  }
0xcd: {  	[sflag:s2] =	ssyncset.done $0x0  }
0xce: {  	s19 =	sadd.s32 $0xA280, s7;
	s11 =	simm.s32 @p0 $0x7;
	[sflag:s2] =	ssyncadd.s32 $0xFFFFF800  }
0xcf: {  	[spmem:s4] =	stream.indirect.scatter.add.f32 [tilespmem:s26], [sflag:$0xE], $0x10, s19, s14, $0xb8;
	[tilespmem:$0x1DA00] =	vst v63  }
0xd0: {  	_ =	swait.ge @p0 [sflag:s11], $0x800  }
0xd1: {  	[sflag:s11] =	ssyncset.done @p0 $0x0  }
0xd2: {  	s10 =	sadd.s32 @p0 $0xA300, s10;
	[sflag:s11] =	ssyncadd.s32 @p0 $0xFFFFF800;
	s11 =	simm.s32 @p0 $0x12000  }
0xd3: {  	[spmem:s4] =	stream.indirect.scatter.add.f32 @p0 [tilespmem:s11], [sflag:$0xF], $0x10, s10, s6, $0xb8;
	[tilespmem:$0x1DA00] =	vst v63  }
0xd4: {  	s6 =	simm.s32 @!p0 $0xD  }
0xd5: {  	_ =	swait.ge @!p0 [sflag:s6], $0x800  }
0xd6: {  	[sflag:s6] =	ssyncset.done @!p0 $0x0  }
0xd7: {  	[sflag:s6] =	ssyncadd.s32 @!p0 $0xFFFFF800;
	s6 =	sadd.s32 @!p0 $0x5600, s8  }
0xd8: {  	[tilespmem:s17], [sflag:$0x5] =	stream.indirect.gather @!p0 [spmem:s5], $0x10, s6, s9, $0xb8;
	[tilespmem:$0x1DA00] =	vst v63  }
0xd9: {  	s6 =	simm.s32 @!p0 $0x7  }
0xda: {  	_ =	swait.ge @!p0 [sflag:s6], $0x800  }
0xdb: {  	[sflag:s6] =	ssyncset.done @!p0 $0x0  }
0xdc: {  	s10 =	simm.s32 @!p0 $0x12000;
	[sflag:s6] =	ssyncadd.s32 @!p0 $0xFFFFF800;
	s6 =	sadd.s32 @!p0 $0xA300, s8  }
0xdd: {  	[spmem:s4] =	stream.indirect.scatter.add.f32 @!p0 [tilespmem:s10], [sflag:$0xF], $0x10, s6, s9, $0xb8;
	[tilespmem:$0x1DA00] =	vst v63  }
0xde: {  	s6 =	simm.s32 @!p0 $0xE  }
0xdf: {  	_ =	swait.ge @!p0 [sflag:s6], $0x800  }
0xe0: {  	[sflag:s6] =	ssyncset.done @!p0 $0x0  }
0xe1: {  	[sflag:s6] =	ssyncadd.s32 @!p0 $0xFFFFF800;
	s6 =	sadd.s32 @!p0 $0x5680, s8;
	s8 =	simm.s32 @!p0 $0x11800  }
0xe2: {  	[tilespmem:s8], [sflag:$0x6] =	stream.indirect.gather @!p0 [spmem:s5], $0x10, s6, s9, $0xb8;
	[tilespmem:$0x1DA00] =	vst v63  }
.Ltmp2:
0xe3: {  	_ = 	snop;
	(pc) =	sbr.rel @p0 .LBB2_8-.Ltmp2, $4  }
0xe4: {  	_ =	swait.ge [sflag:s15], $0x800  }
0xe5: {  	[sflag:s15] =	ssyncset.done $0x0  }
0xe6: {  	s19 =	sadd.s32 $0xA380, s7;
	[sflag:s15] =	ssyncadd.s32 $0xFFFFF800  }
0xe7: {  	[spmem:s4] =	stream.indirect.scatter.add.f32 [tilespmem:s31], [sflag:$0x10], $0x10, s19, s14, $0xb8;
	[tilespmem:$0x1DA00] =	vst v63  }
.Ltmp3:
0xe8: {  	(pc) =	sbr.rel .LBB2_6-.Ltmp3, $4  }
0xe9: {  	_ =	swait.ge [sflag:s24], $0x800  }
0xea: {  	[sflag:s24] =	ssyncset.done $0x0  }
0xeb: {  	s6 =	sadd.s32 $0x5700, s7;
	s28 =	sadd.s32 $0x1000, s28;
	[sflag:s24] =	ssyncadd.s32 $0xFFFFF800  }
0xec: {  	[tilespmem:s29], [sflag:$0x7] =	stream.indirect.gather [spmem:s5], $0x10, s6, s14, $0xb8;
	[tilespmem:$0x1DA00] =	vst v63  }
.LBB2_8:
0xed: {  	s6 =	simm.s32 $0x9  }
0xee: {  	_ =	swait.ge [sflag:s6], $0x800  }
0xef: {  	[sflag:s6] =	ssyncset.done $0x0  }
0xf0: {  	s11 =	simm.s32 $0xA;
	[sflag:s6] =	ssyncadd.s32 $0xFFFFF800  }
0xf1: {  	_ =	swait.ge [sflag:s11], $0x800  }
0xf2: {  	[sflag:s11] =	ssyncset.done $0x0  }
0xf3: {  	s17 =	simm.s32 $0xB;
	[sflag:s11] =	ssyncadd.s32 $0xFFFFF800  }
0xf4: {  	_ =	swait.ge [sflag:s17], $0x800  }
0xf5: {  	[sflag:s17] =	ssyncset.done $0x0  }
0xf6: {  	s19 =	simm.s32 $0xC;
	[sflag:s17] =	ssyncadd.s32 $0xFFFFF800  }
0xf7: {  	_ =	swait.ge [sflag:s19], $0x800  }
0xf8: {  	[sflag:s19] =	ssyncset.done $0x0  }
0xf9: {  	[sflag:s19] =	ssyncadd.s32 $0xFFFFF800  }
0xfa: {  	_ =	swait.ge [sflag:s21], $0x800  }
0xfb: {  	[sflag:s21] =	ssyncset.done $0x0  }
0xfc: {  	[sflag:s21] =	ssyncadd.s32 $0xFFFFF800  }
0xfd: {  	_ =	swait.ge [sflag:s23], $0x800  }
0xfe: {  	[sflag:s23] =	ssyncset.done $0x0  }
0xff: {  	[sflag:s23] =	ssyncadd.s32 $0xFFFFF800  }
0x100: {  	_ =	swait.ge [sflag:s24], $0x800  }
0x101: {  	[sflag:s24] =	ssyncset.done $0x0  }
0x102: {  	[sflag:s24] =	ssyncadd.s32 $0xFFFFF800  }
0x103: {  	_ =	swait.ge [sflag:s25], $0x800  }
0x104: {  	[sflag:s25] =	ssyncset.done $0x0  }
0x105: {  	[sflag:s25] =	ssyncadd.s32 $0xFFFFF800  }
0x106: {  	s28 =	simm.s32 $0x1A800;
	[bflag:$0x0] =	sbarrier.arrive $0xFFFF  }
0x107: {  	[tilespmem:s28], [sflag:$0x11] =	stream.linear.gather [spmem:s20], $0x2800, $0x38;
	[tilespmem:$0x1DA00] =	vst v63  }
0x108: {  	_ =	swait.ge [sflag:s12], $0x2800  }
0x109: {  	[sflag:s12] =	ssyncset.done $0x0  }
0x10a: {  	s7 =	simm.s32 $0x0;
	[sflag:s12] =	ssyncadd.s32 $0xFFFFD800  }
0x10b: {  	v2 =	vld [tilespmem:s7+$0x15800]  }
0x10c: {  	v0 =	vld [tilespmem:s7+$0x15810]  }
0x10d: {  	v3 =	vld [tilespmem:s7+$0x13000]  }
0x10e: {  	v1 =	vld [tilespmem:s7+$0x13010]  }
0x10f: {  	v6 =	vld [tilespmem:s7+$0x1A800]  }
0x110: {  	v7 =	vld [tilespmem:s7+$0x1A810]  }
0x111: {  	v5 =	vld [tilespmem:s7+$0x1A820]  }
0x112: {  	v4 =	vld [tilespmem:s7+$0x1A830]  }
0x113: {  	v10 =	vld [tilespmem:s7+$0x18000]  }
0x114: {  	v9 =	vld [tilespmem:s7+$0x18010]  }
0x115: {  	s6 =	simm.s32 $0x100;
	v8 =	vld [tilespmem:s7+$0x18020]  }
.LBB2_9:
0x116: {  	p0 =	sne.s32 s6, $0x9F00;
	v11 =	vld [tilespmem:s7+$0x18030]  }
0x117: {  	v12 =	vld [tilespmem:s7+$0x13020]  }
0x118: {  	v6 =	vadd.f32 v10, v6;
	v10 =	vld [tilespmem:s7+$0x13030]  }
0x119: {  	v7 =	vadd.f32 v9, v7;
	v9 =	vld [tilespmem:s7+$0x15820]  }
0x11a: {  	s8 =	sshra.s32 s6, $0x2;
	v3 =	vmul.f32 v6, v3;
	v5 =	vadd.f32 v8, v5;
	v8 =	vld [tilespmem:s7+$0x15830]  }
0x11b: {  	v13 =	vld [tilespmem:s8+$0x15800];
	v1 =	vmul.f32 v7, v1;
	v4 =	vadd.f32 v11, v4  }
0x11c: {  	v11 =	vld [tilespmem:s8+$0x15810];
	v2 =	vadd.f32 v3, v2;
	v5 =	vmul.f32 v5, v12  }
0x11d: {  	v3 =	vld [tilespmem:s8+$0x13000];
	v0 =	vadd.f32 v1, v0;
	v4 =	vmul.f32 v4, v10  }
0x11e: {  	v1 =	vld [tilespmem:s8+$0x13010];
	[tilespmem:s7+$0x18000] =	vst v2;
	v5 =	vadd.f32 v5, v9  }
0x11f: {  	v6 =	vld [tilespmem:s8+$0x1A800];
	[tilespmem:s7+$0x18010] =	vst v0;
	v4 =	vadd.f32 v4, v8  }
0x120: {  	v7 =	vld [tilespmem:s8+$0x1A810];
	[tilespmem:s7+$0x18020] =	vst v5;
	v2 =	vmov v13  }
.Ltmp4:
0x121: {  	v5 =	vld [tilespmem:s8+$0x1A820];
	[tilespmem:s7+$0x18030] =	vst v4;
	v0 =	vmov v11;
	s7 =	smov.u32 s8;
	(pc) =	sbr.rel @p0 .LBB2_9-.Ltmp4, $4  }
0x122: {  	v4 =	vld [tilespmem:s7+$0x1A830]  }
0x123: {  	v10 =	vld [tilespmem:s7+$0x18000]  }
0x124: {  	v9 =	vld [tilespmem:s7+$0x18010]  }
0x125: {  	s6 =	sadd.s32 $0x100, s6;
	v8 =	vld [tilespmem:s7+$0x18020]  }
0x126: {  	v11 =	vld [tilespmem:s7+$0x18030]  }
0x127: {  	v12 =	vld [tilespmem:s7+$0x13020]  }
0x128: {  	v57 =	vld [tilespmem:s7+$0x13030];
	v6 =	vadd.f32 v10, v6  }
0x129: {  	v58 =	vld [tilespmem:s7+$0x15820];
	v7 =	vadd.f32 v9, v7  }
0x12a: {  	v59 =	vld [tilespmem:s7+$0x15830];
	v3 =	vmul.f32 v6, v3;
	v5 =	vadd.f32 v8, v5  }
0x12b: {  	v1 =	vmul.f32 v7, v1;
	v4 =	vadd.f32 v11, v4  }
0x12c: {  	v2 =	vadd.f32 v3, v2;
	v60 =	vmul.f32 v5, v12  }
0x12d: {  	v0 =	vadd.f32 v1, v0;
	v61 =	vmul.f32 v4, v57  }
0x12e: {  	[tilespmem:s7+$0x18000] =	vst v2;
	v62 =	vadd.f32 v60, v58  }
0x12f: {  	[tilespmem:s7+$0x18010] =	vst v0;
	v63 =	vadd.f32 v61, v59  }
0x130: {  	[tilespmem:s7+$0x18020] =	vst v62  }
0x131: {  	[tilespmem:s7+$0x18030] =	vst v63  }
0x132: {  	[spmem:s20] =	stream.linear.scatter [tilespmem:s30], [sflag:$0x11], $0xA00, $0x38;
	[tilespmem:$0x1DA00] =	vst v63  }
0x133: {  	_ =	swait.ge [sflag:s12], $0xA00  }
0x134: {  	[sflag:s12] =	ssyncset.done $0x0  }
0x135: {  	s6 =	rddreg [dreg:$0x6];
	[sflag:s12] =	ssyncadd.s32 $0xFFFFF600  }
0x136: {  	[spmem:s6] =	stream.linear.scatter [tilespmem:s30], [sflag:$0x11], $0xA00, $0x38;
	[tilespmem:$0x1DA00] =	vst v63  }
0x137: {  	_ =	swait.ge [sflag:s12], $0xA00  }
0x138: {  	[sflag:s12] =	ssyncset.done $0x0  }
0x139: {  	s11 =	rddreg [dreg:$0x7];
	[sflag:s12] =	ssyncadd.s32 $0xFFFFF600  }
0x13a: {  	[spmem:s11] =	stream.linear.scatter [tilespmem:s30], [sflag:$0x11], $0xA00, $0x38;
	[tilespmem:$0x1DA00] =	vst v63  }
0x13b: {  	_ =	swait.ge [sflag:s12], $0xA00  }
0x13c: {  	[sflag:s12] =	ssyncset.done $0x0  }
0x13d: {  	s17 =	rddreg [dreg:$0x8];
	[sflag:s12] =	ssyncadd.s32 $0xFFFFF600  }
0x13e: {  	[spmem:s17] =	stream.linear.scatter [tilespmem:s30], [sflag:$0x11], $0xA00, $0x38;
	[tilespmem:$0x1DA00] =	vst v63  }
0x13f: {  	_ =	swait.ge [sflag:s12], $0xA00  }
0x140: {  	s28 =	simm.s32 $0x18000;
	s13 =	sadd.s32 $0x1, s13;
	[sflag:s12] =	ssyncset.done $0x0  }
0x141: {  	p0 =	sne.s32 s13, $0xA;
	s19 =	rddreg [dreg:$0x9];
	[sflag:s12] =	ssyncadd.s32 $0xFFFFF600  }
0x142: {  	[spmem:s19] =	stream.linear.scatter [tilespmem:s28], [sflag:$0x11], $0x2800, $0x38;
	[tilespmem:$0x1DA00] =	vst v63  }
.Ltmp5:
0x143: {  	_ =	swait.ge [sflag:s12], $0x2800;
	(pc) =	sbr.rel @p0 .LBB2_5-.Ltmp5, $3  }
0x144: {  	[sflag:s12] =	ssyncset.done $0x0  }
0x145: {  	[sflag:s12] =	ssyncadd.s32 $0xFFFFD800  }
0x146: {  	[bflag:$0x0] =	sbarrier.arrive $0xFFFF;
	_ =	sdelay $0x1  }
0x147: {  	s4 =	simm.s32 $0x0  }
0x148: {  	v0 =	vld [tilespmem:s4+$0x13000];
	_ =	sdelay $0x3  }
0x149: {  	s1 =	simm.s32 $0x10  }
0x14a: {  	(erf) = vrcp.f32 v0;
	v0 =	vld [tilespmem:s1+$0x13000]  }
0x14b: {  	s0 =	simm.s32 $0x20  }
0x14c: {  	v1 =	vld [tilespmem:s0+$0x13000];
	_ =	sdelay $0x2  }
0x14d: {  	(erf) = vrcp.f32 v0  }
0x14e: {  	s3 =	simm.s32 $0x30  }
0x14f: {  	v0 =	vld [tilespmem:s3+$0x13000];
	(erf) = vrcp.f32 v1;
	_ =	sdelay $0x1  }
0x150: {  	v1 =	vpop (erf)  }
0x151: {  	v1 =	vmul.f32 $8.999999760e-01, v1  }
0x152: {  	s2 =	simm.s32 $0x40;
	v4 =	vld [tilespmem:s4+$0x18000]  }
0x153: {  	(erf) = vrcp.f32 v0;
	v0 =	vld [tilespmem:s2+$0x13000];
	v2 =	vshrl.u32 v1, $0x1;
	v7 =	vmul.f32 $5.000000000e-01, v1  }
0x154: {  	v2 =	vsub.s32 $0x5F3759DF, v2  }
0x155: {  	v6 =	vld [tilespmem:s1+$0x18000];
	v3 =	vpop (erf);
	v5 =	vmul.f32 v2, v7  }
0x156: {  	v3 =	vmul.f32 $8.999999760e-01, v3  }
0x157: {  	v14 =	vmul.f32 v1, v4;
	v11 =	vpop (erf);
	v5 =	vmul.f32 v2, v5  }
0x158: {  	v9 =	vld [tilespmem:s0+$0x18000];
	(erf) = vrcp.f32 v0;
	v11 =	vmul.f32 $8.999999760e-01, v11;
	v8 =	vshrl.u32 v3, $0x1  }
0x159: {  	v10 =	vmul.f32 $5.000000000e-01, v3;
	v0 =	vsub.s32 $0x5F3759DF, v8;
	v1 =	vsub.f32 $1.500000000e+00, v5  }
0x15a: {  	s5 =	simm.s32 $0x50;
	v5 =	vmul.f32 v3, v6;
	v3 =	vshrl.u32 v11, $0x1;
	v8 =	vmul.f32 $5.000000000e-01, v11  }
0x15b: {  	v12 =	vld [tilespmem:s5+$0x13000];
	v4 =	vmul.f32 v0, v10;
	v13 =	vsub.s32 $0x5F3759DF, v3  }
0x15c: {  	v1 =	vmul.f32 v2, v1;
	v15 =	vmul.f32 v13, v8  }
0x15d: {  	v6 =	vld [tilespmem:s3+$0x18000];
	v2 =	vmul.f32 v0, v4;
	v3 =	vpop (erf);
	v4 =	vmul.f32 v11, v9  }
0x15e: {  	v16 =	vmul.f32 $8.999999760e-01, v3;
	v11 =	vmul.f32 v13, v15  }
0x15f: {  	s6 =	simm.s32 $0x60;
	v9 =	vmul.f32 v1, v7;
	v2 =	vsub.f32 $1.500000000e+00, v2  }
0x160: {  	(erf) = vrcp.f32 v12;
	v15 =	vld [tilespmem:s6+$0x13000];
	v3 =	vmul.f32 $5.000000000e-01, v16  }
0x161: {  	v12 =	vshrl.u32 v16, $0x1;
	v9 =	vmul.f32 v9, v1;
	v2 =	vmul.f32 v0, v2  }
0x162: {  	v17 =	vld [tilespmem:s2+$0x18000];
	v12 =	vsub.s32 $0x5F3759DF, v12;
	v0 =	vmul.f32 v16, v6;
	v6 =	vsub.f32 $1.500000000e+00, v11;
	v11 =	vpop (erf)  }
0x163: {  	v16 =	vmul.f32 v12, v3;
	v11 =	vmul.f32 $8.999999760e-01, v11  }
0x164: {  	v9 =	vsub.f32 $1.500000000e+00, v9;
	v18 =	vmul.f32 v2, v10;
	v13 =	vmul.f32 v13, v6  }
0x165: {  	(erf) = vrcp.f32 v15;
	v16 =	vmul.f32 v12, v16  }
0x166: {  	s7 =	simm.s32 $0x70;
	v9 =	vmul.f32 v9, v1;
	v6 =	vmul.f32 $5.000000000e-01, v11;
	v19 =	vshrl.u32 v11, $0x1  }
0x167: {  	v1 =	vmul.f32 v11, v17;
	v15 =	vmul.f32 v18, v2;
	v18 =	vld [tilespmem:s7+$0x13000];
	v11 =	vsub.f32 $1.500000000e+00, v16  }
0x168: {  	v20 =	vld [tilespmem:s5+$0x18000];
	v21 =	vsub.s32 $0x5F3759DF, v19;
	v7 =	vmul.f32 v9, v7  }
0x169: {  	v16 =	vmul.f32 v21, v6;
	v19 =	vpop (erf);
	v11 =	vmul.f32 v12, v11  }
0x16a: {  	v12 =	vsub.f32 $1.500000000e+00, v15;
	v23 =	vmul.f32 v7, v9;
	v22 =	vmul.f32 $8.999999760e-01, v19  }
0x16b: {  	v17 =	vmul.f32 v13, v8;
	v16 =	vmul.f32 v21, v16  }
0x16c: {  	v15 =	vmul.f32 v12, v2;
	(erf) = vrcp.f32 v18;
	v19 =	vshrl.u32 v22, $0x1  }
0x16d: {  	v18 =	vld [tilespmem:s6+$0x18000];
	v7 =	vmul.f32 $5.000000000e-01, v22;
	v2 =	vmul.f32 v22, v20;
	v12 =	vsub.f32 $1.500000000e+00, v16  }
0x16e: {  	s8 =	simm.s32 $0x80;
	v16 =	vmul.f32 v17, v13;
	v20 =	vsub.f32 $1.500000000e+00, v23;
	v23 =	vpop (erf);
	v10 =	vmul.f32 v15, v10  }
0x16f: {  	v22 =	vld [tilespmem:s8+$0x13000];
	v19 =	vsub.s32 $0x5F3759DF, v19;
	v12 =	vmul.f32 v21, v12;
	v21 =	vmul.f32 $8.999999760e-01, v23  }
0x170: {  	v17 =	vmul.f32 v19, v7;
	v16 =	vsub.f32 $1.500000000e+00, v16  }
0x171: {  	v23 =	vmul.f32 v20, v9;
	v20 =	vmul.f32 v10, v15;
	v10 =	vshrl.u32 v21, $0x1  }
0x172: {  	v13 =	vmul.f32 v16, v13;
	v16 =	vsub.s32 $0x5F3759DF, v10;
	v10 =	vmul.f32 v21, v18;
	v18 =	vld [tilespmem:s8+$0x18000]  }
0x173: {  	v24 =	vmul.f32 v11, v3;
	v25 =	vmul.f32 v19, v17  }
0x174: {  	v9 =	vmul.f32 $5.000000000e-01, v21;
	(erf) = vrcp.f32 v22  }
0x175: {  	s9 =	simm.s32 $0x240;
	v17 =	vld [tilespmem:s7+$0x18000];
	v14 =	vmul.f32 v23, v14;
	v21 =	vmul.f32 v24, v11;
	v22 =	vsub.f32 $1.500000000e+00, v25  }
.LBB2_12:
0x176: {  	s10 =	sshra.s32 s9, $0x2;
	p0 =	sne.s32 s9, $0x9FC0;
	s9 =	sadd.s32 $0x40, s9;
	v23 =	vmul.f32 v16, v9;
	v24 =	vmul.f32 v12, v6  }
0x177: {  	v20 =	vsub.f32 $1.500000000e+00, v20;
	[tilespmem:s4+$0x1A800] =	vst v14;
	v25 =	vmovc v18;
	v26 =	vmovc v1;
	v1 =	vmov v2;
	v2 =	vmov v10;
	s4 =	smov.u32 s1;
	s1 =	smov.u32 s0;
	s0 =	smov.u32 s3  }
0x178: {  	v28 =	vmul.f32 v13, v8;
	s3 =	smov.u32 s2;
	s2 =	smov.u32 s5;
	s5 =	smov.u32 s6;
	v27 =	vld [tilespmem:s10+$0x13000];
	v10 =	vpop (erf);
	v14 =	vmul.f32 v19, v22;
	v21 =	vsub.f32 $1.500000000e+00, v21  }
.Ltmp6:
0x179: {  	v8 =	vmovc v3;
	v3 =	vmovc v6;
	v6 =	vmov v7;
	s6 =	smov.u32 s7;
	s7 =	smov.u32 s8;
	v18 =	vld [tilespmem:s10+$0x18000];
	v10 =	vmul.f32 $8.999999760e-01, v10;
	v22 =	vmul.f32 v20, v15;
	(pc) =	sbr.rel @p0 .LBB2_12-.Ltmp6, $4  }
0x17a: {  	v7 =	vmovc v9;
	v19 =	vmovc v16;
	s8 =	smov.u32 s10;
	v23 =	vmul.f32 v16, v23;
	v20 =	vmul.f32 v28, v13;
	v15 =	vmov v13  }
0x17b: {  	v13 =	vmul.f32 v21, v11;
	v11 =	vmovc v12;
	v12 =	vmovc v14;
	v16 =	vshrl.u32 v10, $0x1;
	v9 =	vmul.f32 $5.000000000e-01, v10  }
0x17c: {  	v10 =	vmul.f32 v10, v17;
	v14 =	vmul.f32 v22, v5;
	v17 =	vmovc v25;
	v5 =	vmovc v4;
	v16 =	vsub.s32 $0x5F3759DF, v16  }
0x17d: {  	v22 =	vsub.f32 $1.500000000e+00, v23;
	v21 =	vmul.f32 v24, v11;
	v4 =	vmovc v0;
	v0 =	vmovc v26;
	(erf) = vrcp.f32 v27  }
0x17e: {  	_ =	sdelay $0x4  }
0x17f: {  	v23 =	vmul.f32 v16, v9;
	v24 =	vmul.f32 v12, v6;
	v20 =	vsub.f32 $1.500000000e+00, v20  }
0x180: {  	v25 =	vpop (erf);
	v8 =	vmul.f32 v13, v8;
	v19 =	vmul.f32 v19, v22  }
0x181: {  	v31 =	vmul.f32 $8.999999760e-01, v25;
	v15 =	vmul.f32 v20, v15  }
0x182: {  	v21 =	vsub.f32 $1.500000000e+00, v21;
	v32 =	vmul.f32 v16, v23;
	v8 =	vmul.f32 v8, v13;
	v33 =	vpop (erf)  }
0x183: {  	v24 =	vmul.f32 v24, v12;
	v23 =	vmul.f32 $8.999999760e-01, v33  }
0x184: {  	v25 =	vshrl.u32 v31, $0x1;
	v26 =	vmul.f32 $5.000000000e-01, v31;
	v11 =	vmul.f32 v21, v11  }
0x185: {  	v34 =	vsub.s32 $0x5F3759DF, v25;
	v35 =	vshrl.u32 v23, $0x1;
	v36 =	vmul.f32 $5.000000000e-01, v23  }
0x186: {  	v17 =	vmul.f32 v31, v17;
	v27 =	vmul.f32 v34, v26;
	v22 =	vsub.s32 $0x5F3759DF, v35  }
0x187: {  	v42 =	vmul.f32 v19, v7;
	v38 =	vmul.f32 v22, v36  }
0x188: {  	v5 =	vmul.f32 v15, v5;
	v37 =	vsub.f32 $1.500000000e+00, v32;
	v27 =	vmul.f32 v34, v27  }
0x189: {  	v8 =	vsub.f32 $1.500000000e+00, v8;
	v24 =	vsub.f32 $1.500000000e+00, v24;
	v39 =	vmul.f32 v22, v38  }
0x18a: {  	v20 =	vmul.f32 v42, v19;
	v3 =	vmul.f32 v11, v3;
	v41 =	vsub.f32 $1.500000000e+00, v27  }
0x18b: {  	v15 =	vmul.f32 v16, v37;
	v8 =	vmul.f32 v8, v13;
	v16 =	vsub.f32 $1.500000000e+00, v39  }
0x18c: {  	v40 =	vmul.f32 v24, v12;
	v43 =	vmul.f32 v34, v41  }
0x18d: {  	v44 =	vmul.f32 v15, v9;
	v16 =	vmul.f32 v22, v16  }
0x18e: {  	v3 =	vmul.f32 v3, v11;
	v21 =	vmul.f32 v43, v26  }
0x18f: {  	v13 =	vmul.f32 v44, v15;
	v22 =	vmul.f32 v16, v36  }
0x190: {  	v20 =	vsub.f32 $1.500000000e+00, v20;
	v45 =	vmul.f32 v40, v6;
	v21 =	vmul.f32 v21, v43  }
0x191: {  	v4 =	vmul.f32 v8, v4;
	v13 =	vsub.f32 $1.500000000e+00, v13;
	v22 =	vmul.f32 v22, v16  }
0x192: {  	v19 =	vmul.f32 v20, v19;
	v6 =	vmul.f32 v45, v40;
	v46 =	vsub.f32 $1.500000000e+00, v21  }
0x193: {  	v18 =	vmul.f32 v23, v18;
	v13 =	vmul.f32 v13, v15;
	v47 =	vsub.f32 $1.500000000e+00, v22  }
0x194: {  	v48 =	vmul.f32 v19, v7;
	v8 =	vmul.f32 v46, v43  }
0x195: {  	v49 =	vmul.f32 v13, v9;
	v15 =	vmul.f32 v47, v16  }
0x196: {  	v3 =	vsub.f32 $1.500000000e+00, v3;
	v7 =	vmul.f32 v48, v19;
	v50 =	vmul.f32 v8, v26  }
0x197: {  	v6 =	vsub.f32 $1.500000000e+00, v6;
	v9 =	vmul.f32 v49, v13;
	v51 =	vmul.f32 v15, v36  }
0x198: {  	v3 =	vmul.f32 v3, v11;
	v7 =	vsub.f32 $1.500000000e+00, v7;
	v52 =	vmul.f32 v50, v8  }
0x199: {  	[tilespmem:s4+$0x1A800] =	vst v14;
	v6 =	vmul.f32 v6, v40;
	v9 =	vsub.f32 $1.500000000e+00, v9;
	v53 =	vmul.f32 v51, v15  }
0x19a: {  	[tilespmem:s1+$0x1A800] =	vst v5;
	v0 =	vmul.f32 v3, v0;
	v54 =	vmul.f32 v7, v19;
	v55 =	vsub.f32 $1.500000000e+00, v52  }
0x19b: {  	[tilespmem:s0+$0x1A800] =	vst v4;
	v1 =	vmul.f32 v6, v1;
	v56 =	vmul.f32 v9, v13;
	v57 =	vsub.f32 $1.500000000e+00, v53  }
0x19c: {  	[tilespmem:s3+$0x1A800] =	vst v0;
	v58 =	vmul.f32 v54, v2;
	v59 =	vmul.f32 v55, v8  }
0x19d: {  	[tilespmem:s2+$0x1A800] =	vst v1;
	v60 =	vmul.f32 v56, v10;
	v61 =	vmul.f32 v57, v15  }
0x19e: {  	[tilespmem:s5+$0x1A800] =	vst v58;
	v62 =	vmul.f32 v59, v17  }
0x19f: {  	s25 =	rddreg [dreg:$0x4];
	[tilespmem:s6+$0x1A800] =	vst v60;
	v63 =	vmul.f32 v61, v18  }
0x1a0: {  	s26 =	rddreg [dreg:$0x5];
	s28 =	simm.s32 $0x0;
	[tilespmem:s7+$0x1A800] =	vst v62  }
0x1a1: {  	s29 =	simm.s32 $0x1A800;
	s30 =	simm.s32 $0x11;
	s0 =	sadd.s32 s26, s25;
	[tilespmem:s8+$0x1A800] =	vst v63  }
0x1a2: {  	[hbm4b:s0+s28] =	stream.linear.scatter [tilespmem:s29], [sflag:$0x11], $0x2800, $0x38;
	[tilespmem:$0x1DA00] =	vst v63  }
0x1a3: {  	_ =	swait.ge [sflag:s30], $0x2800  }
0x1a4: {  	[sflag:s30] =	ssyncset.done $0x0  }
0x1a5: {  	[sflag:s30] =	ssyncadd.s32 $0xFFFFD800  }
0x1a6: {  	_ =	sfence.sel $0x180000  }
0x1a7: {  	[bflag:$0x0] =	sbarrier.arrive $0xFFFF  }
0x1a8: {  	_ =	strace $0x9000004A  }
0x1a9: {  	s31 =	stileid.u32;
	[bflag:$0x2] =	sbarrier.arrive $0xFFFF  }
0x1aa: {  	p0 =	sne.s32 s31, $0x0;
	s0 =	rddreg [dreg:$0x3]  }
0x1ab: {  	s0 =	sadd.s32 @!p0 $0x100000, s0  }
0x1ac: {  	[sflag:s0] =	ssyncadd.tile.s32 @!p0 $0x1;
	_ =	shalt  }
.Lfunc_end2:
_tile_overlayer_lowered:
.L_overlay_start_2:
0x1ad: {  	(tag) =	ssettag $0x2  }
0x1ae: {  	s0 =	rddreg [dreg:$0x0];
	s2 =	stileid.u32  }
0x1af: {  	s1 =	rddreg [dreg:$0x1];
	p0 =	sne.s32 s2, $0x0  }
0x1b0: {  	s3 =	rddreg [dreg:$0x2];
	[bflag:$0x3] =	sbarrier.arrive $0xFFFF;
	s2 =	simm.s32 @!p0 $0x1C11  }
0x1b1: {  	[timem:s3], [sflag:s2] =	dma.local @!p0 [hbm:s0], s1  }
0x1b2: {  	s0 =	simm.s32 @!p0 $0x11  }
0x1b3: {  	_ =	swait.ge @!p0 [sflag:s0], s1  }
0x1b4: {  	s1 =	ssub.s32 @!p0 $0x0, s1;
	[sflag:s0] =	ssyncset.done @!p0 $0x0  }
0x1b5: {  	[sflag:s0] =	ssyncadd.s32 @!p0 s1  }
0x1b6: {  	[bflag:$0x3] =	sbarrier.arrive $0xFFFF  }
0x1b7: {  	_ =	shalt  }

</sc_bundles>
